<compile_context>
chip_gen: v7x
topology: tpu7x:2x2x1
jax: 0.10.2.dev20260603
libtpu: 0.0.44.dev20260713+nightly
codegen_flags: <defaults>
</compile_context>

<pallas_src>
import functools

import jax
import jax.numpy as jnp
from jax import lax
from jax.experimental import pallas as pl
from jax.experimental.pallas import tpu as pltpu
from jax.experimental.pallas import tpu_sc as plsc

C = 64
TSCALE = 0.005

B, L = 1024, 200
N = B * L
VROWS = 1024
NTBL = 4

_NC = 2
_NS = 16
_NW = _NC * _NS
_T = 128
_TOKW = N // _NW
_CHUNKS = _TOKW // _T


def _ln_rows(x, g, b, eps=1e-5):
    m = jnp.mean(x, axis=-1, keepdims=True)
    v = jnp.mean((x - m) ** 2, axis=-1, keepdims=True)
    return (x - m) / jnp.sqrt(v + eps) * g + b



def _table_norm_body(tbl_ref, g_ref, b_ref, out_ref):
    p = pl.program_id(0)
    x = tbl_ref[0]
    ln = _ln_rows(x, g_ref[0], b_ref[0])
    keep = (p == NTBL - 1).astype(jnp.float32)
    out_ref[0] = x * keep + ln * (1.0 - keep)


def _normalize_tables(stacked, gs, bs):
    return pl.pallas_call(
        _table_norm_body,
        grid=(NTBL,),
        in_specs=[
            pl.BlockSpec((1, VROWS, C), lambda p: (p, 0, 0)),
            pl.BlockSpec((1, 1, C), lambda p: (p, 0, 0)),
            pl.BlockSpec((1, 1, C), lambda p: (p, 0, 0)),
        ],
        out_specs=pl.BlockSpec((1, VROWS, C), lambda p: (p, 0, 0)),
        out_shape=jax.ShapeDtypeStruct((NTBL, VROWS, C), jnp.float32),
    )(stacked, gs.reshape(NTBL, 1, C), bs.reshape(NTBL, 1, C))



def _sc_gather_sum_body(tbl_hbm, sidx_hbm, cidx_hbm, iidx_hbm, tidx_hbm,
                        out_hbm, tbl_sh, idx0, idx1, rows0, rows1,
                        si0, si1, sg0, sg1, so0, so1):
    wid = lax.axis_index("s") * _NC + lax.axis_index("c")
    sid = lax.axis_index("s")

    @pl.when(sid == 0)
    def _():
        pltpu.sync_copy(tbl_hbm, tbl_sh)
    plsc.subcore_barrier()

    idx_hbms = (sidx_hbm, cidx_hbm, iidx_hbm, tidx_hbm)

    def fire_idx(base, idx_v, sem):
        return [pltpu.async_copy(h.at[pl.ds(base, _T)], idx_v.at[r], sem)
                for r, h in enumerate(idx_hbms)]

    def offset_idx(idx_v):
        for r in range(1, NTBL):
            for g in range(_T // 16):
                sl = pl.ds(g * 16, 16)
                idx_v[r, sl] = idx_v[r, sl] + (r * VROWS)

    def fire_gather(idx_v, rows_v, sem):
        return [pltpu.async_copy(tbl_sh.at[idx_v.at[r]],
                                 rows_v.at[pl.ds(r * _T, _T)], sem)
                for r in range(NTBL)]

    def sum_rows(rv):
        def tok(tk, c2):
            for g in range(C // 16):
                sl = pl.ds(g * 16, 16)
                s0 = rv[tk, sl] + rv[tk + _T, sl]
                s1 = rv[tk + 2 * _T, sl] + rv[tk + 3 * _T, sl]
                rv[tk, sl] = s0 + s1
            return c2

        lax.fori_loop(0, _T, tok, 0, unroll=2)

    def outer(g2, carry):
        base0 = wid * _TOKW + (2 * g2) * _T
        base1 = base0 + _T
        hi0 = fire_idx(base0, idx0, si0)
        hi1 = fire_idx(base1, idx1, si1)
        for h in hi0:
            h.wait()
        offset_idx(idx0)
        hg0 = fire_gather(idx0, rows0, sg0)
        for h in hi1:
            h.wait()
        offset_idx(idx1)
        hg1 = fire_gather(idx1, rows1, sg1)
        for h in hg0:
            h.wait()
        sum_rows(rows0)
        ho0 = pltpu.async_copy(rows0.at[pl.ds(0, _T)],
                               out_hbm.at[pl.ds(base0, _T)], so0)
        for h in hg1:
            h.wait()
        sum_rows(rows1)
        ho1 = pltpu.async_copy(rows1.at[pl.ds(0, _T)],
                               out_hbm.at[pl.ds(base1, _T)], so1)
        ho0.wait()
        ho1.wait()
        return carry

    lax.fori_loop(0, _CHUNKS // 2, outer, 0)


def _sc_gather_sum(tbl, sidx, cidx, iidx, tidx):
    mesh = plsc.VectorSubcoreMesh(core_axis_name="c", subcore_axis_name="s")
    run = functools.partial(
        pl.kernel,
        mesh=mesh,
        compiler_params=pltpu.CompilerParams(use_tc_tiling_on_sc=False),
        out_type=jax.ShapeDtypeStruct((N, C), jnp.float32),
        scratch_types=[
            pltpu.VMEM_SHARED((NTBL * VROWS, C), jnp.float32),
            pltpu.VMEM((NTBL, _T), jnp.int32),
            pltpu.VMEM((NTBL, _T), jnp.int32),
            pltpu.VMEM((NTBL * _T, C), jnp.float32),
            pltpu.VMEM((NTBL * _T, C), jnp.float32),
            pltpu.SemaphoreType.DMA,
            pltpu.SemaphoreType.DMA,
            pltpu.SemaphoreType.DMA,
            pltpu.SemaphoreType.DMA,
            pltpu.SemaphoreType.DMA,
            pltpu.SemaphoreType.DMA,
        ],
    )(_sc_gather_sum_body)
    return run(tbl, sidx, cidx, iidx, tidx)



_R = 512


def _combine_body(esum_ref, pose_ref, w_ref, bp_ref, peg_ref, peb_ref,
                  gp_ref, bpn_ref, gs_ref, bs_ref, out_ref):
    px = pose_ref[...]
    h = jnp.dot(px, w_ref[...], preferred_element_type=jnp.float32) + bp_ref[0]
    h = _ln_rows(h, peg_ref[0], peb_ref[0])
    h = _ln_rows(h, gp_ref[0], bpn_ref[0])
    x = esum_ref[...] + h
    out_ref[...] = _ln_rows(x, gs_ref[0], bs_ref[0])


def _combine(esum, pose16, w16, b_pose, pe_g, pe_b, g_p, b_p, g_sum, b_sum):
    vec = lambda: pl.BlockSpec((1, C), lambda i: (0, 0))
    return pl.pallas_call(
        _combine_body,
        grid=(N // _R,),
        in_specs=[
            pl.BlockSpec((_R, C), lambda i: (i, 0)),
            pl.BlockSpec((_R, 16), lambda i: (i, 0)),
            pl.BlockSpec((16, C), lambda i: (0, 0)),
            vec(), vec(), vec(), vec(), vec(), vec(), vec(),
        ],
        out_specs=pl.BlockSpec((_R, C), lambda i: (i, 0)),
        out_shape=jax.ShapeDtypeStruct((N, C), jnp.float32),
    )(esum, pose16, w16, b_pose.reshape(1, C), pe_g.reshape(1, C),
      pe_b.reshape(1, C), g_p.reshape(1, C), b_p.reshape(1, C),
      g_sum.reshape(1, C), b_sum.reshape(1, C))



def kernel(shape, color, pose, instance_id, t, pad,
           shape_table, color_table, instance_table, temporal_table,
           W_pose, b_pose, pe_g, pe_b,
           g_s, b_s, g_c, b_c, g_p, b_p, g_i, b_i, g_sum, b_sum):
    f32 = jnp.float32
    pad_rows = lambda tb: jnp.pad(tb, ((0, VROWS - tb.shape[0]), (0, 0)))
    stacked = jnp.stack([
        pad_rows(shape_table.astype(f32)),
        pad_rows(color_table.astype(f32)),
        pad_rows(instance_table.astype(f32)),
        temporal_table.astype(f32),
    ])
    gs = jnp.stack([g_s, g_c, g_i, jnp.ones_like(g_s)]).astype(f32)
    bs = jnp.stack([b_s, b_c, b_i, jnp.zeros_like(b_s)]).astype(f32)
    tbl = _normalize_tables(stacked, gs, bs).reshape(NTBL * VROWS, C)

    i32 = jnp.int32
    sidx = shape.reshape(N).astype(i32)
    cidx = color.reshape(N).astype(i32)
    iidx = instance_id.reshape(N).astype(i32)
    tidx = t.reshape(N).astype(i32)
    esum = _sc_gather_sum(tbl, sidx, cidx, iidx, tidx)

    scale12 = jnp.tile(jnp.array([1.0, 1.0, 1.0, TSCALE], dtype=f32), 3)
    w16 = jnp.concatenate(
        [W_pose.astype(f32) * scale12[:, None], jnp.zeros((4, C), dtype=f32)])
    pose16 = pose.astype(f32).reshape(N, 16)

    x = _combine(esum, pose16, w16, b_pose, pe_g, pe_b, g_p, b_p,
                 g_sum, b_sum).reshape(B, L, C)
    return (x, t, pad)

# --- scband reference (transcript-rebuilt; emitter-appended) ---
"""Pipeline reference for scband-assembly-embedding-36163624632522 (READ-ONLY COPY).

The authoritative reference and input builder live on the scoring server;
editing this copy changes nothing except your own understanding.
"""

import jax, jax.numpy as jnp
import numpy as np

C = 64
TRANSLATION_SCALE = 0.005


def _ln(x, g, b, eps=1e-5):
    m = jnp.mean(x, axis=-1, keepdims=True)
    v = jnp.mean((x - m) ** 2, axis=-1, keepdims=True)
    return (x - m) / jnp.sqrt(v + eps) * g + b


def setup_inputs(seed: int = 0):
    key = jax.random.key(seed)
    ks = jax.random.split(key, 12)
    B, L = 1024, 200
    inp = {}
    inp['shape'] = jax.random.randint(ks[0], (B, L), 0, 1000, dtype=jnp.int64 if jax.config.jax_enable_x64 else jnp.int32)
    inp['color'] = jax.random.randint(ks[1], (B, L), 0, 1000)
    inp['pose'] = jax.random.normal(ks[2], (B, L, 4, 4), dtype=jnp.float32)
    inp['instance_id'] = jax.random.randint(ks[3], (B, L), 0, 201)
    inp['t'] = jax.random.randint(ks[4], (B, L), 0, 1024)
    inp['pad'] = jax.random.randint(ks[5], (B,), 0, 200)
    inp['shape_table'] = jax.random.normal(ks[6], (1000, C), dtype=jnp.float32) * 0.02
    inp['color_table'] = jax.random.normal(ks[7], (1000, C), dtype=jnp.float32) * 0.02
    inp['instance_table'] = jax.random.normal(ks[8], (201, C), dtype=jnp.float32) * 0.02
    inp['temporal_table'] = jax.random.normal(ks[9], (1024, C), dtype=jnp.float32) * 0.02
    inp['W_pose'] = jax.random.normal(ks[10], (12, C), dtype=jnp.float32) * (1.0 / np.sqrt(12.0))
    inp['b_pose'] = jnp.zeros((C,), dtype=jnp.float32)
    for nm in ['pe_g', 'g_s', 'g_c', 'g_p', 'g_i', 'g_sum']:
        inp[nm] = jnp.ones((C,), dtype=jnp.float32)
    for nm in ['pe_b', 'b_s', 'b_c', 'b_p', 'b_i', 'b_sum']:
        inp[nm] = jnp.zeros((C,), dtype=jnp.float32)
    return inp


def reference(shape, color, pose, instance_id, t, pad,
              shape_table, color_table, instance_table, temporal_table,
              W_pose, b_pose, pe_g, pe_b,
              g_s, b_s, g_c, b_c, g_p, b_p, g_i, b_i, g_sum, b_sum):
    # shape embedding + norm
    se = _ln(jnp.take(shape_table, shape, axis=0), g_s, b_s)
    # color embedding + norm
    ce = _ln(jnp.take(color_table, color, axis=0), g_c, b_c)
    # pose embedding: take top 3 rows of 4x4, scale translation column, linear + inner LN
    scale = jnp.array([1.0, 1.0, 1.0, TRANSLATION_SCALE], dtype=pose.dtype)
    px = pose[..., :3, :] * scale
    px = px.reshape(px.shape[:-2] + (12,))
    pe = _ln(px @ W_pose + b_pose, pe_g, pe_b)
    pe = _ln(pe, g_p, b_p)
    # instance id embedding + norm
    ie = _ln(jnp.take(instance_table, instance_id, axis=0), g_i, b_i)
    # temporal embedding (plain Embedding, no norm)
    te = jnp.take(temporal_table, t, axis=0)
    x = _ln(se + ce + pe + ie + te, g_sum, b_sum)
    return (x, t, pad)

if __name__ == "__main__":
    import jax
    _d = setup_inputs()
    print(jax.jit(kernel)(*tuple(_d.values())))

</pallas_src>

<mosaic_0001>
#map = affine_map<(d0, d1) -> (0, 0)>
#map1 = affine_map<(d0, d1) -> (0)>
module attributes {stable_mosaic.version = 14 : i64} {
  func.func @_sc_gather_sum_body(%arg0: i32, %arg1: i32, %arg2: memref<4096x64xf32, #tpu.memory_space<hbm>>, %arg3: memref<204800xi32, #tpu.memory_space<hbm>>, %arg4: memref<204800xi32, #tpu.memory_space<hbm>>, %arg5: memref<204800xi32, #tpu.memory_space<hbm>>, %arg6: memref<204800xi32, #tpu.memory_space<hbm>>, %arg7: memref<204800x64xf32, #tpu.memory_space<hbm>>, %arg8: memref<4096x64xf32, #tpu.memory_space<vmem_shared>>, %arg9: memref<4x128xi32, #tpu.memory_space<vmem>>, %arg10: memref<4x128xi32, #tpu.memory_space<vmem>>, %arg11: memref<512x64xf32, #tpu.memory_space<vmem>>, %arg12: memref<512x64xf32, #tpu.memory_space<vmem>>, %arg13: memref<!tpu.dma_semaphore, #tpu.memory_space<semaphore_mem>>, %arg14: memref<!tpu.dma_semaphore, #tpu.memory_space<semaphore_mem>>, %arg15: memref<!tpu.dma_semaphore, #tpu.memory_space<semaphore_mem>>, %arg16: memref<!tpu.dma_semaphore, #tpu.memory_space<semaphore_mem>>, %arg17: memref<!tpu.dma_semaphore, #tpu.memory_space<semaphore_mem>>, %arg18: memref<!tpu.dma_semaphore, #tpu.memory_space<semaphore_mem>>) attributes {dimension_semantics = [#tpu.dimension_semantics<core_parallel>, #tpu.dimension_semantics<subcore_parallel>], iteration_bounds = array<i64: 2, 16>, scalar_prefetch = 0 : i64, scratch_operands = 11 : i64, tpu.core_type = #tpu.core_type<sc_vector_subcore>, window_params = [{transform_indices = #map}, {transform_indices = #map1}, {transform_indices = #map1}, {transform_indices = #map1}, {transform_indices = #map1}, {transform_indices = #map}]} {
    %mul3A = arith.constant 2 : i32
    %mul3A_0 = arith.muli %arg1, %mul3A : i32
    %add3A = arith.addi %mul3A_0, %arg0 : i32
    %eq3A = arith.constant 0 : i32
    %eq3A_1 = arith.cmpi eq, %arg1, %eq3A : i32
    %convert_element_type3A = arith.extui %eq3A_1 : i1 to i32
    %cond3A = arith.constant 0 : i32
    %cond3A_2 = arith.cmpi ne, %convert_element_type3A, %cond3A : i32
    scf.if %cond3A_2 {
      "tpu.region"() ({
        %run_scoped3A = tpu.sem_alloc : memref<!tpu.dma_semaphore, #tpu.memory_space<semaphore_mem>>
        tpu.enqueue_dma source(%arg2 : memref<4096x64xf32, #tpu.memory_space<hbm>>) target(%arg8 : memref<4096x64xf32, #tpu.memory_space<vmem_shared>>) target_semaphore(%run_scoped3A : memref<!tpu.dma_semaphore, #tpu.memory_space<semaphore_mem>>)
        tpu.wait_dma2 semaphore(%run_scoped3A : memref<!tpu.dma_semaphore, #tpu.memory_space<semaphore_mem>>) src(%arg2 : memref<4096x64xf32, #tpu.memory_space<hbm>>) dst(%arg8 : memref<4096x64xf32, #tpu.memory_space<vmem_shared>>)
        tpu.yield
      }) : () -> ()
    } else {
    }
    %barrier3A = arith.constant 0 : index
    tpu.barrier barrier_id(%barrier3A)
    %scan3A = arith.constant 0 : i32
    %scan3A_3 = arith.constant 0 : i32
    %scan3A_4 = arith.constant 25 : i32
    %scan3A_5 = arith.addi %scan3A_3, %scan3A_4 : i32
    %scan3A_6 = arith.constant 1 : i32
    scf.for %scan3A_8 = %scan3A_3 to %scan3A_5 step %scan3A_6  : i32 {
      %mul3A_9 = arith.constant 6400 : i32
      %mul3A_10 = arith.muli %add3A, %mul3A_9 : i32
      %mul3A_11 = arith.constant 2 : i32
      %mul3A_12 = arith.muli %mul3A_11, %scan3A_8 : i32
      %mul3A_13 = arith.constant 128 : i32
      %mul3A_14 = arith.muli %mul3A_12, %mul3A_13 : i32
      %add3A_15 = arith.addi %mul3A_10, %mul3A_14 : i32
      %add3A_16 = arith.constant 128 : i32
      %add3A_17 = arith.addi %add3A_15, %add3A_16 : i32
      %dma_start3A = arith.constant 0 : i32
      %dma_start3A_18 = arith.constant 0 : i32
      %dma_start3A_19 = tpu.memref_slice %arg9[%dma_start3A, %dma_start3A_18] : memref<4x128xi32, #tpu.memory_space<vmem>> -> memref<1x128xi32, #tpu.memory_space<vmem>>
      %dma_start3A_20 = tpu.memref_squeeze %dma_start3A_19 : memref<1x128xi32, #tpu.memory_space<vmem>> -> memref<128xi32, #tpu.memory_space<vmem>>
      %dma_start3A_21 = tpu.memref_slice %arg3[%add3A_15] : memref<204800xi32, #tpu.memory_space<hbm>> -> memref<128xi32, #tpu.memory_space<hbm>>
      %dma_start3A_22 = arith.constant 0 : i32
      %dma_start3A_23 = tpu.memref_slice %arg9[%dma_start3A, %dma_start3A_22] : memref<4x128xi32, #tpu.memory_space<vmem>> -> memref<1x128xi32, #tpu.memory_space<vmem>>
      %dma_start3A_24 = tpu.memref_squeeze %dma_start3A_23 : memref<1x128xi32, #tpu.memory_space<vmem>> -> memref<128xi32, #tpu.memory_space<vmem>>
      %dma_start3A_25 = tpu.memref_slice %arg3[%add3A_15] : memref<204800xi32, #tpu.memory_space<hbm>> -> memref<128xi32, #tpu.memory_space<hbm>>
      tpu.enqueue_dma source(%dma_start3A_25 : memref<128xi32, #tpu.memory_space<hbm>>) target(%dma_start3A_24 : memref<128xi32, #tpu.memory_space<vmem>>) target_semaphore(%arg13 : memref<!tpu.dma_semaphore, #tpu.memory_space<semaphore_mem>>)
      %dma_start3A_26 = arith.constant 1 : i32
      %dma_start3A_27 = arith.constant 0 : i32
      %dma_start3A_28 = tpu.memref_slice %arg9[%dma_start3A_26, %dma_start3A_27] : memref<4x128xi32, #tpu.memory_space<vmem>> -> memref<1x128xi32, #tpu.memory_space<vmem>>
      %dma_start3A_29 = tpu.memref_squeeze %dma_start3A_28 : memref<1x128xi32, #tpu.memory_space<vmem>> -> memref<128xi32, #tpu.memory_space<vmem>>
      %dma_start3A_30 = tpu.memref_slice %arg4[%add3A_15] : memref<204800xi32, #tpu.memory_space<hbm>> -> memref<128xi32, #tpu.memory_space<hbm>>
      %dma_start3A_31 = arith.constant 0 : i32
      %dma_start3A_32 = tpu.memref_slice %arg9[%dma_start3A_26, %dma_start3A_31] : memref<4x128xi32, #tpu.memory_space<vmem>> -> memref<1x128xi32, #tpu.memory_space<vmem>>
      %dma_start3A_33 = tpu.memref_squeeze %dma_start3A_32 : memref<1x128xi32, #tpu.memory_space<vmem>> -> memref<128xi32, #tpu.memory_space<vmem>>
      %dma_start3A_34 = tpu.memref_slice %arg4[%add3A_15] : memref<204800xi32, #tpu.memory_space<hbm>> -> memref<128xi32, #tpu.memory_space<hbm>>
      tpu.enqueue_dma source(%dma_start3A_34 : memref<128xi32, #tpu.memory_space<hbm>>) target(%dma_start3A_33 : memref<128xi32, #tpu.memory_space<vmem>>) target_semaphore(%arg13 : memref<!tpu.dma_semaphore, #tpu.memory_space<semaphore_mem>>)
      %dma_start3A_35 = arith.constant 2 : i32
      %dma_start3A_36 = arith.constant 0 : i32
      %dma_start3A_37 = tpu.memref_slice %arg9[%dma_start3A_35, %dma_start3A_36] : memref<4x128xi32, #tpu.memory_space<vmem>> -> memref<1x128xi32, #tpu.memory_space<vmem>>
      %dma_start3A_38 = tpu.memref_squeeze %dma_start3A_37 : memref<1x128xi32, #tpu.memory_space<vmem>> -> memref<128xi32, #tpu.memory_space<vmem>>
      %dma_start3A_39 = tpu.memref_slice %arg5[%add3A_15] : memref<204800xi32, #tpu.memory_space<hbm>> -> memref<128xi32, #tpu.memory_space<hbm>>
      %dma_start3A_40 = arith.constant 0 : i32
      %dma_start3A_41 = tpu.memref_slice %arg9[%dma_start3A_35, %dma_start3A_40] : memref<4x128xi32, #tpu.memory_space<vmem>> -> memref<1x128xi32, #tpu.memory_space<vmem>>
      %dma_start3A_42 = tpu.memref_squeeze %dma_start3A_41 : memref<1x128xi32, #tpu.memory_space<vmem>> -> memref<128xi32, #tpu.memory_space<vmem>>
      %dma_start3A_43 = tpu.memref_slice %arg5[%add3A_15] : memref<204800xi32, #tpu.memory_space<hbm>> -> memref<128xi32, #tpu.memory_space<hbm>>
      tpu.enqueue_dma source(%dma_start3A_43 : memref<128xi32, #tpu.memory_space<hbm>>) target(%dma_start3A_42 : memref<128xi32, #tpu.memory_space<vmem>>) target_semaphore(%arg13 : memref<!tpu.dma_semaphore, #tpu.memory_space<semaphore_mem>>)
      %dma_start3A_44 = arith.constant 3 : i32
      %dma_start3A_45 = arith.constant 0 : i32
      %dma_start3A_46 = tpu.memref_slice %arg9[%dma_start3A_44, %dma_start3A_45] : memref<4x128xi32, #tpu.memory_space<vmem>> -> memref<1x128xi32, #tpu.memory_space<vmem>>
      %dma_start3A_47 = tpu.memref_squeeze %dma_start3A_46 : memref<1x128xi32, #tpu.memory_space<vmem>> -> memref<128xi32, #tpu.memory_space<vmem>>
      %dma_start3A_48 = tpu.memref_slice %arg6[%add3A_15] : memref<204800xi32, #tpu.memory_space<hbm>> -> memref<128xi32, #tpu.memory_space<hbm>>
      %dma_start3A_49 = arith.constant 0 : i32
      %dma_start3A_50 = tpu.memref_slice %arg9[%dma_start3A_44, %dma_start3A_49] : memref<4x128xi32, #tpu.memory_space<vmem>> -> memref<1x128xi32, #tpu.memory_space<vmem>>
      %dma_start3A_51 = tpu.memref_squeeze %dma_start3A_50 : memref<1x128xi32, #tpu.memory_space<vmem>> -> memref<128xi32, #tpu.memory_space<vmem>>
      %dma_start3A_52 = tpu.memref_slice %arg6[%add3A_15] : memref<204800xi32, #tpu.memory_space<hbm>> -> memref<128xi32, #tpu.memory_space<hbm>>
      tpu.enqueue_dma source(%dma_start3A_52 : memref<128xi32, #tpu.memory_space<hbm>>) target(%dma_start3A_51 : memref<128xi32, #tpu.memory_space<vmem>>) target_semaphore(%arg13 : memref<!tpu.dma_semaphore, #tpu.memory_space<semaphore_mem>>)
      %dma_start3A_53 = arith.constant 0 : i32
      %dma_start3A_54 = arith.constant 0 : i32
      %dma_start3A_55 = tpu.memref_slice %arg10[%dma_start3A_53, %dma_start3A_54] : memref<4x128xi32, #tpu.memory_space<vmem>> -> memref<1x128xi32, #tpu.memory_space<vmem>>
      %dma_start3A_56 = tpu.memref_squeeze %dma_start3A_55 : memref<1x128xi32, #tpu.memory_space<vmem>> -> memref<128xi32, #tpu.memory_space<vmem>>
      %dma_start3A_57 = tpu.memref_slice %arg3[%add3A_17] : memref<204800xi32, #tpu.memory_space<hbm>> -> memref<128xi32, #tpu.memory_space<hbm>>
      %dma_start3A_58 = arith.constant 0 : i32
      %dma_start3A_59 = tpu.memref_slice %arg10[%dma_start3A_53, %dma_start3A_58] : memref<4x128xi32, #tpu.memory_space<vmem>> -> memref<1x128xi32, #tpu.memory_space<vmem>>
      %dma_start3A_60 = tpu.memref_squeeze %dma_start3A_59 : memref<1x128xi32, #tpu.memory_space<vmem>> -> memref<128xi32, #tpu.memory_space<vmem>>
      %dma_start3A_61 = tpu.memref_slice %arg3[%add3A_17] : memref<204800xi32, #tpu.memory_space<hbm>> -> memref<128xi32, #tpu.memory_space<hbm>>
      tpu.enqueue_dma source(%dma_start3A_61 : memref<128xi32, #tpu.memory_space<hbm>>) target(%dma_start3A_60 : memref<128xi32, #tpu.memory_space<vmem>>) target_semaphore(%arg14 : memref<!tpu.dma_semaphore, #tpu.memory_space<semaphore_mem>>)
      %dma_start3A_62 = arith.constant 1 : i32
      %dma_start3A_63 = arith.constant 0 : i32
      %dma_start3A_64 = tpu.memref_slice %arg10[%dma_start3A_62, %dma_start3A_63] : memref<4x128xi32, #tpu.memory_space<vmem>> -> memref<1x128xi32, #tpu.memory_space<vmem>>
      %dma_start3A_65 = tpu.memref_squeeze %dma_start3A_64 : memref<1x128xi32, #tpu.memory_space<vmem>> -> memref<128xi32, #tpu.memory_space<vmem>>
      %dma_start3A_66 = tpu.memref_slice %arg4[%add3A_17] : memref<204800xi32, #tpu.memory_space<hbm>> -> memref<128xi32, #tpu.memory_space<hbm>>
      %dma_start3A_67 = arith.constant 0 : i32
      %dma_start3A_68 = tpu.memref_slice %arg10[%dma_start3A_62, %dma_start3A_67] : memref<4x128xi32, #tpu.memory_space<vmem>> -> memref<1x128xi32, #tpu.memory_space<vmem>>
      %dma_start3A_69 = tpu.memref_squeeze %dma_start3A_68 : memref<1x128xi32, #tpu.memory_space<vmem>> -> memref<128xi32, #tpu.memory_space<vmem>>
      %dma_start3A_70 = tpu.memref_slice %arg4[%add3A_17] : memref<204800xi32, #tpu.memory_space<hbm>> -> memref<128xi32, #tpu.memory_space<hbm>>
      tpu.enqueue_dma source(%dma_start3A_70 : memref<128xi32, #tpu.memory_space<hbm>>) target(%dma_start3A_69 : memref<128xi32, #tpu.memory_space<vmem>>) target_semaphore(%arg14 : memref<!tpu.dma_semaphore, #tpu.memory_space<semaphore_mem>>)
      %dma_start3A_71 = arith.constant 2 : i32
      %dma_start3A_72 = arith.constant 0 : i32
      %dma_start3A_73 = tpu.memref_slice %arg10[%dma_start3A_71, %dma_start3A_72] : memref<4x128xi32, #tpu.memory_space<vmem>> -> memref<1x128xi32, #tpu.memory_space<vmem>>
      %dma_start3A_74 = tpu.memref_squeeze %dma_start3A_73 : memref<1x128xi32, #tpu.memory_space<vmem>> -> memref<128xi32, #tpu.memory_space<vmem>>
      %dma_start3A_75 = tpu.memref_slice %arg5[%add3A_17] : memref<204800xi32, #tpu.memory_space<hbm>> -> memref<128xi32, #tpu.memory_space<hbm>>
      %dma_start3A_76 = arith.constant 0 : i32
      %dma_start3A_77 = tpu.memref_slice %arg10[%dma_start3A_71, %dma_start3A_76] : memref<4x128xi32, #tpu.memory_space<vmem>> -> memref<1x128xi32, #tpu.memory_space<vmem>>
      %dma_start3A_78 = tpu.memref_squeeze %dma_start3A_77 : memref<1x128xi32, #tpu.memory_space<vmem>> -> memref<128xi32, #tpu.memory_space<vmem>>
      %dma_start3A_79 = tpu.memref_slice %arg5[%add3A_17] : memref<204800xi32, #tpu.memory_space<hbm>> -> memref<128xi32, #tpu.memory_space<hbm>>
      tpu.enqueue_dma source(%dma_start3A_79 : memref<128xi32, #tpu.memory_space<hbm>>) target(%dma_start3A_78 : memref<128xi32, #tpu.memory_space<vmem>>) target_semaphore(%arg14 : memref<!tpu.dma_semaphore, #tpu.memory_space<semaphore_mem>>)
      %dma_start3A_80 = arith.constant 3 : i32
      %dma_start3A_81 = arith.constant 0 : i32
      %dma_start3A_82 = tpu.memref_slice %arg10[%dma_start3A_80, %dma_start3A_81] : memref<4x128xi32, #tpu.memory_space<vmem>> -> memref<1x128xi32, #tpu.memory_space<vmem>>
      %dma_start3A_83 = tpu.memref_squeeze %dma_start3A_82 : memref<1x128xi32, #tpu.memory_space<vmem>> -> memref<128xi32, #tpu.memory_space<vmem>>
      %dma_start3A_84 = tpu.memref_slice %arg6[%add3A_17] : memref<204800xi32, #tpu.memory_space<hbm>> -> memref<128xi32, #tpu.memory_space<hbm>>
      %dma_start3A_85 = arith.constant 0 : i32
      %dma_start3A_86 = tpu.memref_slice %arg10[%dma_start3A_80, %dma_start3A_85] : memref<4x128xi32, #tpu.memory_space<vmem>> -> memref<1x128xi32, #tpu.memory_space<vmem>>
      %dma_start3A_87 = tpu.memref_squeeze %dma_start3A_86 : memref<1x128xi32, #tpu.memory_space<vmem>> -> memref<128xi32, #tpu.memory_space<vmem>>
      %dma_start3A_88 = tpu.memref_slice %arg6[%add3A_17] : memref<204800xi32, #tpu.memory_space<hbm>> -> memref<128xi32, #tpu.memory_space<hbm>>
      tpu.enqueue_dma source(%dma_start3A_88 : memref<128xi32, #tpu.memory_space<hbm>>) target(%dma_start3A_87 : memref<128xi32, #tpu.memory_space<vmem>>) target_semaphore(%arg14 : memref<!tpu.dma_semaphore, #tpu.memory_space<semaphore_mem>>)
      %dma_wait3A = arith.constant 0 : i32
      %dma_wait3A_89 = arith.constant 0 : i32
      %dma_wait3A_90 = tpu.memref_slice %arg9[%dma_wait3A, %dma_wait3A_89] : memref<4x128xi32, #tpu.memory_space<vmem>> -> memref<1x128xi32, #tpu.memory_space<vmem>>
      %dma_wait3A_91 = tpu.memref_squeeze %dma_wait3A_90 : memref<1x128xi32, #tpu.memory_space<vmem>> -> memref<128xi32, #tpu.memory_space<vmem>>
      %dma_wait3A_92 = tpu.memref_slice %arg3[%add3A_15] : memref<204800xi32, #tpu.memory_space<hbm>> -> memref<128xi32, #tpu.memory_space<hbm>>
      %dma_wait3A_93 = arith.constant 0 : i32
      %dma_wait3A_94 = tpu.memref_slice %arg9[%dma_wait3A, %dma_wait3A_93] : memref<4x128xi32, #tpu.memory_space<vmem>> -> memref<1x128xi32, #tpu.memory_space<vmem>>
      %dma_wait3A_95 = tpu.memref_squeeze %dma_wait3A_94 : memref<1x128xi32, #tpu.memory_space<vmem>> -> memref<128xi32, #tpu.memory_space<vmem>>
      %dma_wait3A_96 = tpu.memref_slice %arg3[%add3A_15] : memref<204800xi32, #tpu.memory_space<hbm>> -> memref<128xi32, #tpu.memory_space<hbm>>
      tpu.wait_dma2 semaphore(%arg13 : memref<!tpu.dma_semaphore, #tpu.memory_space<semaphore_mem>>) src(%dma_wait3A_96 : memref<128xi32, #tpu.memory_space<hbm>>) dst(%dma_wait3A_95 : memref<128xi32, #tpu.memory_space<vmem>>)
      %dma_wait3A_97 = arith.constant 1 : i32
      %dma_wait3A_98 = arith.constant 0 : i32
      %dma_wait3A_99 = tpu.memref_slice %arg9[%dma_wait3A_97, %dma_wait3A_98] : memref<4x128xi32, #tpu.memory_space<vmem>> -> memref<1x128xi32, #tpu.memory_space<vmem>>
      %dma_wait3A_100 = tpu.memref_squeeze %dma_wait3A_99 : memref<1x128xi32, #tpu.memory_space<vmem>> -> memref<128xi32, #tpu.memory_space<vmem>>
      %dma_wait3A_101 = tpu.memref_slice %arg4[%add3A_15] : memref<204800xi32, #tpu.memory_space<hbm>> -> memref<128xi32, #tpu.memory_space<hbm>>
      %dma_wait3A_102 = arith.constant 0 : i32
      %dma_wait3A_103 = tpu.memref_slice %arg9[%dma_wait3A_97, %dma_wait3A_102] : memref<4x128xi32, #tpu.memory_space<vmem>> -> memref<1x128xi32, #tpu.memory_space<vmem>>
      %dma_wait3A_104 = tpu.memref_squeeze %dma_wait3A_103 : memref<1x128xi32, #tpu.memory_space<vmem>> -> memref<128xi32, #tpu.memory_space<vmem>>
      %dma_wait3A_105 = tpu.memref_slice %arg4[%add3A_15] : memref<204800xi32, #tpu.memory_space<hbm>> -> memref<128xi32, #tpu.memory_space<hbm>>
      tpu.wait_dma2 semaphore(%arg13 : memref<!tpu.dma_semaphore, #tpu.memory_space<semaphore_mem>>) src(%dma_wait3A_105 : memref<128xi32, #tpu.memory_space<hbm>>) dst(%dma_wait3A_104 : memref<128xi32, #tpu.memory_space<vmem>>)
      %dma_wait3A_106 = arith.constant 2 : i32
      %dma_wait3A_107 = arith.constant 0 : i32
      %dma_wait3A_108 = tpu.memref_slice %arg9[%dma_wait3A_106, %dma_wait3A_107] : memref<4x128xi32, #tpu.memory_space<vmem>> -> memref<1x128xi32, #tpu.memory_space<vmem>>
      %dma_wait3A_109 = tpu.memref_squeeze %dma_wait3A_108 : memref<1x128xi32, #tpu.memory_space<vmem>> -> memref<128xi32, #tpu.memory_space<vmem>>
      %dma_wait3A_110 = tpu.memref_slice %arg5[%add3A_15] : memref<204800xi32, #tpu.memory_space<hbm>> -> memref<128xi32, #tpu.memory_space<hbm>>
      %dma_wait3A_111 = arith.constant 0 : i32
      %dma_wait3A_112 = tpu.memref_slice %arg9[%dma_wait3A_106, %dma_wait3A_111] : memref<4x128xi32, #tpu.memory_space<vmem>> -> memref<1x128xi32, #tpu.memory_space<vmem>>
      %dma_wait3A_113 = tpu.memref_squeeze %dma_wait3A_112 : memref<1x128xi32, #tpu.memory_space<vmem>> -> memref<128xi32, #tpu.memory_space<vmem>>
      %dma_wait3A_114 = tpu.memref_slice %arg5[%add3A_15] : memref<204800xi32, #tpu.memory_space<hbm>> -> memref<128xi32, #tpu.memory_space<hbm>>
      tpu.wait_dma2 semaphore(%arg13 : memref<!tpu.dma_semaphore, #tpu.memory_space<semaphore_mem>>) src(%dma_wait3A_114 : memref<128xi32, #tpu.memory_space<hbm>>) dst(%dma_wait3A_113 : memref<128xi32, #tpu.memory_space<vmem>>)
      %dma_wait3A_115 = arith.constant 3 : i32
      %dma_wait3A_116 = arith.constant 0 : i32
      %dma_wait3A_117 = tpu.memref_slice %arg9[%dma_wait3A_115, %dma_wait3A_116] : memref<4x128xi32, #tpu.memory_space<vmem>> -> memref<1x128xi32, #tpu.memory_space<vmem>>
      %dma_wait3A_118 = tpu.memref_squeeze %dma_wait3A_117 : memref<1x128xi32, #tpu.memory_space<vmem>> -> memref<128xi32, #tpu.memory_space<vmem>>
      %dma_wait3A_119 = tpu.memref_slice %arg6[%add3A_15] : memref<204800xi32, #tpu.memory_space<hbm>> -> memref<128xi32, #tpu.memory_space<hbm>>
      %dma_wait3A_120 = arith.constant 0 : i32
      %dma_wait3A_121 = tpu.memref_slice %arg9[%dma_wait3A_115, %dma_wait3A_120] : memref<4x128xi32, #tpu.memory_space<vmem>> -> memref<1x128xi32, #tpu.memory_space<vmem>>
      %dma_wait3A_122 = tpu.memref_squeeze %dma_wait3A_121 : memref<1x128xi32, #tpu.memory_space<vmem>> -> memref<128xi32, #tpu.memory_space<vmem>>
      %dma_wait3A_123 = tpu.memref_slice %arg6[%add3A_15] : memref<204800xi32, #tpu.memory_space<hbm>> -> memref<128xi32, #tpu.memory_space<hbm>>
      tpu.wait_dma2 semaphore(%arg13 : memref<!tpu.dma_semaphore, #tpu.memory_space<semaphore_mem>>) src(%dma_wait3A_123 : memref<128xi32, #tpu.memory_space<hbm>>) dst(%dma_wait3A_122 : memref<128xi32, #tpu.memory_space<vmem>>)
      %get3A = arith.constant 1 : i32
      %get3A_124 = arith.index_cast %get3A : i32 to index
      %get3A_125 = arith.constant 0 : index
      %get3A_126 = tpu.vector_load %arg9[%get3A_124, %get3A_125] {strides = array<i32>} : memref<4x128xi32, #tpu.memory_space<vmem>>, vector<1x16xi32>,
      %get3A_127 = vector.shape_cast %get3A_126 : vector<1x16xi32> to vector<16xi32>
      %add3A_128 = arith.constant 1024 : i32
      %add3A_129 = vector.broadcast %add3A_128 : i32 to vector<16xi32>
      %add3A_130 = arith.addi %get3A_127, %add3A_129 : vector<16xi32>
      %swap3A = arith.constant 1 : i32
      %swap3A_131 = arith.index_cast %swap3A : i32 to index
      %swap3A_132 = arith.constant 0 : index
      %swap3A_133 = tpu.vector_load %arg9[%swap3A_131, %swap3A_132] {strides = array<i32>} : memref<4x128xi32, #tpu.memory_space<vmem>>, vector<1x16xi32>,
      %swap3A_134 = vector.shape_cast %swap3A_133 : vector<1x16xi32> to vector<16xi32>
      %swap3A_135 = vector.shape_cast %add3A_130 : vector<16xi32> to vector<1x16xi32>
      tpu.vector_store %arg9[%swap3A_131, %swap3A_132], %swap3A_135 {strides = array<i32>} : memref<4x128xi32, #tpu.memory_space<vmem>>, vector<1x16xi32>,
      %get3A_136 = arith.constant 1 : i32
      %get3A_137 = arith.index_cast %get3A_136 : i32 to index
      %get3A_138 = arith.constant 16 : index
      %get3A_139 = tpu.vector_load %arg9[%get3A_137, %get3A_138] {strides = array<i32>} : memref<4x128xi32, #tpu.memory_space<vmem>>, vector<1x16xi32>,
      %get3A_140 = vector.shape_cast %get3A_139 : vector<1x16xi32> to vector<16xi32>
      %add3A_141 = arith.constant 1024 : i32
      %add3A_142 = vector.broadcast %add3A_141 : i32 to vector<16xi32>
      %add3A_143 = arith.addi %get3A_140, %add3A_142 : vector<16xi32>
      %swap3A_144 = arith.constant 1 : i32
      %swap3A_145 = arith.index_cast %swap3A_144 : i32 to index
      %swap3A_146 = arith.constant 16 : index
      %swap3A_147 = tpu.vector_load %arg9[%swap3A_145, %swap3A_146] {strides = array<i32>} : memref<4x128xi32, #tpu.memory_space<vmem>>, vector<1x16xi32>,
      %swap3A_148 = vector.shape_cast %swap3A_147 : vector<1x16xi32> to vector<16xi32>
      %swap3A_149 = vector.shape_cast %add3A_143 : vector<16xi32> to vector<1x16xi32>
      tpu.vector_store %arg9[%swap3A_145, %swap3A_146], %swap3A_149 {strides = array<i32>} : memref<4x128xi32, #tpu.memory_space<vmem>>, vector<1x16xi32>,
      %get3A_150 = arith.constant 1 : i32
      %get3A_151 = arith.index_cast %get3A_150 : i32 to index
      %get3A_152 = arith.constant 32 : index
      %get3A_153 = tpu.vector_load %arg9[%get3A_151, %get3A_152] {strides = array<i32>} : memref<4x128xi32, #tpu.memory_space<vmem>>, vector<1x16xi32>,
      %get3A_154 = vector.shape_cast %get3A_153 : vector<1x16xi32> to vector<16xi32>
      %add3A_155 = arith.constant 1024 : i32
      %add3A_156 = vector.broadcast %add3A_155 : i32 to vector<16xi32>
      %add3A_157 = arith.addi %get3A_154, %add3A_156 : vector<16xi32>
      %swap3A_158 = arith.constant 1 : i32
      %swap3A_159 = arith.index_cast %swap3A_158 : i32 to index
      %swap3A_160 = arith.constant 32 : index
      %swap3A_161 = tpu.vector_load %arg9[%swap3A_159, %swap3A_160] {strides = array<i32>} : memref<4x128xi32, #tpu.memory_space<vmem>>, vector<1x16xi32>,
      %swap3A_162 = vector.shape_cast %swap3A_161 : vector<1x16xi32> to vector<16xi32>
      %swap3A_163 = vector.shape_cast %add3A_157 : vector<16xi32> to vector<1x16xi32>
      tpu.vector_store %arg9[%swap3A_159, %swap3A_160], %swap3A_163 {strides = array<i32>} : memref<4x128xi32, #tpu.memory_space<vmem>>, vector<1x16xi32>,
      %get3A_164 = arith.constant 1 : i32
      %get3A_165 = arith.index_cast %get3A_164 : i32 to index
      %get3A_166 = arith.constant 48 : index
      %get3A_167 = tpu.vector_load %arg9[%get3A_165, %get3A_166] {strides = array<i32>} : memref<4x128xi32, #tpu.memory_space<vmem>>, vector<1x16xi32>,
      %get3A_168 = vector.shape_cast %get3A_167 : vector<1x16xi32> to vector<16xi32>
      %add3A_169 = arith.constant 1024 : i32
      %add3A_170 = vector.broadcast %add3A_169 : i32 to vector<16xi32>
      %add3A_171 = arith.addi %get3A_168, %add3A_170 : vector<16xi32>
      %swap3A_172 = arith.constant 1 : i32
      %swap3A_173 = arith.index_cast %swap3A_172 : i32 to index
      %swap3A_174 = arith.constant 48 : index
      %swap3A_175 = tpu.vector_load %arg9[%swap3A_173, %swap3A_174] {strides = array<i32>} : memref<4x128xi32, #tpu.memory_space<vmem>>, vector<1x16xi32>,
      %swap3A_176 = vector.shape_cast %swap3A_175 : vector<1x16xi32> to vector<16xi32>
      %swap3A_177 = vector.shape_cast %add3A_171 : vector<16xi32> to vector<1x16xi32>
      tpu.vector_store %arg9[%swap3A_173, %swap3A_174], %swap3A_177 {strides = array<i32>} : memref<4x128xi32, #tpu.memory_space<vmem>>, vector<1x16xi32>,
      %get3A_178 = arith.constant 1 : i32
      %get3A_179 = arith.index_cast %get3A_178 : i32 to index
      %get3A_180 = arith.constant 64 : index
      %get3A_181 = tpu.vector_load %arg9[%get3A_179, %get3A_180] {strides = array<i32>} : memref<4x128xi32, #tpu.memory_space<vmem>>, vector<1x16xi32>,
      %get3A_182 = vector.shape_cast %get3A_181 : vector<1x16xi32> to vector<16xi32>
      %add3A_183 = arith.constant 1024 : i32
      %add3A_184 = vector.broadcast %add3A_183 : i32 to vector<16xi32>
      %add3A_185 = arith.addi %get3A_182, %add3A_184 : vector<16xi32>
      %swap3A_186 = arith.constant 1 : i32
      %swap3A_187 = arith.index_cast %swap3A_186 : i32 to index
      %swap3A_188 = arith.constant 64 : index
      %swap3A_189 = tpu.vector_load %arg9[%swap3A_187, %swap3A_188] {strides = array<i32>} : memref<4x128xi32, #tpu.memory_space<vmem>>, vector<1x16xi32>,
      %swap3A_190 = vector.shape_cast %swap3A_189 : vector<1x16xi32> to vector<16xi32>
      %swap3A_191 = vector.shape_cast %add3A_185 : vector<16xi32> to vector<1x16xi32>
      tpu.vector_store %arg9[%swap3A_187, %swap3A_188], %swap3A_191 {strides = array<i32>} : memref<4x128xi32, #tpu.memory_space<vmem>>, vector<1x16xi32>,
      %get3A_192 = arith.constant 1 : i32
      %get3A_193 = arith.index_cast %get3A_192 : i32 to index
      %get3A_194 = arith.constant 80 : index
      %get3A_195 = tpu.vector_load %arg9[%get3A_193, %get3A_194] {strides = array<i32>} : memref<4x128xi32, #tpu.memory_space<vmem>>, vector<1x16xi32>,
      %get3A_196 = vector.shape_cast %get3A_195 : vector<1x16xi32> to vector<16xi32>
      %add3A_197 = arith.constant 1024 : i32
      %add3A_198 = vector.broadcast %add3A_197 : i32 to vector<16xi32>
      %add3A_199 = arith.addi %get3A_196, %add3A_198 : vector<16xi32>
      %swap3A_200 = arith.constant 1 : i32
      %swap3A_201 = arith.index_cast %swap3A_200 : i32 to index
      %swap3A_202 = arith.constant 80 : index
      %swap3A_203 = tpu.vector_load %arg9[%swap3A_201, %swap3A_202] {strides = array<i32>} : memref<4x128xi32, #tpu.memory_space<vmem>>, vector<1x16xi32>,
      %swap3A_204 = vector.shape_cast %swap3A_203 : vector<1x16xi32> to vector<16xi32>
      %swap3A_205 = vector.shape_cast %add3A_199 : vector<16xi32> to vector<1x16xi32>
      tpu.vector_store %arg9[%swap3A_201, %swap3A_202], %swap3A_205 {strides = array<i32>} : memref<4x128xi32, #tpu.memory_space<vmem>>, vector<1x16xi32>,
      %get3A_206 = arith.constant 1 : i32
      %get3A_207 = arith.index_cast %get3A_206 : i32 to index
      %get3A_208 = arith.constant 96 : index
      %get3A_209 = tpu.vector_load %arg9[%get3A_207, %get3A_208] {strides = array<i32>} : memref<4x128xi32, #tpu.memory_space<vmem>>, vector<1x16xi32>,
      %get3A_210 = vector.shape_cast %get3A_209 : vector<1x16xi32> to vector<16xi32>
      %add3A_211 = arith.constant 1024 : i32
      %add3A_212 = vector.broadcast %add3A_211 : i32 to vector<16xi32>
      %add3A_213 = arith.addi %get3A_210, %add3A_212 : vector<16xi32>
      %swap3A_214 = arith.constant 1 : i32
      %swap3A_215 = arith.index_cast %swap3A_214 : i32 to index
      %swap3A_216 = arith.constant 96 : index
      %swap3A_217 = tpu.vector_load %arg9[%swap3A_215, %swap3A_216] {strides = array<i32>} : memref<4x128xi32, #tpu.memory_space<vmem>>, vector<1x16xi32>,
      %swap3A_218 = vector.shape_cast %swap3A_217 : vector<1x16xi32> to vector<16xi32>
      %swap3A_219 = vector.shape_cast %add3A_213 : vector<16xi32> to vector<1x16xi32>
      tpu.vector_store %arg9[%swap3A_215, %swap3A_216], %swap3A_219 {strides = array<i32>} : memref<4x128xi32, #tpu.memory_space<vmem>>, vector<1x16xi32>,
      %get3A_220 = arith.constant 1 : i32
      %get3A_221 = arith.index_cast %get3A_220 : i32 to index
      %get3A_222 = arith.constant 112 : index
      %get3A_223 = tpu.vector_load %arg9[%get3A_221, %get3A_222] {strides = array<i32>} : memref<4x128xi32, #tpu.memory_space<vmem>>, vector<1x16xi32>,
      %get3A_224 = vector.shape_cast %get3A_223 : vector<1x16xi32> to vector<16xi32>
      %add3A_225 = arith.constant 1024 : i32
      %add3A_226 = vector.broadcast %add3A_225 : i32 to vector<16xi32>
      %add3A_227 = arith.addi %get3A_224, %add3A_226 : vector<16xi32>
      %swap3A_228 = arith.constant 1 : i32
      %swap3A_229 = arith.index_cast %swap3A_228 : i32 to index
      %swap3A_230 = arith.constant 112 : index
      %swap3A_231 = tpu.vector_load %arg9[%swap3A_229, %swap3A_230] {strides = array<i32>} : memref<4x128xi32, #tpu.memory_space<vmem>>, vector<1x16xi32>,
      %swap3A_232 = vector.shape_cast %swap3A_231 : vector<1x16xi32> to vector<16xi32>
      %swap3A_233 = vector.shape_cast %add3A_227 : vector<16xi32> to vector<1x16xi32>
      tpu.vector_store %arg9[%swap3A_229, %swap3A_230], %swap3A_233 {strides = array<i32>} : memref<4x128xi32, #tpu.memory_space<vmem>>, vector<1x16xi32>,
      %get3A_234 = arith.constant 2 : i32
      %get3A_235 = arith.index_cast %get3A_234 : i32 to index
      %get3A_236 = arith.constant 0 : index
      %get3A_237 = tpu.vector_load %arg9[%get3A_235, %get3A_236] {strides = array<i32>} : memref<4x128xi32, #tpu.memory_space<vmem>>, vector<1x16xi32>,
      %get3A_238 = vector.shape_cast %get3A_237 : vector<1x16xi32> to vector<16xi32>
      %add3A_239 = arith.constant 2048 : i32
      %add3A_240 = vector.broadcast %add3A_239 : i32 to vector<16xi32>
      %add3A_241 = arith.addi %get3A_238, %add3A_240 : vector<16xi32>
      %swap3A_242 = arith.constant 2 : i32
      %swap3A_243 = arith.index_cast %swap3A_242 : i32 to index
      %swap3A_244 = arith.constant 0 : index
      %swap3A_245 = tpu.vector_load %arg9[%swap3A_243, %swap3A_244] {strides = array<i32>} : memref<4x128xi32, #tpu.memory_space<vmem>>, vector<1x16xi32>,
      %swap3A_246 = vector.shape_cast %swap3A_245 : vector<1x16xi32> to vector<16xi32>
      %swap3A_247 = vector.shape_cast %add3A_241 : vector<16xi32> to vector<1x16xi32>
      tpu.vector_store %arg9[%swap3A_243, %swap3A_244], %swap3A_247 {strides = array<i32>} : memref<4x128xi32, #tpu.memory_space<vmem>>, vector<1x16xi32>,
      %get3A_248 = arith.constant 2 : i32
      %get3A_249 = arith.index_cast %get3A_248 : i32 to index
      %get3A_250 = arith.constant 16 : index
      %get3A_251 = tpu.vector_load %arg9[%get3A_249, %get3A_250] {strides = array<i32>} : memref<4x128xi32, #tpu.memory_space<vmem>>, vector<1x16xi32>,
      %get3A_252 = vector.shape_cast %get3A_251 : vector<1x16xi32> to vector<16xi32>
      %add3A_253 = arith.constant 2048 : i32
      %add3A_254 = vector.broadcast %add3A_253 : i32 to vector<16xi32>
      %add3A_255 = arith.addi %get3A_252, %add3A_254 : vector<16xi32>
      %swap3A_256 = arith.constant 2 : i32
      %swap3A_257 = arith.index_cast %swap3A_256 : i32 to index
      %swap3A_258 = arith.constant 16 : index
      %swap3A_259 = tpu.vector_load %arg9[%swap3A_257, %swap3A_258] {strides = array<i32>} : memref<4x128xi32, #tpu.memory_space<vmem>>, vector<1x16xi32>,
      %swap3A_260 = vector.shape_cast %swap3A_259 : vector<1x16xi32> to vector<16xi32>
      %swap3A_261 = vector.shape_cast %add3A_255 : vector<16xi32> to vector<1x16xi32>
      tpu.vector_store %arg9[%swap3A_257, %swap3A_258], %swap3A_261 {strides = array<i32>} : memref<4x128xi32, #tpu.memory_space<vmem>>, vector<1x16xi32>,
      %get3A_262 = arith.constant 2 : i32
      %get3A_263 = arith.index_cast %get3A_262 : i32 to index
      %get3A_264 = arith.constant 32 : index
      %get3A_265 = tpu.vector_load %arg9[%get3A_263, %get3A_264] {strides = array<i32>} : memref<4x128xi32, #tpu.memory_space<vmem>>, vector<1x16xi32>,
      %get3A_266 = vector.shape_cast %get3A_265 : vector<1x16xi32> to vector<16xi32>
      %add3A_267 = arith.constant 2048 : i32
      %add3A_268 = vector.broadcast %add3A_267 : i32 to vector<16xi32>
      %add3A_269 = arith.addi %get3A_266, %add3A_268 : vector<16xi32>
      %swap3A_270 = arith.constant 2 : i32
      %swap3A_271 = arith.index_cast %swap3A_270 : i32 to index
      %swap3A_272 = arith.constant 32 : index
      %swap3A_273 = tpu.vector_load %arg9[%swap3A_271, %swap3A_272] {strides = array<i32>} : memref<4x128xi32, #tpu.memory_space<vmem>>, vector<1x16xi32>,
      %swap3A_274 = vector.shape_cast %swap3A_273 : vector<1x16xi32> to vector<16xi32>
      %swap3A_275 = vector.shape_cast %add3A_269 : vector<16xi32> to vector<1x16xi32>
      tpu.vector_store %arg9[%swap3A_271, %swap3A_272], %swap3A_275 {strides = array<i32>} : memref<4x128xi32, #tpu.memory_space<vmem>>, vector<1x16xi32>,
      %get3A_276 = arith.constant 2 : i32
      %get3A_277 = arith.index_cast %get3A_276 : i32 to index
      %get3A_278 = arith.constant 48 : index
      %get3A_279 = tpu.vector_load %arg9[%get3A_277, %get3A_278] {strides = array<i32>} : memref<4x128xi32, #tpu.memory_space<vmem>>, vector<1x16xi32>,
      %get3A_280 = vector.shape_cast %get3A_279 : vector<1x16xi32> to vector<16xi32>
      %add3A_281 = arith.constant 2048 : i32
      %add3A_282 = vector.broadcast %add3A_281 : i32 to vector<16xi32>
      %add3A_283 = arith.addi %get3A_280, %add3A_282 : vector<16xi32>
      %swap3A_284 = arith.constant 2 : i32
      %swap3A_285 = arith.index_cast %swap3A_284 : i32 to index
      %swap3A_286 = arith.constant 48 : index
      %swap3A_287 = tpu.vector_load %arg9[%swap3A_285, %swap3A_286] {strides = array<i32>} : memref<4x128xi32, #tpu.memory_space<vmem>>, vector<1x16xi32>,
      %swap3A_288 = vector.shape_cast %swap3A_287 : vector<1x16xi32> to vector<16xi32>
      %swap3A_289 = vector.shape_cast %add3A_283 : vector<16xi32> to vector<1x16xi32>
      tpu.vector_store %arg9[%swap3A_285, %swap3A_286], %swap3A_289 {strides = array<i32>} : memref<4x128xi32, #tpu.memory_space<vmem>>, vector<1x16xi32>,
      %get3A_290 = arith.constant 2 : i32
      %get3A_291 = arith.index_cast %get3A_290 : i32 to index
      %get3A_292 = arith.constant 64 : index
      %get3A_293 = tpu.vector_load %arg9[%get3A_291, %get3A_292] {strides = array<i32>} : memref<4x128xi32, #tpu.memory_space<vmem>>, vector<1x16xi32>,
      %get3A_294 = vector.shape_cast %get3A_293 : vector<1x16xi32> to vector<16xi32>
      %add3A_295 = arith.constant 2048 : i32
      %add3A_296 = vector.broadcast %add3A_295 : i32 to vector<16xi32>
      %add3A_297 = arith.addi %get3A_294, %add3A_296 : vector<16xi32>
      %swap3A_298 = arith.constant 2 : i32
      %swap3A_299 = arith.index_cast %swap3A_298 : i32 to index
      %swap3A_300 = arith.constant 64 : index
      %swap3A_301 = tpu.vector_load %arg9[%swap3A_299, %swap3A_300] {strides = array<i32>} : memref<4x128xi32, #tpu.memory_space<vmem>>, vector<1x16xi32>,
      %swap3A_302 = vector.shape_cast %swap3A_301 : vector<1x16xi32> to vector<16xi32>
      %swap3A_303 = vector.shape_cast %add3A_297 : vector<16xi32> to vector<1x16xi32>
      tpu.vector_store %arg9[%swap3A_299, %swap3A_300], %swap3A_303 {strides = array<i32>} : memref<4x128xi32, #tpu.memory_space<vmem>>, vector<1x16xi32>,
      %get3A_304 = arith.constant 2 : i32
      %get3A_305 = arith.index_cast %get3A_304 : i32 to index
      %get3A_306 = arith.constant 80 : index
      %get3A_307 = tpu.vector_load %arg9[%get3A_305, %get3A_306] {strides = array<i32>} : memref<4x128xi32, #tpu.memory_space<vmem>>, vector<1x16xi32>,
      %get3A_308 = vector.shape_cast %get3A_307 : vector<1x16xi32> to vector<16xi32>
      %add3A_309 = arith.constant 2048 : i32
      %add3A_310 = vector.broadcast %add3A_309 : i32 to vector<16xi32>
      %add3A_311 = arith.addi %get3A_308, %add3A_310 : vector<16xi32>
      %swap3A_312 = arith.constant 2 : i32
      %swap3A_313 = arith.index_cast %swap3A_312 : i32 to index
      %swap3A_314 = arith.constant 80 : index
      %swap3A_315 = tpu.vector_load %arg9[%swap3A_313, %swap3A_314] {strides = array<i32>} : memref<4x128xi32, #tpu.memory_space<vmem>>, vector<1x16xi32>,
      %swap3A_316 = vector.shape_cast %swap3A_315 : vector<1x16xi32> to vector<16xi32>
      %swap3A_317 = vector.shape_cast %add3A_311 : vector<16xi32> to vector<1x16xi32>
      tpu.vector_store %arg9[%swap3A_313, %swap3A_314], %swap3A_317 {strides = array<i32>} : memref<4x128xi32, #tpu.memory_space<vmem>>, vector<1x16xi32>,
      %get3A_318 = arith.constant 2 : i32
      %get3A_319 = arith.index_cast %get3A_318 : i32 to index
      %get3A_320 = arith.constant 96 : index
      %get3A_321 = tpu.vector_load %arg9[%get3A_319, %get3A_320] {strides = array<i32>} : memref<4x128xi32, #tpu.memory_space<vmem>>, vector<1x16xi32>,
      %get3A_322 = vector.shape_cast %get3A_321 : vector<1x16xi32> to vector<16xi32>
      %add3A_323 = arith.constant 2048 : i32
      %add3A_324 = vector.broadcast %add3A_323 : i32 to vector<16xi32>
      %add3A_325 = arith.addi %get3A_322, %add3A_324 : vector<16xi32>
      %swap3A_326 = arith.constant 2 : i32
      %swap3A_327 = arith.index_cast %swap3A_326 : i32 to index
      %swap3A_328 = arith.constant 96 : index
      %swap3A_329 = tpu.vector_load %arg9[%swap3A_327, %swap3A_328] {strides = array<i32>} : memref<4x128xi32, #tpu.memory_space<vmem>>, vector<1x16xi32>,
      %swap3A_330 = vector.shape_cast %swap3A_329 : vector<1x16xi32> to vector<16xi32>
      %swap3A_331 = vector.shape_cast %add3A_325 : vector<16xi32> to vector<1x16xi32>
      tpu.vector_store %arg9[%swap3A_327, %swap3A_328], %swap3A_331 {strides = array<i32>} : memref<4x128xi32, #tpu.memory_space<vmem>>, vector<1x16xi32>,
      %get3A_332 = arith.constant 2 : i32
      %get3A_333 = arith.index_cast %get3A_332 : i32 to index
      %get3A_334 = arith.constant 112 : index
      %get3A_335 = tpu.vector_load %arg9[%get3A_333, %get3A_334] {strides = array<i32>} : memref<4x128xi32, #tpu.memory_space<vmem>>, vector<1x16xi32>,
      %get3A_336 = vector.shape_cast %get3A_335 : vector<1x16xi32> to vector<16xi32>
      %add3A_337 = arith.constant 2048 : i32
      %add3A_338 = vector.broadcast %add3A_337 : i32 to vector<16xi32>
      %add3A_339 = arith.addi %get3A_336, %add3A_338 : vector<16xi32>
      %swap3A_340 = arith.constant 2 : i32
      %swap3A_341 = arith.index_cast %swap3A_340 : i32 to index
      %swap3A_342 = arith.constant 112 : index
      %swap3A_343 = tpu.vector_load %arg9[%swap3A_341, %swap3A_342] {strides = array<i32>} : memref<4x128xi32, #tpu.memory_space<vmem>>, vector<1x16xi32>,
      %swap3A_344 = vector.shape_cast %swap3A_343 : vector<1x16xi32> to vector<16xi32>
      %swap3A_345 = vector.shape_cast %add3A_339 : vector<16xi32> to vector<1x16xi32>
      tpu.vector_store %arg9[%swap3A_341, %swap3A_342], %swap3A_345 {strides = array<i32>} : memref<4x128xi32, #tpu.memory_space<vmem>>, vector<1x16xi32>,
      %get3A_346 = arith.constant 3 : i32
      %get3A_347 = arith.index_cast %get3A_346 : i32 to index
      %get3A_348 = arith.constant 0 : index
      %get3A_349 = tpu.vector_load %arg9[%get3A_347, %get3A_348] {strides = array<i32>} : memref<4x128xi32, #tpu.memory_space<vmem>>, vector<1x16xi32>,
      %get3A_350 = vector.shape_cast %get3A_349 : vector<1x16xi32> to vector<16xi32>
      %add3A_351 = arith.constant 3072 : i32
      %add3A_352 = vector.broadcast %add3A_351 : i32 to vector<16xi32>
      %add3A_353 = arith.addi %get3A_350, %add3A_352 : vector<16xi32>
      %swap3A_354 = arith.constant 3 : i32
      %swap3A_355 = arith.index_cast %swap3A_354 : i32 to index
      %swap3A_356 = arith.constant 0 : index
      %swap3A_357 = tpu.vector_load %arg9[%swap3A_355, %swap3A_356] {strides = array<i32>} : memref<4x128xi32, #tpu.memory_space<vmem>>, vector<1x16xi32>,
      %swap3A_358 = vector.shape_cast %swap3A_357 : vector<1x16xi32> to vector<16xi32>
      %swap3A_359 = vector.shape_cast %add3A_353 : vector<16xi32> to vector<1x16xi32>
      tpu.vector_store %arg9[%swap3A_355, %swap3A_356], %swap3A_359 {strides = array<i32>} : memref<4x128xi32, #tpu.memory_space<vmem>>, vector<1x16xi32>,
      %get3A_360 = arith.constant 3 : i32
      %get3A_361 = arith.index_cast %get3A_360 : i32 to index
      %get3A_362 = arith.constant 16 : index
      %get3A_363 = tpu.vector_load %arg9[%get3A_361, %get3A_362] {strides = array<i32>} : memref<4x128xi32, #tpu.memory_space<vmem>>, vector<1x16xi32>,
      %get3A_364 = vector.shape_cast %get3A_363 : vector<1x16xi32> to vector<16xi32>
      %add3A_365 = arith.constant 3072 : i32
      %add3A_366 = vector.broadcast %add3A_365 : i32 to vector<16xi32>
      %add3A_367 = arith.addi %get3A_364, %add3A_366 : vector<16xi32>
      %swap3A_368 = arith.constant 3 : i32
      %swap3A_369 = arith.index_cast %swap3A_368 : i32 to index
      %swap3A_370 = arith.constant 16 : index
      %swap3A_371 = tpu.vector_load %arg9[%swap3A_369, %swap3A_370] {strides = array<i32>} : memref<4x128xi32, #tpu.memory_space<vmem>>, vector<1x16xi32>,
      %swap3A_372 = vector.shape_cast %swap3A_371 : vector<1x16xi32> to vector<16xi32>
      %swap3A_373 = vector.shape_cast %add3A_367 : vector<16xi32> to vector<1x16xi32>
      tpu.vector_store %arg9[%swap3A_369, %swap3A_370], %swap3A_373 {strides = array<i32>} : memref<4x128xi32, #tpu.memory_space<vmem>>, vector<1x16xi32>,
      %get3A_374 = arith.constant 3 : i32
      %get3A_375 = arith.index_cast %get3A_374 : i32 to index
      %get3A_376 = arith.constant 32 : index
      %get3A_377 = tpu.vector_load %arg9[%get3A_375, %get3A_376] {strides = array<i32>} : memref<4x128xi32, #tpu.memory_space<vmem>>, vector<1x16xi32>,
      %get3A_378 = vector.shape_cast %get3A_377 : vector<1x16xi32> to vector<16xi32>
      %add3A_379 = arith.constant 3072 : i32
      %add3A_380 = vector.broadcast %add3A_379 : i32 to vector<16xi32>
      %add3A_381 = arith.addi %get3A_378, %add3A_380 : vector<16xi32>
      %swap3A_382 = arith.constant 3 : i32
      %swap3A_383 = arith.index_cast %swap3A_382 : i32 to index
      %swap3A_384 = arith.constant 32 : index
      %swap3A_385 = tpu.vector_load %arg9[%swap3A_383, %swap3A_384] {strides = array<i32>} : memref<4x128xi32, #tpu.memory_space<vmem>>, vector<1x16xi32>,
      %swap3A_386 = vector.shape_cast %swap3A_385 : vector<1x16xi32> to vector<16xi32>
      %swap3A_387 = vector.shape_cast %add3A_381 : vector<16xi32> to vector<1x16xi32>
      tpu.vector_store %arg9[%swap3A_383, %swap3A_384], %swap3A_387 {strides = array<i32>} : memref<4x128xi32, #tpu.memory_space<vmem>>, vector<1x16xi32>,
      %get3A_388 = arith.constant 3 : i32
      %get3A_389 = arith.index_cast %get3A_388 : i32 to index
      %get3A_390 = arith.constant 48 : index
      %get3A_391 = tpu.vector_load %arg9[%get3A_389, %get3A_390] {strides = array<i32>} : memref<4x128xi32, #tpu.memory_space<vmem>>, vector<1x16xi32>,
      %get3A_392 = vector.shape_cast %get3A_391 : vector<1x16xi32> to vector<16xi32>
      %add3A_393 = arith.constant 3072 : i32
      %add3A_394 = vector.broadcast %add3A_393 : i32 to vector<16xi32>
      %add3A_395 = arith.addi %get3A_392, %add3A_394 : vector<16xi32>
      %swap3A_396 = arith.constant 3 : i32
      %swap3A_397 = arith.index_cast %swap3A_396 : i32 to index
      %swap3A_398 = arith.constant 48 : index
      %swap3A_399 = tpu.vector_load %arg9[%swap3A_397, %swap3A_398] {strides = array<i32>} : memref<4x128xi32, #tpu.memory_space<vmem>>, vector<1x16xi32>,
      %swap3A_400 = vector.shape_cast %swap3A_399 : vector<1x16xi32> to vector<16xi32>
      %swap3A_401 = vector.shape_cast %add3A_395 : vector<16xi32> to vector<1x16xi32>
      tpu.vector_store %arg9[%swap3A_397, %swap3A_398], %swap3A_401 {strides = array<i32>} : memref<4x128xi32, #tpu.memory_space<vmem>>, vector<1x16xi32>,
      %get3A_402 = arith.constant 3 : i32
      %get3A_403 = arith.index_cast %get3A_402 : i32 to index
      %get3A_404 = arith.constant 64 : index
      %get3A_405 = tpu.vector_load %arg9[%get3A_403, %get3A_404] {strides = array<i32>} : memref<4x128xi32, #tpu.memory_space<vmem>>, vector<1x16xi32>,
      %get3A_406 = vector.shape_cast %get3A_405 : vector<1x16xi32> to vector<16xi32>
      %add3A_407 = arith.constant 3072 : i32
      %add3A_408 = vector.broadcast %add3A_407 : i32 to vector<16xi32>
      %add3A_409 = arith.addi %get3A_406, %add3A_408 : vector<16xi32>
      %swap3A_410 = arith.constant 3 : i32
      %swap3A_411 = arith.index_cast %swap3A_410 : i32 to index
      %swap3A_412 = arith.constant 64 : index
      %swap3A_413 = tpu.vector_load %arg9[%swap3A_411, %swap3A_412] {strides = array<i32>} : memref<4x128xi32, #tpu.memory_space<vmem>>, vector<1x16xi32>,
      %swap3A_414 = vector.shape_cast %swap3A_413 : vector<1x16xi32> to vector<16xi32>
      %swap3A_415 = vector.shape_cast %add3A_409 : vector<16xi32> to vector<1x16xi32>
      tpu.vector_store %arg9[%swap3A_411, %swap3A_412], %swap3A_415 {strides = array<i32>} : memref<4x128xi32, #tpu.memory_space<vmem>>, vector<1x16xi32>,
      %get3A_416 = arith.constant 3 : i32
      %get3A_417 = arith.index_cast %get3A_416 : i32 to index
      %get3A_418 = arith.constant 80 : index
      %get3A_419 = tpu.vector_load %arg9[%get3A_417, %get3A_418] {strides = array<i32>} : memref<4x128xi32, #tpu.memory_space<vmem>>, vector<1x16xi32>,
      %get3A_420 = vector.shape_cast %get3A_419 : vector<1x16xi32> to vector<16xi32>
      %add3A_421 = arith.constant 3072 : i32
      %add3A_422 = vector.broadcast %add3A_421 : i32 to vector<16xi32>
      %add3A_423 = arith.addi %get3A_420, %add3A_422 : vector<16xi32>
      %swap3A_424 = arith.constant 3 : i32
      %swap3A_425 = arith.index_cast %swap3A_424 : i32 to index
      %swap3A_426 = arith.constant 80 : index
      %swap3A_427 = tpu.vector_load %arg9[%swap3A_425, %swap3A_426] {strides = array<i32>} : memref<4x128xi32, #tpu.memory_space<vmem>>, vector<1x16xi32>,
      %swap3A_428 = vector.shape_cast %swap3A_427 : vector<1x16xi32> to vector<16xi32>
      %swap3A_429 = vector.shape_cast %add3A_423 : vector<16xi32> to vector<1x16xi32>
      tpu.vector_store %arg9[%swap3A_425, %swap3A_426], %swap3A_429 {strides = array<i32>} : memref<4x128xi32, #tpu.memory_space<vmem>>, vector<1x16xi32>,
      %get3A_430 = arith.constant 3 : i32
      %get3A_431 = arith.index_cast %get3A_430 : i32 to index
      %get3A_432 = arith.constant 96 : index
      %get3A_433 = tpu.vector_load %arg9[%get3A_431, %get3A_432] {strides = array<i32>} : memref<4x128xi32, #tpu.memory_space<vmem>>, vector<1x16xi32>,
      %get3A_434 = vector.shape_cast %get3A_433 : vector<1x16xi32> to vector<16xi32>
      %add3A_435 = arith.constant 3072 : i32
      %add3A_436 = vector.broadcast %add3A_435 : i32 to vector<16xi32>
      %add3A_437 = arith.addi %get3A_434, %add3A_436 : vector<16xi32>
      %swap3A_438 = arith.constant 3 : i32
      %swap3A_439 = arith.index_cast %swap3A_438 : i32 to index
      %swap3A_440 = arith.constant 96 : index
      %swap3A_441 = tpu.vector_load %arg9[%swap3A_439, %swap3A_440] {strides = array<i32>} : memref<4x128xi32, #tpu.memory_space<vmem>>, vector<1x16xi32>,
      %swap3A_442 = vector.shape_cast %swap3A_441 : vector<1x16xi32> to vector<16xi32>
      %swap3A_443 = vector.shape_cast %add3A_437 : vector<16xi32> to vector<1x16xi32>
      tpu.vector_store %arg9[%swap3A_439, %swap3A_440], %swap3A_443 {strides = array<i32>} : memref<4x128xi32, #tpu.memory_space<vmem>>, vector<1x16xi32>,
      %get3A_444 = arith.constant 3 : i32
      %get3A_445 = arith.index_cast %get3A_444 : i32 to index
      %get3A_446 = arith.constant 112 : index
      %get3A_447 = tpu.vector_load %arg9[%get3A_445, %get3A_446] {strides = array<i32>} : memref<4x128xi32, #tpu.memory_space<vmem>>, vector<1x16xi32>,
      %get3A_448 = vector.shape_cast %get3A_447 : vector<1x16xi32> to vector<16xi32>
      %add3A_449 = arith.constant 3072 : i32
      %add3A_450 = vector.broadcast %add3A_449 : i32 to vector<16xi32>
      %add3A_451 = arith.addi %get3A_448, %add3A_450 : vector<16xi32>
      %swap3A_452 = arith.constant 3 : i32
      %swap3A_453 = arith.index_cast %swap3A_452 : i32 to index
      %swap3A_454 = arith.constant 112 : index
      %swap3A_455 = tpu.vector_load %arg9[%swap3A_453, %swap3A_454] {strides = array<i32>} : memref<4x128xi32, #tpu.memory_space<vmem>>, vector<1x16xi32>,
      %swap3A_456 = vector.shape_cast %swap3A_455 : vector<1x16xi32> to vector<16xi32>
      %swap3A_457 = vector.shape_cast %add3A_451 : vector<16xi32> to vector<1x16xi32>
      tpu.vector_store %arg9[%swap3A_453, %swap3A_454], %swap3A_457 {strides = array<i32>} : memref<4x128xi32, #tpu.memory_space<vmem>>, vector<1x16xi32>,
      %dma_start3A_458 = arith.constant 0 : i32
      %dma_start3A_459 = arith.constant 0 : i32
      %dma_start3A_460 = arith.constant 0 : i32
      %dma_start3A_461 = tpu.memref_slice %arg11[%dma_start3A_459, %dma_start3A_460] : memref<512x64xf32, #tpu.memory_space<vmem>> -> memref<128x64xf32, #tpu.memory_space<vmem>>
      %dma_start3A_462 = arith.constant 0 : i32
      %dma_start3A_463 = tpu.memref_slice %arg9[%dma_start3A_458, %dma_start3A_462] : memref<4x128xi32, #tpu.memory_space<vmem>> -> memref<1x128xi32, #tpu.memory_space<vmem>>
      %dma_start3A_464 = tpu.memref_squeeze %dma_start3A_463 : memref<1x128xi32, #tpu.memory_space<vmem>> -> memref<128xi32, #tpu.memory_space<vmem>>
      %dma_start3A_465 = arith.constant 0 : i32
      %dma_start3A_466 = arith.constant 0 : i32
      %dma_start3A_467 = tpu.memref_slice %arg8[%dma_start3A_465, %dma_start3A_466] : memref<4096x64xf32, #tpu.memory_space<vmem_shared>> -> memref<4096x64xf32, #tpu.memory_space<vmem_shared>>
      tpu.enqueue_indirect_dma source(%dma_start3A_467 : memref<4096x64xf32, #tpu.memory_space<vmem_shared>>) target(%dma_start3A_461 : memref<128x64xf32, #tpu.memory_space<vmem>>) offsets(%dma_start3A_464 : memref<128xi32, #tpu.memory_space<vmem>>) semaphore(%arg15 : memref<!tpu.dma_semaphore, #tpu.memory_space<semaphore_mem>>)
      %dma_start3A_468 = arith.constant 1 : i32
      %dma_start3A_469 = arith.constant 128 : i32
      %dma_start3A_470 = arith.constant 0 : i32
      %dma_start3A_471 = tpu.memref_slice %arg11[%dma_start3A_469, %dma_start3A_470] : memref<512x64xf32, #tpu.memory_space<vmem>> -> memref<128x64xf32, #tpu.memory_space<vmem>>
      %dma_start3A_472 = arith.constant 0 : i32
      %dma_start3A_473 = tpu.memref_slice %arg9[%dma_start3A_468, %dma_start3A_472] : memref<4x128xi32, #tpu.memory_space<vmem>> -> memref<1x128xi32, #tpu.memory_space<vmem>>
      %dma_start3A_474 = tpu.memref_squeeze %dma_start3A_473 : memref<1x128xi32, #tpu.memory_space<vmem>> -> memref<128xi32, #tpu.memory_space<vmem>>
      %dma_start3A_475 = arith.constant 0 : i32
      %dma_start3A_476 = arith.constant 0 : i32
      %dma_start3A_477 = tpu.memref_slice %arg8[%dma_start3A_475, %dma_start3A_476] : memref<4096x64xf32, #tpu.memory_space<vmem_shared>> -> memref<4096x64xf32, #tpu.memory_space<vmem_shared>>
      tpu.enqueue_indirect_dma source(%dma_start3A_477 : memref<4096x64xf32, #tpu.memory_space<vmem_shared>>) target(%dma_start3A_471 : memref<128x64xf32, #tpu.memory_space<vmem>>) offsets(%dma_start3A_474 : memref<128xi32, #tpu.memory_space<vmem>>) semaphore(%arg15 : memref<!tpu.dma_semaphore, #tpu.memory_space<semaphore_mem>>)
      %dma_start3A_478 = arith.constant 2 : i32
      %dma_start3A_479 = arith.constant 256 : i32
      %dma_start3A_480 = arith.constant 0 : i32
      %dma_start3A_481 = tpu.memref_slice %arg11[%dma_start3A_479, %dma_start3A_480] : memref<512x64xf32, #tpu.memory_space<vmem>> -> memref<128x64xf32, #tpu.memory_space<vmem>>
      %dma_start3A_482 = arith.constant 0 : i32
      %dma_start3A_483 = tpu.memref_slice %arg9[%dma_start3A_478, %dma_start3A_482] : memref<4x128xi32, #tpu.memory_space<vmem>> -> memref<1x128xi32, #tpu.memory_space<vmem>>
      %dma_start3A_484 = tpu.memref_squeeze %dma_start3A_483 : memref<1x128xi32, #tpu.memory_space<vmem>> -> memref<128xi32, #tpu.memory_space<vmem>>
      %dma_start3A_485 = arith.constant 0 : i32
      %dma_start3A_486 = arith.constant 0 : i32
      %dma_start3A_487 = tpu.memref_slice %arg8[%dma_start3A_485, %dma_start3A_486] : memref<4096x64xf32, #tpu.memory_space<vmem_shared>> -> memref<4096x64xf32, #tpu.memory_space<vmem_shared>>
      tpu.enqueue_indirect_dma source(%dma_start3A_487 : memref<4096x64xf32, #tpu.memory_space<vmem_shared>>) target(%dma_start3A_481 : memref<128x64xf32, #tpu.memory_space<vmem>>) offsets(%dma_start3A_484 : memref<128xi32, #tpu.memory_space<vmem>>) semaphore(%arg15 : memref<!tpu.dma_semaphore, #tpu.memory_space<semaphore_mem>>)
      %dma_start3A_488 = arith.constant 3 : i32
      %dma_start3A_489 = arith.constant 384 : i32
      %dma_start3A_490 = arith.constant 0 : i32
      %dma_start3A_491 = tpu.memref_slice %arg11[%dma_start3A_489, %dma_start3A_490] : memref<512x64xf32, #tpu.memory_space<vmem>> -> memref<128x64xf32, #tpu.memory_space<vmem>>
      %dma_start3A_492 = arith.constant 0 : i32
      %dma_start3A_493 = tpu.memref_slice %arg9[%dma_start3A_488, %dma_start3A_492] : memref<4x128xi32, #tpu.memory_space<vmem>> -> memref<1x128xi32, #tpu.memory_space<vmem>>
      %dma_start3A_494 = tpu.memref_squeeze %dma_start3A_493 : memref<1x128xi32, #tpu.memory_space<vmem>> -> memref<128xi32, #tpu.memory_space<vmem>>
      %dma_start3A_495 = arith.constant 0 : i32
      %dma_start3A_496 = arith.constant 0 : i32
      %dma_start3A_497 = tpu.memref_slice %arg8[%dma_start3A_495, %dma_start3A_496] : memref<4096x64xf32, #tpu.memory_space<vmem_shared>> -> memref<4096x64xf32, #tpu.memory_space<vmem_shared>>
      tpu.enqueue_indirect_dma source(%dma_start3A_497 : memref<4096x64xf32, #tpu.memory_space<vmem_shared>>) target(%dma_start3A_491 : memref<128x64xf32, #tpu.memory_space<vmem>>) offsets(%dma_start3A_494 : memref<128xi32, #tpu.memory_space<vmem>>) semaphore(%arg15 : memref<!tpu.dma_semaphore, #tpu.memory_space<semaphore_mem>>)
      %dma_wait3A_498 = arith.constant 0 : i32
      %dma_wait3A_499 = arith.constant 0 : i32
      %dma_wait3A_500 = tpu.memref_slice %arg10[%dma_wait3A_498, %dma_wait3A_499] : memref<4x128xi32, #tpu.memory_space<vmem>> -> memref<1x128xi32, #tpu.memory_space<vmem>>
      %dma_wait3A_501 = tpu.memref_squeeze %dma_wait3A_500 : memref<1x128xi32, #tpu.memory_space<vmem>> -> memref<128xi32, #tpu.memory_space<vmem>>
      %dma_wait3A_502 = tpu.memref_slice %arg3[%add3A_17] : memref<204800xi32, #tpu.memory_space<hbm>> -> memref<128xi32, #tpu.memory_space<hbm>>
      %dma_wait3A_503 = arith.constant 0 : i32
      %dma_wait3A_504 = tpu.memref_slice %arg10[%dma_wait3A_498, %dma_wait3A_503] : memref<4x128xi32, #tpu.memory_space<vmem>> -> memref<1x128xi32, #tpu.memory_space<vmem>>
      %dma_wait3A_505 = tpu.memref_squeeze %dma_wait3A_504 : memref<1x128xi32, #tpu.memory_space<vmem>> -> memref<128xi32, #tpu.memory_space<vmem>>
      %dma_wait3A_506 = tpu.memref_slice %arg3[%add3A_17] : memref<204800xi32, #tpu.memory_space<hbm>> -> memref<128xi32, #tpu.memory_space<hbm>>
      tpu.wait_dma2 semaphore(%arg14 : memref<!tpu.dma_semaphore, #tpu.memory_space<semaphore_mem>>) src(%dma_wait3A_506 : memref<128xi32, #tpu.memory_space<hbm>>) dst(%dma_wait3A_505 : memref<128xi32, #tpu.memory_space<vmem>>)
      %dma_wait3A_507 = arith.constant 1 : i32
      %dma_wait3A_508 = arith.constant 0 : i32
      %dma_wait3A_509 = tpu.memref_slice %arg10[%dma_wait3A_507, %dma_wait3A_508] : memref<4x128xi32, #tpu.memory_space<vmem>> -> memref<1x128xi32, #tpu.memory_space<vmem>>
      %dma_wait3A_510 = tpu.memref_squeeze %dma_wait3A_509 : memref<1x128xi32, #tpu.memory_space<vmem>> -> memref<128xi32, #tpu.memory_space<vmem>>
      %dma_wait3A_511 = tpu.memref_slice %arg4[%add3A_17] : memref<204800xi32, #tpu.memory_space<hbm>> -> memref<128xi32, #tpu.memory_space<hbm>>
      %dma_wait3A_512 = arith.constant 0 : i32
      %dma_wait3A_513 = tpu.memref_slice %arg10[%dma_wait3A_507, %dma_wait3A_512] : memref<4x128xi32, #tpu.memory_space<vmem>> -> memref<1x128xi32, #tpu.memory_space<vmem>>
      %dma_wait3A_514 = tpu.memref_squeeze %dma_wait3A_513 : memref<1x128xi32, #tpu.memory_space<vmem>> -> memref<128xi32, #tpu.memory_space<vmem>>
      %dma_wait3A_515 = tpu.memref_slice %arg4[%add3A_17] : memref<204800xi32, #tpu.memory_space<hbm>> -> memref<128xi32, #tpu.memory_space<hbm>>
      tpu.wait_dma2 semaphore(%arg14 : memref<!tpu.dma_semaphore, #tpu.memory_space<semaphore_mem>>) src(%dma_wait3A_515 : memref<128xi32, #tpu.memory_space<hbm>>) dst(%dma_wait3A_514 : memref<128xi32, #tpu.memory_space<vmem>>)
      %dma_wait3A_516 = arith.constant 2 : i32
      %dma_wait3A_517 = arith.constant 0 : i32
      %dma_wait3A_518 = tpu.memref_slice %arg10[%dma_wait3A_516, %dma_wait3A_517] : memref<4x128xi32, #tpu.memory_space<vmem>> -> memref<1x128xi32, #tpu.memory_space<vmem>>
      %dma_wait3A_519 = tpu.memref_squeeze %dma_wait3A_518 : memref<1x128xi32, #tpu.memory_space<vmem>> -> memref<128xi32, #tpu.memory_space<vmem>>
      %dma_wait3A_520 = tpu.memref_slice %arg5[%add3A_17] : memref<204800xi32, #tpu.memory_space<hbm>> -> memref<128xi32, #tpu.memory_space<hbm>>
      %dma_wait3A_521 = arith.constant 0 : i32
      %dma_wait3A_522 = tpu.memref_slice %arg10[%dma_wait3A_516, %dma_wait3A_521] : memref<4x128xi32, #tpu.memory_space<vmem>> -> memref<1x128xi32, #tpu.memory_space<vmem>>
      %dma_wait3A_523 = tpu.memref_squeeze %dma_wait3A_522 : memref<1x128xi32, #tpu.memory_space<vmem>> -> memref<128xi32, #tpu.memory_space<vmem>>
      %dma_wait3A_524 = tpu.memref_slice %arg5[%add3A_17] : memref<204800xi32, #tpu.memory_space<hbm>> -> memref<128xi32, #tpu.memory_space<hbm>>
      tpu.wait_dma2 semaphore(%arg14 : memref<!tpu.dma_semaphore, #tpu.memory_space<semaphore_mem>>) src(%dma_wait3A_524 : memref<128xi32, #tpu.memory_space<hbm>>) dst(%dma_wait3A_523 : memref<128xi32, #tpu.memory_space<vmem>>)
      %dma_wait3A_525 = arith.constant 3 : i32
      %dma_wait3A_526 = arith.constant 0 : i32
      %dma_wait3A_527 = tpu.memref_slice %arg10[%dma_wait3A_525, %dma_wait3A_526] : memref<4x128xi32, #tpu.memory_space<vmem>> -> memref<1x128xi32, #tpu.memory_space<vmem>>
      %dma_wait3A_528 = tpu.memref_squeeze %dma_wait3A_527 : memref<1x128xi32, #tpu.memory_space<vmem>> -> memref<128xi32, #tpu.memory_space<vmem>>
      %dma_wait3A_529 = tpu.memref_slice %arg6[%add3A_17] : memref<204800xi32, #tpu.memory_space<hbm>> -> memref<128xi32, #tpu.memory_space<hbm>>
      %dma_wait3A_530 = arith.constant 0 : i32
      %dma_wait3A_531 = tpu.memref_slice %arg10[%dma_wait3A_525, %dma_wait3A_530] : memref<4x128xi32, #tpu.memory_space<vmem>> -> memref<1x128xi32, #tpu.memory_space<vmem>>
      %dma_wait3A_532 = tpu.memref_squeeze %dma_wait3A_531 : memref<1x128xi32, #tpu.memory_space<vmem>> -> memref<128xi32, #tpu.memory_space<vmem>>
      %dma_wait3A_533 = tpu.memref_slice %arg6[%add3A_17] : memref<204800xi32, #tpu.memory_space<hbm>> -> memref<128xi32, #tpu.memory_space<hbm>>
      tpu.wait_dma2 semaphore(%arg14 : memref<!tpu.dma_semaphore, #tpu.memory_space<semaphore_mem>>) src(%dma_wait3A_533 : memref<128xi32, #tpu.memory_space<hbm>>) dst(%dma_wait3A_532 : memref<128xi32, #tpu.memory_space<vmem>>)
      %get3A_534 = arith.constant 1 : i32
      %get3A_535 = arith.index_cast %get3A_534 : i32 to index
      %get3A_536 = arith.constant 0 : index
      %get3A_537 = tpu.vector_load %arg10[%get3A_535, %get3A_536] {strides = array<i32>} : memref<4x128xi32, #tpu.memory_space<vmem>>, vector<1x16xi32>,
      %get3A_538 = vector.shape_cast %get3A_537 : vector<1x16xi32> to vector<16xi32>
      %add3A_539 = arith.constant 1024 : i32
      %add3A_540 = vector.broadcast %add3A_539 : i32 to vector<16xi32>
      %add3A_541 = arith.addi %get3A_538, %add3A_540 : vector<16xi32>
      %swap3A_542 = arith.constant 1 : i32
      %swap3A_543 = arith.index_cast %swap3A_542 : i32 to index
      %swap3A_544 = arith.constant 0 : index
      %swap3A_545 = tpu.vector_load %arg10[%swap3A_543, %swap3A_544] {strides = array<i32>} : memref<4x128xi32, #tpu.memory_space<vmem>>, vector<1x16xi32>,
      %swap3A_546 = vector.shape_cast %swap3A_545 : vector<1x16xi32> to vector<16xi32>
      %swap3A_547 = vector.shape_cast %add3A_541 : vector<16xi32> to vector<1x16xi32>
      tpu.vector_store %arg10[%swap3A_543, %swap3A_544], %swap3A_547 {strides = array<i32>} : memref<4x128xi32, #tpu.memory_space<vmem>>, vector<1x16xi32>,
      %get3A_548 = arith.constant 1 : i32
      %get3A_549 = arith.index_cast %get3A_548 : i32 to index
      %get3A_550 = arith.constant 16 : index
      %get3A_551 = tpu.vector_load %arg10[%get3A_549, %get3A_550] {strides = array<i32>} : memref<4x128xi32, #tpu.memory_space<vmem>>, vector<1x16xi32>,
      %get3A_552 = vector.shape_cast %get3A_551 : vector<1x16xi32> to vector<16xi32>
      %add3A_553 = arith.constant 1024 : i32
      %add3A_554 = vector.broadcast %add3A_553 : i32 to vector<16xi32>
      %add3A_555 = arith.addi %get3A_552, %add3A_554 : vector<16xi32>
      %swap3A_556 = arith.constant 1 : i32
      %swap3A_557 = arith.index_cast %swap3A_556 : i32 to index
      %swap3A_558 = arith.constant 16 : index
      %swap3A_559 = tpu.vector_load %arg10[%swap3A_557, %swap3A_558] {strides = array<i32>} : memref<4x128xi32, #tpu.memory_space<vmem>>, vector<1x16xi32>,
      %swap3A_560 = vector.shape_cast %swap3A_559 : vector<1x16xi32> to vector<16xi32>
      %swap3A_561 = vector.shape_cast %add3A_555 : vector<16xi32> to vector<1x16xi32>
      tpu.vector_store %arg10[%swap3A_557, %swap3A_558], %swap3A_561 {strides = array<i32>} : memref<4x128xi32, #tpu.memory_space<vmem>>, vector<1x16xi32>,
      %get3A_562 = arith.constant 1 : i32
      %get3A_563 = arith.index_cast %get3A_562 : i32 to index
      %get3A_564 = arith.constant 32 : index
      %get3A_565 = tpu.vector_load %arg10[%get3A_563, %get3A_564] {strides = array<i32>} : memref<4x128xi32, #tpu.memory_space<vmem>>, vector<1x16xi32>,
      %get3A_566 = vector.shape_cast %get3A_565 : vector<1x16xi32> to vector<16xi32>
      %add3A_567 = arith.constant 1024 : i32
      %add3A_568 = vector.broadcast %add3A_567 : i32 to vector<16xi32>
      %add3A_569 = arith.addi %get3A_566, %add3A_568 : vector<16xi32>
      %swap3A_570 = arith.constant 1 : i32
      %swap3A_571 = arith.index_cast %swap3A_570 : i32 to index
      %swap3A_572 = arith.constant 32 : index
      %swap3A_573 = tpu.vector_load %arg10[%swap3A_571, %swap3A_572] {strides = array<i32>} : memref<4x128xi32, #tpu.memory_space<vmem>>, vector<1x16xi32>,
      %swap3A_574 = vector.shape_cast %swap3A_573 : vector<1x16xi32> to vector<16xi32>
      %swap3A_575 = vector.shape_cast %add3A_569 : vector<16xi32> to vector<1x16xi32>
      tpu.vector_store %arg10[%swap3A_571, %swap3A_572], %swap3A_575 {strides = array<i32>} : memref<4x128xi32, #tpu.memory_space<vmem>>, vector<1x16xi32>,
      %get3A_576 = arith.constant 1 : i32
      %get3A_577 = arith.index_cast %get3A_576 : i32 to index
      %get3A_578 = arith.constant 48 : index
      %get3A_579 = tpu.vector_load %arg10[%get3A_577, %get3A_578] {strides = array<i32>} : memref<4x128xi32, #tpu.memory_space<vmem>>, vector<1x16xi32>,
      %get3A_580 = vector.shape_cast %get3A_579 : vector<1x16xi32> to vector<16xi32>
      %add3A_581 = arith.constant 1024 : i32
      %add3A_582 = vector.broadcast %add3A_581 : i32 to vector<16xi32>
      %add3A_583 = arith.addi %get3A_580, %add3A_582 : vector<16xi32>
      %swap3A_584 = arith.constant 1 : i32
      %swap3A_585 = arith.index_cast %swap3A_584 : i32 to index
      %swap3A_586 = arith.constant 48 : index
      %swap3A_587 = tpu.vector_load %arg10[%swap3A_585, %swap3A_586] {strides = array<i32>} : memref<4x128xi32, #tpu.memory_space<vmem>>, vector<1x16xi32>,
      %swap3A_588 = vector.shape_cast %swap3A_587 : vector<1x16xi32> to vector<16xi32>
      %swap3A_589 = vector.shape_cast %add3A_583 : vector<16xi32> to vector<1x16xi32>
      tpu.vector_store %arg10[%swap3A_585, %swap3A_586], %swap3A_589 {strides = array<i32>} : memref<4x128xi32, #tpu.memory_space<vmem>>, vector<1x16xi32>,
      %get3A_590 = arith.constant 1 : i32
      %get3A_591 = arith.index_cast %get3A_590 : i32 to index
      %get3A_592 = arith.constant 64 : index
      %get3A_593 = tpu.vector_load %arg10[%get3A_591, %get3A_592] {strides = array<i32>} : memref<4x128xi32, #tpu.memory_space<vmem>>, vector<1x16xi32>,
      %get3A_594 = vector.shape_cast %get3A_593 : vector<1x16xi32> to vector<16xi32>
      %add3A_595 = arith.constant 1024 : i32
      %add3A_596 = vector.broadcast %add3A_595 : i32 to vector<16xi32>
      %add3A_597 = arith.addi %get3A_594, %add3A_596 : vector<16xi32>
      %swap3A_598 = arith.constant 1 : i32
      %swap3A_599 = arith.index_cast %swap3A_598 : i32 to index
      %swap3A_600 = arith.constant 64 : index
      %swap3A_601 = tpu.vector_load %arg10[%swap3A_599, %swap3A_600] {strides = array<i32>} : memref<4x128xi32, #tpu.memory_space<vmem>>, vector<1x16xi32>,
      %swap3A_602 = vector.shape_cast %swap3A_601 : vector<1x16xi32> to vector<16xi32>
      %swap3A_603 = vector.shape_cast %add3A_597 : vector<16xi32> to vector<1x16xi32>
      tpu.vector_store %arg10[%swap3A_599, %swap3A_600], %swap3A_603 {strides = array<i32>} : memref<4x128xi32, #tpu.memory_space<vmem>>, vector<1x16xi32>,
      %get3A_604 = arith.constant 1 : i32
      %get3A_605 = arith.index_cast %get3A_604 : i32 to index
      %get3A_606 = arith.constant 80 : index
      %get3A_607 = tpu.vector_load %arg10[%get3A_605, %get3A_606] {strides = array<i32>} : memref<4x128xi32, #tpu.memory_space<vmem>>, vector<1x16xi32>,
      %get3A_608 = vector.shape_cast %get3A_607 : vector<1x16xi32> to vector<16xi32>
      %add3A_609 = arith.constant 1024 : i32
      %add3A_610 = vector.broadcast %add3A_609 : i32 to vector<16xi32>
      %add3A_611 = arith.addi %get3A_608, %add3A_610 : vector<16xi32>
      %swap3A_612 = arith.constant 1 : i32
      %swap3A_613 = arith.index_cast %swap3A_612 : i32 to index
      %swap3A_614 = arith.constant 80 : index
      %swap3A_615 = tpu.vector_load %arg10[%swap3A_613, %swap3A_614] {strides = array<i32>} : memref<4x128xi32, #tpu.memory_space<vmem>>, vector<1x16xi32>,
      %swap3A_616 = vector.shape_cast %swap3A_615 : vector<1x16xi32> to vector<16xi32>
      %swap3A_617 = vector.shape_cast %add3A_611 : vector<16xi32> to vector<1x16xi32>
      tpu.vector_store %arg10[%swap3A_613, %swap3A_614], %swap3A_617 {strides = array<i32>} : memref<4x128xi32, #tpu.memory_space<vmem>>, vector<1x16xi32>,
      %get3A_618 = arith.constant 1 : i32
      %get3A_619 = arith.index_cast %get3A_618 : i32 to index
      %get3A_620 = arith.constant 96 : index
      %get3A_621 = tpu.vector_load %arg10[%get3A_619, %get3A_620] {strides = array<i32>} : memref<4x128xi32, #tpu.memory_space<vmem>>, vector<1x16xi32>,
      %get3A_622 = vector.shape_cast %get3A_621 : vector<1x16xi32> to vector<16xi32>
      %add3A_623 = arith.constant 1024 : i32
      %add3A_624 = vector.broadcast %add3A_623 : i32 to vector<16xi32>
      %add3A_625 = arith.addi %get3A_622, %add3A_624 : vector<16xi32>
      %swap3A_626 = arith.constant 1 : i32
      %swap3A_627 = arith.index_cast %swap3A_626 : i32 to index
      %swap3A_628 = arith.constant 96 : index
      %swap3A_629 = tpu.vector_load %arg10[%swap3A_627, %swap3A_628] {strides = array<i32>} : memref<4x128xi32, #tpu.memory_space<vmem>>, vector<1x16xi32>,
      %swap3A_630 = vector.shape_cast %swap3A_629 : vector<1x16xi32> to vector<16xi32>
      %swap3A_631 = vector.shape_cast %add3A_625 : vector<16xi32> to vector<1x16xi32>
      tpu.vector_store %arg10[%swap3A_627, %swap3A_628], %swap3A_631 {strides = array<i32>} : memref<4x128xi32, #tpu.memory_space<vmem>>, vector<1x16xi32>,
      %get3A_632 = arith.constant 1 : i32
      %get3A_633 = arith.index_cast %get3A_632 : i32 to index
      %get3A_634 = arith.constant 112 : index
      %get3A_635 = tpu.vector_load %arg10[%get3A_633, %get3A_634] {strides = array<i32>} : memref<4x128xi32, #tpu.memory_space<vmem>>, vector<1x16xi32>,
      %get3A_636 = vector.shape_cast %get3A_635 : vector<1x16xi32> to vector<16xi32>
      %add3A_637 = arith.constant 1024 : i32
      %add3A_638 = vector.broadcast %add3A_637 : i32 to vector<16xi32>
      %add3A_639 = arith.addi %get3A_636, %add3A_638 : vector<16xi32>
      %swap3A_640 = arith.constant 1 : i32
      %swap3A_641 = arith.index_cast %swap3A_640 : i32 to index
      %swap3A_642 = arith.constant 112 : index
      %swap3A_643 = tpu.vector_load %arg10[%swap3A_641, %swap3A_642] {strides = array<i32>} : memref<4x128xi32, #tpu.memory_space<vmem>>, vector<1x16xi32>,
      %swap3A_644 = vector.shape_cast %swap3A_643 : vector<1x16xi32> to vector<16xi32>
      %swap3A_645 = vector.shape_cast %add3A_639 : vector<16xi32> to vector<1x16xi32>
      tpu.vector_store %arg10[%swap3A_641, %swap3A_642], %swap3A_645 {strides = array<i32>} : memref<4x128xi32, #tpu.memory_space<vmem>>, vector<1x16xi32>,
      %get3A_646 = arith.constant 2 : i32
      %get3A_647 = arith.index_cast %get3A_646 : i32 to index
      %get3A_648 = arith.constant 0 : index
      %get3A_649 = tpu.vector_load %arg10[%get3A_647, %get3A_648] {strides = array<i32>} : memref<4x128xi32, #tpu.memory_space<vmem>>, vector<1x16xi32>,
      %get3A_650 = vector.shape_cast %get3A_649 : vector<1x16xi32> to vector<16xi32>
      %add3A_651 = arith.constant 2048 : i32
      %add3A_652 = vector.broadcast %add3A_651 : i32 to vector<16xi32>
      %add3A_653 = arith.addi %get3A_650, %add3A_652 : vector<16xi32>
      %swap3A_654 = arith.constant 2 : i32
      %swap3A_655 = arith.index_cast %swap3A_654 : i32 to index
      %swap3A_656 = arith.constant 0 : index
      %swap3A_657 = tpu.vector_load %arg10[%swap3A_655, %swap3A_656] {strides = array<i32>} : memref<4x128xi32, #tpu.memory_space<vmem>>, vector<1x16xi32>,
      %swap3A_658 = vector.shape_cast %swap3A_657 : vector<1x16xi32> to vector<16xi32>
      %swap3A_659 = vector.shape_cast %add3A_653 : vector<16xi32> to vector<1x16xi32>
      tpu.vector_store %arg10[%swap3A_655, %swap3A_656], %swap3A_659 {strides = array<i32>} : memref<4x128xi32, #tpu.memory_space<vmem>>, vector<1x16xi32>,
      %get3A_660 = arith.constant 2 : i32
      %get3A_661 = arith.index_cast %get3A_660 : i32 to index
      %get3A_662 = arith.constant 16 : index
      %get3A_663 = tpu.vector_load %arg10[%get3A_661, %get3A_662] {strides = array<i32>} : memref<4x128xi32, #tpu.memory_space<vmem>>, vector<1x16xi32>,
      %get3A_664 = vector.shape_cast %get3A_663 : vector<1x16xi32> to vector<16xi32>
      %add3A_665 = arith.constant 2048 : i32
      %add3A_666 = vector.broadcast %add3A_665 : i32 to vector<16xi32>
      %add3A_667 = arith.addi %get3A_664, %add3A_666 : vector<16xi32>
      %swap3A_668 = arith.constant 2 : i32
      %swap3A_669 = arith.index_cast %swap3A_668 : i32 to index
      %swap3A_670 = arith.constant 16 : index
      %swap3A_671 = tpu.vector_load %arg10[%swap3A_669, %swap3A_670] {strides = array<i32>} : memref<4x128xi32, #tpu.memory_space<vmem>>, vector<1x16xi32>,
      %swap3A_672 = vector.shape_cast %swap3A_671 : vector<1x16xi32> to vector<16xi32>
      %swap3A_673 = vector.shape_cast %add3A_667 : vector<16xi32> to vector<1x16xi32>
      tpu.vector_store %arg10[%swap3A_669, %swap3A_670], %swap3A_673 {strides = array<i32>} : memref<4x128xi32, #tpu.memory_space<vmem>>, vector<1x16xi32>,
      %get3A_674 = arith.constant 2 : i32
      %get3A_675 = arith.index_cast %get3A_674 : i32 to index
      %get3A_676 = arith.constant 32 : index
      %get3A_677 = tpu.vector_load %arg10[%get3A_675, %get3A_676] {strides = array<i32>} : memref<4x128xi32, #tpu.memory_space<vmem>>, vector<1x16xi32>,
      %get3A_678 = vector.shape_cast %get3A_677 : vector<1x16xi32> to vector<16xi32>
      %add3A_679 = arith.constant 2048 : i32
      %add3A_680 = vector.broadcast %add3A_679 : i32 to vector<16xi32>
      %add3A_681 = arith.addi %get3A_678, %add3A_680 : vector<16xi32>
      %swap3A_682 = arith.constant 2 : i32
      %swap3A_683 = arith.index_cast %swap3A_682 : i32 to index
      %swap3A_684 = arith.constant 32 : index
      %swap3A_685 = tpu.vector_load %arg10[%swap3A_683, %swap3A_684] {strides = array<i32>} : memref<4x128xi32, #tpu.memory_space<vmem>>, vector<1x16xi32>,
      %swap3A_686 = vector.shape_cast %swap3A_685 : vector<1x16xi32> to vector<16xi32>
      %swap3A_687 = vector.shape_cast %add3A_681 : vector<16xi32> to vector<1x16xi32>
      tpu.vector_store %arg10[%swap3A_683, %swap3A_684], %swap3A_687 {strides = array<i32>} : memref<4x128xi32, #tpu.memory_space<vmem>>, vector<1x16xi32>,
      %get3A_688 = arith.constant 2 : i32
      %get3A_689 = arith.index_cast %get3A_688 : i32 to index
      %get3A_690 = arith.constant 48 : index
      %get3A_691 = tpu.vector_load %arg10[%get3A_689, %get3A_690] {strides = array<i32>} : memref<4x128xi32, #tpu.memory_space<vmem>>, vector<1x16xi32>,
      %get3A_692 = vector.shape_cast %get3A_691 : vector<1x16xi32> to vector<16xi32>
      %add3A_693 = arith.constant 2048 : i32
      %add3A_694 = vector.broadcast %add3A_693 : i32 to vector<16xi32>
      %add3A_695 = arith.addi %get3A_692, %add3A_694 : vector<16xi32>
      %swap3A_696 = arith.constant 2 : i32
      %swap3A_697 = arith.index_cast %swap3A_696 : i32 to index
      %swap3A_698 = arith.constant 48 : index
      %swap3A_699 = tpu.vector_load %arg10[%swap3A_697, %swap3A_698] {strides = array<i32>} : memref<4x128xi32, #tpu.memory_space<vmem>>, vector<1x16xi32>,
      %swap3A_700 = vector.shape_cast %swap3A_699 : vector<1x16xi32> to vector<16xi32>
      %swap3A_701 = vector.shape_cast %add3A_695 : vector<16xi32> to vector<1x16xi32>
      tpu.vector_store %arg10[%swap3A_697, %swap3A_698], %swap3A_701 {strides = array<i32>} : memref<4x128xi32, #tpu.memory_space<vmem>>, vector<1x16xi32>,
      %get3A_702 = arith.constant 2 : i32
      %get3A_703 = arith.index_cast %get3A_702 : i32 to index
      %get3A_704 = arith.constant 64 : index
      %get3A_705 = tpu.vector_load %arg10[%get3A_703, %get3A_704] {strides = array<i32>} : memref<4x128xi32, #tpu.memory_space<vmem>>, vector<1x16xi32>,
      %get3A_706 = vector.shape_cast %get3A_705 : vector<1x16xi32> to vector<16xi32>
      %add3A_707 = arith.constant 2048 : i32
      %add3A_708 = vector.broadcast %add3A_707 : i32 to vector<16xi32>
      %add3A_709 = arith.addi %get3A_706, %add3A_708 : vector<16xi32>
      %swap3A_710 = arith.constant 2 : i32
      %swap3A_711 = arith.index_cast %swap3A_710 : i32 to index
      %swap3A_712 = arith.constant 64 : index
      %swap3A_713 = tpu.vector_load %arg10[%swap3A_711, %swap3A_712] {strides = array<i32>} : memref<4x128xi32, #tpu.memory_space<vmem>>, vector<1x16xi32>,
      %swap3A_714 = vector.shape_cast %swap3A_713 : vector<1x16xi32> to vector<16xi32>
      %swap3A_715 = vector.shape_cast %add3A_709 : vector<16xi32> to vector<1x16xi32>
      tpu.vector_store %arg10[%swap3A_711, %swap3A_712], %swap3A_715 {strides = array<i32>} : memref<4x128xi32, #tpu.memory_space<vmem>>, vector<1x16xi32>,
      %get3A_716 = arith.constant 2 : i32
      %get3A_717 = arith.index_cast %get3A_716 : i32 to index
      %get3A_718 = arith.constant 80 : index
      %get3A_719 = tpu.vector_load %arg10[%get3A_717, %get3A_718] {strides = array<i32>} : memref<4x128xi32, #tpu.memory_space<vmem>>, vector<1x16xi32>,
      %get3A_720 = vector.shape_cast %get3A_719 : vector<1x16xi32> to vector<16xi32>
      %add3A_721 = arith.constant 2048 : i32
      %add3A_722 = vector.broadcast %add3A_721 : i32 to vector<16xi32>
      %add3A_723 = arith.addi %get3A_720, %add3A_722 : vector<16xi32>
      %swap3A_724 = arith.constant 2 : i32
      %swap3A_725 = arith.index_cast %swap3A_724 : i32 to index
      %swap3A_726 = arith.constant 80 : index
      %swap3A_727 = tpu.vector_load %arg10[%swap3A_725, %swap3A_726] {strides = array<i32>} : memref<4x128xi32, #tpu.memory_space<vmem>>, vector<1x16xi32>,
      %swap3A_728 = vector.shape_cast %swap3A_727 : vector<1x16xi32> to vector<16xi32>
      %swap3A_729 = vector.shape_cast %add3A_723 : vector<16xi32> to vector<1x16xi32>
      tpu.vector_store %arg10[%swap3A_725, %swap3A_726], %swap3A_729 {strides = array<i32>} : memref<4x128xi32, #tpu.memory_space<vmem>>, vector<1x16xi32>,
      %get3A_730 = arith.constant 2 : i32
      %get3A_731 = arith.index_cast %get3A_730 : i32 to index
      %get3A_732 = arith.constant 96 : index
      %get3A_733 = tpu.vector_load %arg10[%get3A_731, %get3A_732] {strides = array<i32>} : memref<4x128xi32, #tpu.memory_space<vmem>>, vector<1x16xi32>,
      %get3A_734 = vector.shape_cast %get3A_733 : vector<1x16xi32> to vector<16xi32>
      %add3A_735 = arith.constant 2048 : i32
      %add3A_736 = vector.broadcast %add3A_735 : i32 to vector<16xi32>
      %add3A_737 = arith.addi %get3A_734, %add3A_736 : vector<16xi32>
      %swap3A_738 = arith.constant 2 : i32
      %swap3A_739 = arith.index_cast %swap3A_738 : i32 to index
      %swap3A_740 = arith.constant 96 : index
      %swap3A_741 = tpu.vector_load %arg10[%swap3A_739, %swap3A_740] {strides = array<i32>} : memref<4x128xi32, #tpu.memory_space<vmem>>, vector<1x16xi32>,
      %swap3A_742 = vector.shape_cast %swap3A_741 : vector<1x16xi32> to vector<16xi32>
      %swap3A_743 = vector.shape_cast %add3A_737 : vector<16xi32> to vector<1x16xi32>
      tpu.vector_store %arg10[%swap3A_739, %swap3A_740], %swap3A_743 {strides = array<i32>} : memref<4x128xi32, #tpu.memory_space<vmem>>, vector<1x16xi32>,
      %get3A_744 = arith.constant 2 : i32
      %get3A_745 = arith.index_cast %get3A_744 : i32 to index
      %get3A_746 = arith.constant 112 : index
      %get3A_747 = tpu.vector_load %arg10[%get3A_745, %get3A_746] {strides = array<i32>} : memref<4x128xi32, #tpu.memory_space<vmem>>, vector<1x16xi32>,
      %get3A_748 = vector.shape_cast %get3A_747 : vector<1x16xi32> to vector<16xi32>
      %add3A_749 = arith.constant 2048 : i32
      %add3A_750 = vector.broadcast %add3A_749 : i32 to vector<16xi32>
      %add3A_751 = arith.addi %get3A_748, %add3A_750 : vector<16xi32>
      %swap3A_752 = arith.constant 2 : i32
      %swap3A_753 = arith.index_cast %swap3A_752 : i32 to index
      %swap3A_754 = arith.constant 112 : index
      %swap3A_755 = tpu.vector_load %arg10[%swap3A_753, %swap3A_754] {strides = array<i32>} : memref<4x128xi32, #tpu.memory_space<vmem>>, vector<1x16xi32>,
      %swap3A_756 = vector.shape_cast %swap3A_755 : vector<1x16xi32> to vector<16xi32>
      %swap3A_757 = vector.shape_cast %add3A_751 : vector<16xi32> to vector<1x16xi32>
      tpu.vector_store %arg10[%swap3A_753, %swap3A_754], %swap3A_757 {strides = array<i32>} : memref<4x128xi32, #tpu.memory_space<vmem>>, vector<1x16xi32>,
      %get3A_758 = arith.constant 3 : i32
      %get3A_759 = arith.index_cast %get3A_758 : i32 to index
      %get3A_760 = arith.constant 0 : index
      %get3A_761 = tpu.vector_load %arg10[%get3A_759, %get3A_760] {strides = array<i32>} : memref<4x128xi32, #tpu.memory_space<vmem>>, vector<1x16xi32>,
      %get3A_762 = vector.shape_cast %get3A_761 : vector<1x16xi32> to vector<16xi32>
      %add3A_763 = arith.constant 3072 : i32
      %add3A_764 = vector.broadcast %add3A_763 : i32 to vector<16xi32>
      %add3A_765 = arith.addi %get3A_762, %add3A_764 : vector<16xi32>
      %swap3A_766 = arith.constant 3 : i32
      %swap3A_767 = arith.index_cast %swap3A_766 : i32 to index
      %swap3A_768 = arith.constant 0 : index
      %swap3A_769 = tpu.vector_load %arg10[%swap3A_767, %swap3A_768] {strides = array<i32>} : memref<4x128xi32, #tpu.memory_space<vmem>>, vector<1x16xi32>,
      %swap3A_770 = vector.shape_cast %swap3A_769 : vector<1x16xi32> to vector<16xi32>
      %swap3A_771 = vector.shape_cast %add3A_765 : vector<16xi32> to vector<1x16xi32>
      tpu.vector_store %arg10[%swap3A_767, %swap3A_768], %swap3A_771 {strides = array<i32>} : memref<4x128xi32, #tpu.memory_space<vmem>>, vector<1x16xi32>,
      %get3A_772 = arith.constant 3 : i32
      %get3A_773 = arith.index_cast %get3A_772 : i32 to index
      %get3A_774 = arith.constant 16 : index
      %get3A_775 = tpu.vector_load %arg10[%get3A_773, %get3A_774] {strides = array<i32>} : memref<4x128xi32, #tpu.memory_space<vmem>>, vector<1x16xi32>,
      %get3A_776 = vector.shape_cast %get3A_775 : vector<1x16xi32> to vector<16xi32>
      %add3A_777 = arith.constant 3072 : i32
      %add3A_778 = vector.broadcast %add3A_777 : i32 to vector<16xi32>
      %add3A_779 = arith.addi %get3A_776, %add3A_778 : vector<16xi32>
      %swap3A_780 = arith.constant 3 : i32
      %swap3A_781 = arith.index_cast %swap3A_780 : i32 to index
      %swap3A_782 = arith.constant 16 : index
      %swap3A_783 = tpu.vector_load %arg10[%swap3A_781, %swap3A_782] {strides = array<i32>} : memref<4x128xi32, #tpu.memory_space<vmem>>, vector<1x16xi32>,
      %swap3A_784 = vector.shape_cast %swap3A_783 : vector<1x16xi32> to vector<16xi32>
      %swap3A_785 = vector.shape_cast %add3A_779 : vector<16xi32> to vector<1x16xi32>
      tpu.vector_store %arg10[%swap3A_781, %swap3A_782], %swap3A_785 {strides = array<i32>} : memref<4x128xi32, #tpu.memory_space<vmem>>, vector<1x16xi32>,
      %get3A_786 = arith.constant 3 : i32
      %get3A_787 = arith.index_cast %get3A_786 : i32 to index
      %get3A_788 = arith.constant 32 : index
      %get3A_789 = tpu.vector_load %arg10[%get3A_787, %get3A_788] {strides = array<i32>} : memref<4x128xi32, #tpu.memory_space<vmem>>, vector<1x16xi32>,
      %get3A_790 = vector.shape_cast %get3A_789 : vector<1x16xi32> to vector<16xi32>
      %add3A_791 = arith.constant 3072 : i32
      %add3A_792 = vector.broadcast %add3A_791 : i32 to vector<16xi32>
      %add3A_793 = arith.addi %get3A_790, %add3A_792 : vector<16xi32>
      %swap3A_794 = arith.constant 3 : i32
      %swap3A_795 = arith.index_cast %swap3A_794 : i32 to index
      %swap3A_796 = arith.constant 32 : index
      %swap3A_797 = tpu.vector_load %arg10[%swap3A_795, %swap3A_796] {strides = array<i32>} : memref<4x128xi32, #tpu.memory_space<vmem>>, vector<1x16xi32>,
      %swap3A_798 = vector.shape_cast %swap3A_797 : vector<1x16xi32> to vector<16xi32>
      %swap3A_799 = vector.shape_cast %add3A_793 : vector<16xi32> to vector<1x16xi32>
      tpu.vector_store %arg10[%swap3A_795, %swap3A_796], %swap3A_799 {strides = array<i32>} : memref<4x128xi32, #tpu.memory_space<vmem>>, vector<1x16xi32>,
      %get3A_800 = arith.constant 3 : i32
      %get3A_801 = arith.index_cast %get3A_800 : i32 to index
      %get3A_802 = arith.constant 48 : index
      %get3A_803 = tpu.vector_load %arg10[%get3A_801, %get3A_802] {strides = array<i32>} : memref<4x128xi32, #tpu.memory_space<vmem>>, vector<1x16xi32>,
      %get3A_804 = vector.shape_cast %get3A_803 : vector<1x16xi32> to vector<16xi32>
      %add3A_805 = arith.constant 3072 : i32
      %add3A_806 = vector.broadcast %add3A_805 : i32 to vector<16xi32>
      %add3A_807 = arith.addi %get3A_804, %add3A_806 : vector<16xi32>
      %swap3A_808 = arith.constant 3 : i32
      %swap3A_809 = arith.index_cast %swap3A_808 : i32 to index
      %swap3A_810 = arith.constant 48 : index
      %swap3A_811 = tpu.vector_load %arg10[%swap3A_809, %swap3A_810] {strides = array<i32>} : memref<4x128xi32, #tpu.memory_space<vmem>>, vector<1x16xi32>,
      %swap3A_812 = vector.shape_cast %swap3A_811 : vector<1x16xi32> to vector<16xi32>
      %swap3A_813 = vector.shape_cast %add3A_807 : vector<16xi32> to vector<1x16xi32>
      tpu.vector_store %arg10[%swap3A_809, %swap3A_810], %swap3A_813 {strides = array<i32>} : memref<4x128xi32, #tpu.memory_space<vmem>>, vector<1x16xi32>,
      %get3A_814 = arith.constant 3 : i32
      %get3A_815 = arith.index_cast %get3A_814 : i32 to index
      %get3A_816 = arith.constant 64 : index
      %get3A_817 = tpu.vector_load %arg10[%get3A_815, %get3A_816] {strides = array<i32>} : memref<4x128xi32, #tpu.memory_space<vmem>>, vector<1x16xi32>,
      %get3A_818 = vector.shape_cast %get3A_817 : vector<1x16xi32> to vector<16xi32>
      %add3A_819 = arith.constant 3072 : i32
      %add3A_820 = vector.broadcast %add3A_819 : i32 to vector<16xi32>
      %add3A_821 = arith.addi %get3A_818, %add3A_820 : vector<16xi32>
      %swap3A_822 = arith.constant 3 : i32
      %swap3A_823 = arith.index_cast %swap3A_822 : i32 to index
      %swap3A_824 = arith.constant 64 : index
      %swap3A_825 = tpu.vector_load %arg10[%swap3A_823, %swap3A_824] {strides = array<i32>} : memref<4x128xi32, #tpu.memory_space<vmem>>, vector<1x16xi32>,
      %swap3A_826 = vector.shape_cast %swap3A_825 : vector<1x16xi32> to vector<16xi32>
      %swap3A_827 = vector.shape_cast %add3A_821 : vector<16xi32> to vector<1x16xi32>
      tpu.vector_store %arg10[%swap3A_823, %swap3A_824], %swap3A_827 {strides = array<i32>} : memref<4x128xi32, #tpu.memory_space<vmem>>, vector<1x16xi32>,
      %get3A_828 = arith.constant 3 : i32
      %get3A_829 = arith.index_cast %get3A_828 : i32 to index
      %get3A_830 = arith.constant 80 : index
      %get3A_831 = tpu.vector_load %arg10[%get3A_829, %get3A_830] {strides = array<i32>} : memref<4x128xi32, #tpu.memory_space<vmem>>, vector<1x16xi32>,
      %get3A_832 = vector.shape_cast %get3A_831 : vector<1x16xi32> to vector<16xi32>
      %add3A_833 = arith.constant 3072 : i32
      %add3A_834 = vector.broadcast %add3A_833 : i32 to vector<16xi32>
      %add3A_835 = arith.addi %get3A_832, %add3A_834 : vector<16xi32>
      %swap3A_836 = arith.constant 3 : i32
      %swap3A_837 = arith.index_cast %swap3A_836 : i32 to index
      %swap3A_838 = arith.constant 80 : index
      %swap3A_839 = tpu.vector_load %arg10[%swap3A_837, %swap3A_838] {strides = array<i32>} : memref<4x128xi32, #tpu.memory_space<vmem>>, vector<1x16xi32>,
      %swap3A_840 = vector.shape_cast %swap3A_839 : vector<1x16xi32> to vector<16xi32>
      %swap3A_841 = vector.shape_cast %add3A_835 : vector<16xi32> to vector<1x16xi32>
      tpu.vector_store %arg10[%swap3A_837, %swap3A_838], %swap3A_841 {strides = array<i32>} : memref<4x128xi32, #tpu.memory_space<vmem>>, vector<1x16xi32>,
      %get3A_842 = arith.constant 3 : i32
      %get3A_843 = arith.index_cast %get3A_842 : i32 to index
      %get3A_844 = arith.constant 96 : index
      %get3A_845 = tpu.vector_load %arg10[%get3A_843, %get3A_844] {strides = array<i32>} : memref<4x128xi32, #tpu.memory_space<vmem>>, vector<1x16xi32>,
      %get3A_846 = vector.shape_cast %get3A_845 : vector<1x16xi32> to vector<16xi32>
      %add3A_847 = arith.constant 3072 : i32
      %add3A_848 = vector.broadcast %add3A_847 : i32 to vector<16xi32>
      %add3A_849 = arith.addi %get3A_846, %add3A_848 : vector<16xi32>
      %swap3A_850 = arith.constant 3 : i32
      %swap3A_851 = arith.index_cast %swap3A_850 : i32 to index
      %swap3A_852 = arith.constant 96 : index
      %swap3A_853 = tpu.vector_load %arg10[%swap3A_851, %swap3A_852] {strides = array<i32>} : memref<4x128xi32, #tpu.memory_space<vmem>>, vector<1x16xi32>,
      %swap3A_854 = vector.shape_cast %swap3A_853 : vector<1x16xi32> to vector<16xi32>
      %swap3A_855 = vector.shape_cast %add3A_849 : vector<16xi32> to vector<1x16xi32>
      tpu.vector_store %arg10[%swap3A_851, %swap3A_852], %swap3A_855 {strides = array<i32>} : memref<4x128xi32, #tpu.memory_space<vmem>>, vector<1x16xi32>,
      %get3A_856 = arith.constant 3 : i32
      %get3A_857 = arith.index_cast %get3A_856 : i32 to index
      %get3A_858 = arith.constant 112 : index
      %get3A_859 = tpu.vector_load %arg10[%get3A_857, %get3A_858] {strides = array<i32>} : memref<4x128xi32, #tpu.memory_space<vmem>>, vector<1x16xi32>,
      %get3A_860 = vector.shape_cast %get3A_859 : vector<1x16xi32> to vector<16xi32>
      %add3A_861 = arith.constant 3072 : i32
      %add3A_862 = vector.broadcast %add3A_861 : i32 to vector<16xi32>
      %add3A_863 = arith.addi %get3A_860, %add3A_862 : vector<16xi32>
      %swap3A_864 = arith.constant 3 : i32
      %swap3A_865 = arith.index_cast %swap3A_864 : i32 to index
      %swap3A_866 = arith.constant 112 : index
      %swap3A_867 = tpu.vector_load %arg10[%swap3A_865, %swap3A_866] {strides = array<i32>} : memref<4x128xi32, #tpu.memory_space<vmem>>, vector<1x16xi32>,
      %swap3A_868 = vector.shape_cast %swap3A_867 : vector<1x16xi32> to vector<16xi32>
      %swap3A_869 = vector.shape_cast %add3A_863 : vector<16xi32> to vector<1x16xi32>
      tpu.vector_store %arg10[%swap3A_865, %swap3A_866], %swap3A_869 {strides = array<i32>} : memref<4x128xi32, #tpu.memory_space<vmem>>, vector<1x16xi32>,
      %dma_start3A_870 = arith.constant 0 : i32
      %dma_start3A_871 = arith.constant 0 : i32
      %dma_start3A_872 = arith.constant 0 : i32
      %dma_start3A_873 = tpu.memref_slice %arg12[%dma_start3A_871, %dma_start3A_872] : memref<512x64xf32, #tpu.memory_space<vmem>> -> memref<128x64xf32, #tpu.memory_space<vmem>>
      %dma_start3A_874 = arith.constant 0 : i32
      %dma_start3A_875 = tpu.memref_slice %arg10[%dma_start3A_870, %dma_start3A_874] : memref<4x128xi32, #tpu.memory_space<vmem>> -> memref<1x128xi32, #tpu.memory_space<vmem>>
      %dma_start3A_876 = tpu.memref_squeeze %dma_start3A_875 : memref<1x128xi32, #tpu.memory_space<vmem>> -> memref<128xi32, #tpu.memory_space<vmem>>
      %dma_start3A_877 = arith.constant 0 : i32
      %dma_start3A_878 = arith.constant 0 : i32
      %dma_start3A_879 = tpu.memref_slice %arg8[%dma_start3A_877, %dma_start3A_878] : memref<4096x64xf32, #tpu.memory_space<vmem_shared>> -> memref<4096x64xf32, #tpu.memory_space<vmem_shared>>
      tpu.enqueue_indirect_dma source(%dma_start3A_879 : memref<4096x64xf32, #tpu.memory_space<vmem_shared>>) target(%dma_start3A_873 : memref<128x64xf32, #tpu.memory_space<vmem>>) offsets(%dma_start3A_876 : memref<128xi32, #tpu.memory_space<vmem>>) semaphore(%arg16 : memref<!tpu.dma_semaphore, #tpu.memory_space<semaphore_mem>>)
      %dma_start3A_880 = arith.constant 1 : i32
      %dma_start3A_881 = arith.constant 128 : i32
      %dma_start3A_882 = arith.constant 0 : i32
      %dma_start3A_883 = tpu.memref_slice %arg12[%dma_start3A_881, %dma_start3A_882] : memref<512x64xf32, #tpu.memory_space<vmem>> -> memref<128x64xf32, #tpu.memory_space<vmem>>
      %dma_start3A_884 = arith.constant 0 : i32
      %dma_start3A_885 = tpu.memref_slice %arg10[%dma_start3A_880, %dma_start3A_884] : memref<4x128xi32, #tpu.memory_space<vmem>> -> memref<1x128xi32, #tpu.memory_space<vmem>>
      %dma_start3A_886 = tpu.memref_squeeze %dma_start3A_885 : memref<1x128xi32, #tpu.memory_space<vmem>> -> memref<128xi32, #tpu.memory_space<vmem>>
      %dma_start3A_887 = arith.constant 0 : i32
      %dma_start3A_888 = arith.constant 0 : i32
      %dma_start3A_889 = tpu.memref_slice %arg8[%dma_start3A_887, %dma_start3A_888] : memref<4096x64xf32, #tpu.memory_space<vmem_shared>> -> memref<4096x64xf32, #tpu.memory_space<vmem_shared>>
      tpu.enqueue_indirect_dma source(%dma_start3A_889 : memref<4096x64xf32, #tpu.memory_space<vmem_shared>>) target(%dma_start3A_883 : memref<128x64xf32, #tpu.memory_space<vmem>>) offsets(%dma_start3A_886 : memref<128xi32, #tpu.memory_space<vmem>>) semaphore(%arg16 : memref<!tpu.dma_semaphore, #tpu.memory_space<semaphore_mem>>)
      %dma_start3A_890 = arith.constant 2 : i32
      %dma_start3A_891 = arith.constant 256 : i32
      %dma_start3A_892 = arith.constant 0 : i32
      %dma_start3A_893 = tpu.memref_slice %arg12[%dma_start3A_891, %dma_start3A_892] : memref<512x64xf32, #tpu.memory_space<vmem>> -> memref<128x64xf32, #tpu.memory_space<vmem>>
      %dma_start3A_894 = arith.constant 0 : i32
      %dma_start3A_895 = tpu.memref_slice %arg10[%dma_start3A_890, %dma_start3A_894] : memref<4x128xi32, #tpu.memory_space<vmem>> -> memref<1x128xi32, #tpu.memory_space<vmem>>
      %dma_start3A_896 = tpu.memref_squeeze %dma_start3A_895 : memref<1x128xi32, #tpu.memory_space<vmem>> -> memref<128xi32, #tpu.memory_space<vmem>>
      %dma_start3A_897 = arith.constant 0 : i32
      %dma_start3A_898 = arith.constant 0 : i32
      %dma_start3A_899 = tpu.memref_slice %arg8[%dma_start3A_897, %dma_start3A_898] : memref<4096x64xf32, #tpu.memory_space<vmem_shared>> -> memref<4096x64xf32, #tpu.memory_space<vmem_shared>>
      tpu.enqueue_indirect_dma source(%dma_start3A_899 : memref<4096x64xf32, #tpu.memory_space<vmem_shared>>) target(%dma_start3A_893 : memref<128x64xf32, #tpu.memory_space<vmem>>) offsets(%dma_start3A_896 : memref<128xi32, #tpu.memory_space<vmem>>) semaphore(%arg16 : memref<!tpu.dma_semaphore, #tpu.memory_space<semaphore_mem>>)
      %dma_start3A_900 = arith.constant 3 : i32
      %dma_start3A_901 = arith.constant 384 : i32
      %dma_start3A_902 = arith.constant 0 : i32
      %dma_start3A_903 = tpu.memref_slice %arg12[%dma_start3A_901, %dma_start3A_902] : memref<512x64xf32, #tpu.memory_space<vmem>> -> memref<128x64xf32, #tpu.memory_space<vmem>>
      %dma_start3A_904 = arith.constant 0 : i32
      %dma_start3A_905 = tpu.memref_slice %arg10[%dma_start3A_900, %dma_start3A_904] : memref<4x128xi32, #tpu.memory_space<vmem>> -> memref<1x128xi32, #tpu.memory_space<vmem>>
      %dma_start3A_906 = tpu.memref_squeeze %dma_start3A_905 : memref<1x128xi32, #tpu.memory_space<vmem>> -> memref<128xi32, #tpu.memory_space<vmem>>
      %dma_start3A_907 = arith.constant 0 : i32
      %dma_start3A_908 = arith.constant 0 : i32
      %dma_start3A_909 = tpu.memref_slice %arg8[%dma_start3A_907, %dma_start3A_908] : memref<4096x64xf32, #tpu.memory_space<vmem_shared>> -> memref<4096x64xf32, #tpu.memory_space<vmem_shared>>
      tpu.enqueue_indirect_dma source(%dma_start3A_909 : memref<4096x64xf32, #tpu.memory_space<vmem_shared>>) target(%dma_start3A_903 : memref<128x64xf32, #tpu.memory_space<vmem>>) offsets(%dma_start3A_906 : memref<128xi32, #tpu.memory_space<vmem>>) semaphore(%arg16 : memref<!tpu.dma_semaphore, #tpu.memory_space<semaphore_mem>>)
      %dma_wait3A_910 = arith.constant 0 : i32
      %dma_wait3A_911 = arith.constant 0 : i32
      %dma_wait3A_912 = arith.constant 0 : i32
      %dma_wait3A_913 = tpu.memref_slice %arg11[%dma_wait3A_911, %dma_wait3A_912] : memref<512x64xf32, #tpu.memory_space<vmem>> -> memref<128x64xf32, #tpu.memory_space<vmem>>
      %dma_wait3A_914 = arith.constant 0 : i32
      %dma_wait3A_915 = tpu.memref_slice %arg9[%dma_wait3A_910, %dma_wait3A_914] : memref<4x128xi32, #tpu.memory_space<vmem>> -> memref<1x128xi32, #tpu.memory_space<vmem>>
      %dma_wait3A_916 = tpu.memref_squeeze %dma_wait3A_915 : memref<1x128xi32, #tpu.memory_space<vmem>> -> memref<128xi32, #tpu.memory_space<vmem>>
      %dma_wait3A_917 = arith.constant 0 : i32
      %dma_wait3A_918 = arith.constant 0 : i32
      %dma_wait3A_919 = tpu.memref_slice %arg8[%dma_wait3A_917, %dma_wait3A_918] : memref<4096x64xf32, #tpu.memory_space<vmem_shared>> -> memref<4096x64xf32, #tpu.memory_space<vmem_shared>>
      tpu.wait_indirect_dma semaphore(%arg15 : memref<!tpu.dma_semaphore, #tpu.memory_space<semaphore_mem>>) src(%dma_wait3A_919 : memref<4096x64xf32, #tpu.memory_space<vmem_shared>>) dst(%dma_wait3A_913 : memref<128x64xf32, #tpu.memory_space<vmem>>)
      %dma_wait3A_920 = arith.constant 1 : i32
      %dma_wait3A_921 = arith.constant 128 : i32
      %dma_wait3A_922 = arith.constant 0 : i32
      %dma_wait3A_923 = tpu.memref_slice %arg11[%dma_wait3A_921, %dma_wait3A_922] : memref<512x64xf32, #tpu.memory_space<vmem>> -> memref<128x64xf32, #tpu.memory_space<vmem>>
      %dma_wait3A_924 = arith.constant 0 : i32
      %dma_wait3A_925 = tpu.memref_slice %arg9[%dma_wait3A_920, %dma_wait3A_924] : memref<4x128xi32, #tpu.memory_space<vmem>> -> memref<1x128xi32, #tpu.memory_space<vmem>>
      %dma_wait3A_926 = tpu.memref_squeeze %dma_wait3A_925 : memref<1x128xi32, #tpu.memory_space<vmem>> -> memref<128xi32, #tpu.memory_space<vmem>>
      %dma_wait3A_927 = arith.constant 0 : i32
      %dma_wait3A_928 = arith.constant 0 : i32
      %dma_wait3A_929 = tpu.memref_slice %arg8[%dma_wait3A_927, %dma_wait3A_928] : memref<4096x64xf32, #tpu.memory_space<vmem_shared>> -> memref<4096x64xf32, #tpu.memory_space<vmem_shared>>
      tpu.wait_indirect_dma semaphore(%arg15 : memref<!tpu.dma_semaphore, #tpu.memory_space<semaphore_mem>>) src(%dma_wait3A_929 : memref<4096x64xf32, #tpu.memory_space<vmem_shared>>) dst(%dma_wait3A_923 : memref<128x64xf32, #tpu.memory_space<vmem>>)
      %dma_wait3A_930 = arith.constant 2 : i32
      %dma_wait3A_931 = arith.constant 256 : i32
      %dma_wait3A_932 = arith.constant 0 : i32
      %dma_wait3A_933 = tpu.memref_slice %arg11[%dma_wait3A_931, %dma_wait3A_932] : memref<512x64xf32, #tpu.memory_space<vmem>> -> memref<128x64xf32, #tpu.memory_space<vmem>>
      %dma_wait3A_934 = arith.constant 0 : i32
      %dma_wait3A_935 = tpu.memref_slice %arg9[%dma_wait3A_930, %dma_wait3A_934] : memref<4x128xi32, #tpu.memory_space<vmem>> -> memref<1x128xi32, #tpu.memory_space<vmem>>
      %dma_wait3A_936 = tpu.memref_squeeze %dma_wait3A_935 : memref<1x128xi32, #tpu.memory_space<vmem>> -> memref<128xi32, #tpu.memory_space<vmem>>
      %dma_wait3A_937 = arith.constant 0 : i32
      %dma_wait3A_938 = arith.constant 0 : i32
      %dma_wait3A_939 = tpu.memref_slice %arg8[%dma_wait3A_937, %dma_wait3A_938] : memref<4096x64xf32, #tpu.memory_space<vmem_shared>> -> memref<4096x64xf32, #tpu.memory_space<vmem_shared>>
      tpu.wait_indirect_dma semaphore(%arg15 : memref<!tpu.dma_semaphore, #tpu.memory_space<semaphore_mem>>) src(%dma_wait3A_939 : memref<4096x64xf32, #tpu.memory_space<vmem_shared>>) dst(%dma_wait3A_933 : memref<128x64xf32, #tpu.memory_space<vmem>>)
      %dma_wait3A_940 = arith.constant 3 : i32
      %dma_wait3A_941 = arith.constant 384 : i32
      %dma_wait3A_942 = arith.constant 0 : i32
      %dma_wait3A_943 = tpu.memref_slice %arg11[%dma_wait3A_941, %dma_wait3A_942] : memref<512x64xf32, #tpu.memory_space<vmem>> -> memref<128x64xf32, #tpu.memory_space<vmem>>
      %dma_wait3A_944 = arith.constant 0 : i32
      %dma_wait3A_945 = tpu.memref_slice %arg9[%dma_wait3A_940, %dma_wait3A_944] : memref<4x128xi32, #tpu.memory_space<vmem>> -> memref<1x128xi32, #tpu.memory_space<vmem>>
      %dma_wait3A_946 = tpu.memref_squeeze %dma_wait3A_945 : memref<1x128xi32, #tpu.memory_space<vmem>> -> memref<128xi32, #tpu.memory_space<vmem>>
      %dma_wait3A_947 = arith.constant 0 : i32
      %dma_wait3A_948 = arith.constant 0 : i32
      %dma_wait3A_949 = tpu.memref_slice %arg8[%dma_wait3A_947, %dma_wait3A_948] : memref<4096x64xf32, #tpu.memory_space<vmem_shared>> -> memref<4096x64xf32, #tpu.memory_space<vmem_shared>>
      tpu.wait_indirect_dma semaphore(%arg15 : memref<!tpu.dma_semaphore, #tpu.memory_space<semaphore_mem>>) src(%dma_wait3A_949 : memref<4096x64xf32, #tpu.memory_space<vmem_shared>>) dst(%dma_wait3A_943 : memref<128x64xf32, #tpu.memory_space<vmem>>)
      %scan3A_950 = arith.constant 0 : i32
      %scan3A_951 = arith.constant 0 : i32
      %scan3A_952 = arith.constant 128 : i32
      %scan3A_953 = arith.addi %scan3A_951, %scan3A_952 : i32
      %scan3A_954 = arith.constant 2 : i32
      scf.for %scan3A_1042 = %scan3A_951 to %scan3A_953 step %scan3A_954  : i32 {
        %get3A_1043 = arith.index_cast %scan3A_1042 : i32 to index
        %get3A_1044 = arith.constant 0 : index
        %get3A_1045 = tpu.vector_load %arg11[%get3A_1043, %get3A_1044] {strides = array<i32>} : memref<512x64xf32, #tpu.memory_space<vmem>>, vector<1x16xf32>,
        %get3A_1046 = vector.shape_cast %get3A_1045 : vector<1x16xf32> to vector<16xf32>
        %add3A_1047 = arith.constant 128 : i32
        %add3A_1048 = arith.addi %scan3A_1042, %add3A_1047 : i32
        %get3A_1049 = arith.index_cast %add3A_1048 : i32 to index
        %get3A_1050 = arith.constant 0 : index
        %get3A_1051 = tpu.vector_load %arg11[%get3A_1049, %get3A_1050] {strides = array<i32>} : memref<512x64xf32, #tpu.memory_space<vmem>>, vector<1x16xf32>,
        %get3A_1052 = vector.shape_cast %get3A_1051 : vector<1x16xf32> to vector<16xf32>
        %add3A_1053 = arith.addf %get3A_1046, %get3A_1052 : vector<16xf32>
        %add3A_1054 = arith.constant 256 : i32
        %add3A_1055 = arith.addi %scan3A_1042, %add3A_1054 : i32
        %get3A_1056 = arith.index_cast %add3A_1055 : i32 to index
        %get3A_1057 = arith.constant 0 : index
        %get3A_1058 = tpu.vector_load %arg11[%get3A_1056, %get3A_1057] {strides = array<i32>} : memref<512x64xf32, #tpu.memory_space<vmem>>, vector<1x16xf32>,
        %get3A_1059 = vector.shape_cast %get3A_1058 : vector<1x16xf32> to vector<16xf32>
        %add3A_1060 = arith.constant 384 : i32
        %add3A_1061 = arith.addi %scan3A_1042, %add3A_1060 : i32
        %get3A_1062 = arith.index_cast %add3A_1061 : i32 to index
        %get3A_1063 = arith.constant 0 : index
        %get3A_1064 = tpu.vector_load %arg11[%get3A_1062, %get3A_1063] {strides = array<i32>} : memref<512x64xf32, #tpu.memory_space<vmem>>, vector<1x16xf32>,
        %get3A_1065 = vector.shape_cast %get3A_1064 : vector<1x16xf32> to vector<16xf32>
        %add3A_1066 = arith.addf %get3A_1059, %get3A_1065 : vector<16xf32>
        %add3A_1067 = arith.addf %add3A_1053, %add3A_1066 : vector<16xf32>
        %swap3A_1068 = arith.index_cast %scan3A_1042 : i32 to index
        %swap3A_1069 = arith.constant 0 : index
        %swap3A_1070 = tpu.vector_load %arg11[%swap3A_1068, %swap3A_1069] {strides = array<i32>} : memref<512x64xf32, #tpu.memory_space<vmem>>, vector<1x16xf32>,
        %swap3A_1071 = vector.shape_cast %swap3A_1070 : vector<1x16xf32> to vector<16xf32>
        %swap3A_1072 = vector.shape_cast %add3A_1067 : vector<16xf32> to vector<1x16xf32>
        tpu.vector_store %arg11[%swap3A_1068, %swap3A_1069], %swap3A_1072 {strides = array<i32>} : memref<512x64xf32, #tpu.memory_space<vmem>>, vector<1x16xf32>,
        %get3A_1073 = arith.index_cast %scan3A_1042 : i32 to index
        %get3A_1074 = arith.constant 16 : index
        %get3A_1075 = tpu.vector_load %arg11[%get3A_1073, %get3A_1074] {strides = array<i32>} : memref<512x64xf32, #tpu.memory_space<vmem>>, vector<1x16xf32>,
        %get3A_1076 = vector.shape_cast %get3A_1075 : vector<1x16xf32> to vector<16xf32>
        %add3A_1077 = arith.constant 128 : i32
        %add3A_1078 = arith.addi %scan3A_1042, %add3A_1077 : i32
        %get3A_1079 = arith.index_cast %add3A_1078 : i32 to index
        %get3A_1080 = arith.constant 16 : index
        %get3A_1081 = tpu.vector_load %arg11[%get3A_1079, %get3A_1080] {strides = array<i32>} : memref<512x64xf32, #tpu.memory_space<vmem>>, vector<1x16xf32>,
        %get3A_1082 = vector.shape_cast %get3A_1081 : vector<1x16xf32> to vector<16xf32>
        %add3A_1083 = arith.addf %get3A_1076, %get3A_1082 : vector<16xf32>
        %add3A_1084 = arith.constant 256 : i32
        %add3A_1085 = arith.addi %scan3A_1042, %add3A_1084 : i32
        %get3A_1086 = arith.index_cast %add3A_1085 : i32 to index
        %get3A_1087 = arith.constant 16 : index
        %get3A_1088 = tpu.vector_load %arg11[%get3A_1086, %get3A_1087] {strides = array<i32>} : memref<512x64xf32, #tpu.memory_space<vmem>>, vector<1x16xf32>,
        %get3A_1089 = vector.shape_cast %get3A_1088 : vector<1x16xf32> to vector<16xf32>
        %add3A_1090 = arith.constant 384 : i32
        %add3A_1091 = arith.addi %scan3A_1042, %add3A_1090 : i32
        %get3A_1092 = arith.index_cast %add3A_1091 : i32 to index
        %get3A_1093 = arith.constant 16 : index
        %get3A_1094 = tpu.vector_load %arg11[%get3A_1092, %get3A_1093] {strides = array<i32>} : memref<512x64xf32, #tpu.memory_space<vmem>>, vector<1x16xf32>,
        %get3A_1095 = vector.shape_cast %get3A_1094 : vector<1x16xf32> to vector<16xf32>
        %add3A_1096 = arith.addf %get3A_1089, %get3A_1095 : vector<16xf32>
        %add3A_1097 = arith.addf %add3A_1083, %add3A_1096 : vector<16xf32>
        %swap3A_1098 = arith.index_cast %scan3A_1042 : i32 to index
        %swap3A_1099 = arith.constant 16 : index
        %swap3A_1100 = tpu.vector_load %arg11[%swap3A_1098, %swap3A_1099] {strides = array<i32>} : memref<512x64xf32, #tpu.memory_space<vmem>>, vector<1x16xf32>,
        %swap3A_1101 = vector.shape_cast %swap3A_1100 : vector<1x16xf32> to vector<16xf32>
        %swap3A_1102 = vector.shape_cast %add3A_1097 : vector<16xf32> to vector<1x16xf32>
        tpu.vector_store %arg11[%swap3A_1098, %swap3A_1099], %swap3A_1102 {strides = array<i32>} : memref<512x64xf32, #tpu.memory_space<vmem>>, vector<1x16xf32>,
        %get3A_1103 = arith.index_cast %scan3A_1042 : i32 to index
        %get3A_1104 = arith.constant 32 : index
        %get3A_1105 = tpu.vector_load %arg11[%get3A_1103, %get3A_1104] {strides = array<i32>} : memref<512x64xf32, #tpu.memory_space<vmem>>, vector<1x16xf32>,
        %get3A_1106 = vector.shape_cast %get3A_1105 : vector<1x16xf32> to vector<16xf32>
        %add3A_1107 = arith.constant 128 : i32
        %add3A_1108 = arith.addi %scan3A_1042, %add3A_1107 : i32
        %get3A_1109 = arith.index_cast %add3A_1108 : i32 to index
        %get3A_1110 = arith.constant 32 : index
        %get3A_1111 = tpu.vector_load %arg11[%get3A_1109, %get3A_1110] {strides = array<i32>} : memref<512x64xf32, #tpu.memory_space<vmem>>, vector<1x16xf32>,
        %get3A_1112 = vector.shape_cast %get3A_1111 : vector<1x16xf32> to vector<16xf32>
        %add3A_1113 = arith.addf %get3A_1106, %get3A_1112 : vector<16xf32>
        %add3A_1114 = arith.constant 256 : i32
        %add3A_1115 = arith.addi %scan3A_1042, %add3A_1114 : i32
        %get3A_1116 = arith.index_cast %add3A_1115 : i32 to index
        %get3A_1117 = arith.constant 32 : index
        %get3A_1118 = tpu.vector_load %arg11[%get3A_1116, %get3A_1117] {strides = array<i32>} : memref<512x64xf32, #tpu.memory_space<vmem>>, vector<1x16xf32>,
        %get3A_1119 = vector.shape_cast %get3A_1118 : vector<1x16xf32> to vector<16xf32>
        %add3A_1120 = arith.constant 384 : i32
        %add3A_1121 = arith.addi %scan3A_1042, %add3A_1120 : i32
        %get3A_1122 = arith.index_cast %add3A_1121 : i32 to index
        %get3A_1123 = arith.constant 32 : index
        %get3A_1124 = tpu.vector_load %arg11[%get3A_1122, %get3A_1123] {strides = array<i32>} : memref<512x64xf32, #tpu.memory_space<vmem>>, vector<1x16xf32>,
        %get3A_1125 = vector.shape_cast %get3A_1124 : vector<1x16xf32> to vector<16xf32>
        %add3A_1126 = arith.addf %get3A_1119, %get3A_1125 : vector<16xf32>
        %add3A_1127 = arith.addf %add3A_1113, %add3A_1126 : vector<16xf32>
        %swap3A_1128 = arith.index_cast %scan3A_1042 : i32 to index
        %swap3A_1129 = arith.constant 32 : index
        %swap3A_1130 = tpu.vector_load %arg11[%swap3A_1128, %swap3A_1129] {strides = array<i32>} : memref<512x64xf32, #tpu.memory_space<vmem>>, vector<1x16xf32>,
        %swap3A_1131 = vector.shape_cast %swap3A_1130 : vector<1x16xf32> to vector<16xf32>
        %swap3A_1132 = vector.shape_cast %add3A_1127 : vector<16xf32> to vector<1x16xf32>
        tpu.vector_store %arg11[%swap3A_1128, %swap3A_1129], %swap3A_1132 {strides = array<i32>} : memref<512x64xf32, #tpu.memory_space<vmem>>, vector<1x16xf32>,
        %get3A_1133 = arith.index_cast %scan3A_1042 : i32 to index
        %get3A_1134 = arith.constant 48 : index
        %get3A_1135 = tpu.vector_load %arg11[%get3A_1133, %get3A_1134] {strides = array<i32>} : memref<512x64xf32, #tpu.memory_space<vmem>>, vector<1x16xf32>,
        %get3A_1136 = vector.shape_cast %get3A_1135 : vector<1x16xf32> to vector<16xf32>
        %add3A_1137 = arith.constant 128 : i32
        %add3A_1138 = arith.addi %scan3A_1042, %add3A_1137 : i32
        %get3A_1139 = arith.index_cast %add3A_1138 : i32 to index
        %get3A_1140 = arith.constant 48 : index
        %get3A_1141 = tpu.vector_load %arg11[%get3A_1139, %get3A_1140] {strides = array<i32>} : memref<512x64xf32, #tpu.memory_space<vmem>>, vector<1x16xf32>,
        %get3A_1142 = vector.shape_cast %get3A_1141 : vector<1x16xf32> to vector<16xf32>
        %add3A_1143 = arith.addf %get3A_1136, %get3A_1142 : vector<16xf32>
        %add3A_1144 = arith.constant 256 : i32
        %add3A_1145 = arith.addi %scan3A_1042, %add3A_1144 : i32
        %get3A_1146 = arith.index_cast %add3A_1145 : i32 to index
        %get3A_1147 = arith.constant 48 : index
        %get3A_1148 = tpu.vector_load %arg11[%get3A_1146, %get3A_1147] {strides = array<i32>} : memref<512x64xf32, #tpu.memory_space<vmem>>, vector<1x16xf32>,
        %get3A_1149 = vector.shape_cast %get3A_1148 : vector<1x16xf32> to vector<16xf32>
        %add3A_1150 = arith.constant 384 : i32
        %add3A_1151 = arith.addi %scan3A_1042, %add3A_1150 : i32
        %get3A_1152 = arith.index_cast %add3A_1151 : i32 to index
        %get3A_1153 = arith.constant 48 : index
        %get3A_1154 = tpu.vector_load %arg11[%get3A_1152, %get3A_1153] {strides = array<i32>} : memref<512x64xf32, #tpu.memory_space<vmem>>, vector<1x16xf32>,
        %get3A_1155 = vector.shape_cast %get3A_1154 : vector<1x16xf32> to vector<16xf32>
        %add3A_1156 = arith.addf %get3A_1149, %get3A_1155 : vector<16xf32>
        %add3A_1157 = arith.addf %add3A_1143, %add3A_1156 : vector<16xf32>
        %swap3A_1158 = arith.index_cast %scan3A_1042 : i32 to index
        %swap3A_1159 = arith.constant 48 : index
        %swap3A_1160 = tpu.vector_load %arg11[%swap3A_1158, %swap3A_1159] {strides = array<i32>} : memref<512x64xf32, #tpu.memory_space<vmem>>, vector<1x16xf32>,
        %swap3A_1161 = vector.shape_cast %swap3A_1160 : vector<1x16xf32> to vector<16xf32>
        %swap3A_1162 = vector.shape_cast %add3A_1157 : vector<16xf32> to vector<1x16xf32>
        tpu.vector_store %arg11[%swap3A_1158, %swap3A_1159], %swap3A_1162 {strides = array<i32>} : memref<512x64xf32, #tpu.memory_space<vmem>>, vector<1x16xf32>,
        %scan3A_1163 = arith.constant 1 : i32
        %scan3A_1164 = arith.addi %scan3A_1042, %scan3A_1163 : i32
        %get3A_1165 = arith.index_cast %scan3A_1164 : i32 to index
        %get3A_1166 = arith.constant 0 : index
        %get3A_1167 = tpu.vector_load %arg11[%get3A_1165, %get3A_1166] {strides = array<i32>} : memref<512x64xf32, #tpu.memory_space<vmem>>, vector<1x16xf32>,
        %get3A_1168 = vector.shape_cast %get3A_1167 : vector<1x16xf32> to vector<16xf32>
        %add3A_1169 = arith.constant 128 : i32
        %add3A_1170 = arith.addi %scan3A_1164, %add3A_1169 : i32
        %get3A_1171 = arith.index_cast %add3A_1170 : i32 to index
        %get3A_1172 = arith.constant 0 : index
        %get3A_1173 = tpu.vector_load %arg11[%get3A_1171, %get3A_1172] {strides = array<i32>} : memref<512x64xf32, #tpu.memory_space<vmem>>, vector<1x16xf32>,
        %get3A_1174 = vector.shape_cast %get3A_1173 : vector<1x16xf32> to vector<16xf32>
        %add3A_1175 = arith.addf %get3A_1168, %get3A_1174 : vector<16xf32>
        %add3A_1176 = arith.constant 256 : i32
        %add3A_1177 = arith.addi %scan3A_1164, %add3A_1176 : i32
        %get3A_1178 = arith.index_cast %add3A_1177 : i32 to index
        %get3A_1179 = arith.constant 0 : index
        %get3A_1180 = tpu.vector_load %arg11[%get3A_1178, %get3A_1179] {strides = array<i32>} : memref<512x64xf32, #tpu.memory_space<vmem>>, vector<1x16xf32>,
        %get3A_1181 = vector.shape_cast %get3A_1180 : vector<1x16xf32> to vector<16xf32>
        %add3A_1182 = arith.constant 384 : i32
        %add3A_1183 = arith.addi %scan3A_1164, %add3A_1182 : i32
        %get3A_1184 = arith.index_cast %add3A_1183 : i32 to index
        %get3A_1185 = arith.constant 0 : index
        %get3A_1186 = tpu.vector_load %arg11[%get3A_1184, %get3A_1185] {strides = array<i32>} : memref<512x64xf32, #tpu.memory_space<vmem>>, vector<1x16xf32>,
        %get3A_1187 = vector.shape_cast %get3A_1186 : vector<1x16xf32> to vector<16xf32>
        %add3A_1188 = arith.addf %get3A_1181, %get3A_1187 : vector<16xf32>
        %add3A_1189 = arith.addf %add3A_1175, %add3A_1188 : vector<16xf32>
        %swap3A_1190 = arith.index_cast %scan3A_1164 : i32 to index
        %swap3A_1191 = arith.constant 0 : index
        %swap3A_1192 = tpu.vector_load %arg11[%swap3A_1190, %swap3A_1191] {strides = array<i32>} : memref<512x64xf32, #tpu.memory_space<vmem>>, vector<1x16xf32>,
        %swap3A_1193 = vector.shape_cast %swap3A_1192 : vector<1x16xf32> to vector<16xf32>
        %swap3A_1194 = vector.shape_cast %add3A_1189 : vector<16xf32> to vector<1x16xf32>
        tpu.vector_store %arg11[%swap3A_1190, %swap3A_1191], %swap3A_1194 {strides = array<i32>} : memref<512x64xf32, #tpu.memory_space<vmem>>, vector<1x16xf32>,
        %get3A_1195 = arith.index_cast %scan3A_1164 : i32 to index
        %get3A_1196 = arith.constant 16 : index
        %get3A_1197 = tpu.vector_load %arg11[%get3A_1195, %get3A_1196] {strides = array<i32>} : memref<512x64xf32, #tpu.memory_space<vmem>>, vector<1x16xf32>,
        %get3A_1198 = vector.shape_cast %get3A_1197 : vector<1x16xf32> to vector<16xf32>
        %add3A_1199 = arith.constant 128 : i32
        %add3A_1200 = arith.addi %scan3A_1164, %add3A_1199 : i32
        %get3A_1201 = arith.index_cast %add3A_1200 : i32 to index
        %get3A_1202 = arith.constant 16 : index
        %get3A_1203 = tpu.vector_load %arg11[%get3A_1201, %get3A_1202] {strides = array<i32>} : memref<512x64xf32, #tpu.memory_space<vmem>>, vector<1x16xf32>,
        %get3A_1204 = vector.shape_cast %get3A_1203 : vector<1x16xf32> to vector<16xf32>
        %add3A_1205 = arith.addf %get3A_1198, %get3A_1204 : vector<16xf32>
        %add3A_1206 = arith.constant 256 : i32
        %add3A_1207 = arith.addi %scan3A_1164, %add3A_1206 : i32
        %get3A_1208 = arith.index_cast %add3A_1207 : i32 to index
        %get3A_1209 = arith.constant 16 : index
        %get3A_1210 = tpu.vector_load %arg11[%get3A_1208, %get3A_1209] {strides = array<i32>} : memref<512x64xf32, #tpu.memory_space<vmem>>, vector<1x16xf32>,
        %get3A_1211 = vector.shape_cast %get3A_1210 : vector<1x16xf32> to vector<16xf32>
        %add3A_1212 = arith.constant 384 : i32
        %add3A_1213 = arith.addi %scan3A_1164, %add3A_1212 : i32
        %get3A_1214 = arith.index_cast %add3A_1213 : i32 to index
        %get3A_1215 = arith.constant 16 : index
        %get3A_1216 = tpu.vector_load %arg11[%get3A_1214, %get3A_1215] {strides = array<i32>} : memref<512x64xf32, #tpu.memory_space<vmem>>, vector<1x16xf32>,
        %get3A_1217 = vector.shape_cast %get3A_1216 : vector<1x16xf32> to vector<16xf32>
        %add3A_1218 = arith.addf %get3A_1211, %get3A_1217 : vector<16xf32>
        %add3A_1219 = arith.addf %add3A_1205, %add3A_1218 : vector<16xf32>
        %swap3A_1220 = arith.index_cast %scan3A_1164 : i32 to index
        %swap3A_1221 = arith.constant 16 : index
        %swap3A_1222 = tpu.vector_load %arg11[%swap3A_1220, %swap3A_1221] {strides = array<i32>} : memref<512x64xf32, #tpu.memory_space<vmem>>, vector<1x16xf32>,
        %swap3A_1223 = vector.shape_cast %swap3A_1222 : vector<1x16xf32> to vector<16xf32>
        %swap3A_1224 = vector.shape_cast %add3A_1219 : vector<16xf32> to vector<1x16xf32>
        tpu.vector_store %arg11[%swap3A_1220, %swap3A_1221], %swap3A_1224 {strides = array<i32>} : memref<512x64xf32, #tpu.memory_space<vmem>>, vector<1x16xf32>,
        %get3A_1225 = arith.index_cast %scan3A_1164 : i32 to index
        %get3A_1226 = arith.constant 32 : index
        %get3A_1227 = tpu.vector_load %arg11[%get3A_1225, %get3A_1226] {strides = array<i32>} : memref<512x64xf32, #tpu.memory_space<vmem>>, vector<1x16xf32>,
        %get3A_1228 = vector.shape_cast %get3A_1227 : vector<1x16xf32> to vector<16xf32>
        %add3A_1229 = arith.constant 128 : i32
        %add3A_1230 = arith.addi %scan3A_1164, %add3A_1229 : i32
        %get3A_1231 = arith.index_cast %add3A_1230 : i32 to index
        %get3A_1232 = arith.constant 32 : index
        %get3A_1233 = tpu.vector_load %arg11[%get3A_1231, %get3A_1232] {strides = array<i32>} : memref<512x64xf32, #tpu.memory_space<vmem>>, vector<1x16xf32>,
        %get3A_1234 = vector.shape_cast %get3A_1233 : vector<1x16xf32> to vector<16xf32>
        %add3A_1235 = arith.addf %get3A_1228, %get3A_1234 : vector<16xf32>
        %add3A_1236 = arith.constant 256 : i32
        %add3A_1237 = arith.addi %scan3A_1164, %add3A_1236 : i32
        %get3A_1238 = arith.index_cast %add3A_1237 : i32 to index
        %get3A_1239 = arith.constant 32 : index
        %get3A_1240 = tpu.vector_load %arg11[%get3A_1238, %get3A_1239] {strides = array<i32>} : memref<512x64xf32, #tpu.memory_space<vmem>>, vector<1x16xf32>,
        %get3A_1241 = vector.shape_cast %get3A_1240 : vector<1x16xf32> to vector<16xf32>
        %add3A_1242 = arith.constant 384 : i32
        %add3A_1243 = arith.addi %scan3A_1164, %add3A_1242 : i32
        %get3A_1244 = arith.index_cast %add3A_1243 : i32 to index
        %get3A_1245 = arith.constant 32 : index
        %get3A_1246 = tpu.vector_load %arg11[%get3A_1244, %get3A_1245] {strides = array<i32>} : memref<512x64xf32, #tpu.memory_space<vmem>>, vector<1x16xf32>,
        %get3A_1247 = vector.shape_cast %get3A_1246 : vector<1x16xf32> to vector<16xf32>
        %add3A_1248 = arith.addf %get3A_1241, %get3A_1247 : vector<16xf32>
        %add3A_1249 = arith.addf %add3A_1235, %add3A_1248 : vector<16xf32>
        %swap3A_1250 = arith.index_cast %scan3A_1164 : i32 to index
        %swap3A_1251 = arith.constant 32 : index
        %swap3A_1252 = tpu.vector_load %arg11[%swap3A_1250, %swap3A_1251] {strides = array<i32>} : memref<512x64xf32, #tpu.memory_space<vmem>>, vector<1x16xf32>,
        %swap3A_1253 = vector.shape_cast %swap3A_1252 : vector<1x16xf32> to vector<16xf32>
        %swap3A_1254 = vector.shape_cast %add3A_1249 : vector<16xf32> to vector<1x16xf32>
        tpu.vector_store %arg11[%swap3A_1250, %swap3A_1251], %swap3A_1254 {strides = array<i32>} : memref<512x64xf32, #tpu.memory_space<vmem>>, vector<1x16xf32>,
        %get3A_1255 = arith.index_cast %scan3A_1164 : i32 to index
        %get3A_1256 = arith.constant 48 : index
        %get3A_1257 = tpu.vector_load %arg11[%get3A_1255, %get3A_1256] {strides = array<i32>} : memref<512x64xf32, #tpu.memory_space<vmem>>, vector<1x16xf32>,
        %get3A_1258 = vector.shape_cast %get3A_1257 : vector<1x16xf32> to vector<16xf32>
        %add3A_1259 = arith.constant 128 : i32
        %add3A_1260 = arith.addi %scan3A_1164, %add3A_1259 : i32
        %get3A_1261 = arith.index_cast %add3A_1260 : i32 to index
        %get3A_1262 = arith.constant 48 : index
        %get3A_1263 = tpu.vector_load %arg11[%get3A_1261, %get3A_1262] {strides = array<i32>} : memref<512x64xf32, #tpu.memory_space<vmem>>, vector<1x16xf32>,
        %get3A_1264 = vector.shape_cast %get3A_1263 : vector<1x16xf32> to vector<16xf32>
        %add3A_1265 = arith.addf %get3A_1258, %get3A_1264 : vector<16xf32>
        %add3A_1266 = arith.constant 256 : i32
        %add3A_1267 = arith.addi %scan3A_1164, %add3A_1266 : i32
        %get3A_1268 = arith.index_cast %add3A_1267 : i32 to index
        %get3A_1269 = arith.constant 48 : index
        %get3A_1270 = tpu.vector_load %arg11[%get3A_1268, %get3A_1269] {strides = array<i32>} : memref<512x64xf32, #tpu.memory_space<vmem>>, vector<1x16xf32>,
        %get3A_1271 = vector.shape_cast %get3A_1270 : vector<1x16xf32> to vector<16xf32>
        %add3A_1272 = arith.constant 384 : i32
        %add3A_1273 = arith.addi %scan3A_1164, %add3A_1272 : i32
        %get3A_1274 = arith.index_cast %add3A_1273 : i32 to index
        %get3A_1275 = arith.constant 48 : index
        %get3A_1276 = tpu.vector_load %arg11[%get3A_1274, %get3A_1275] {strides = array<i32>} : memref<512x64xf32, #tpu.memory_space<vmem>>, vector<1x16xf32>,
        %get3A_1277 = vector.shape_cast %get3A_1276 : vector<1x16xf32> to vector<16xf32>
        %add3A_1278 = arith.addf %get3A_1271, %get3A_1277 : vector<16xf32>
        %add3A_1279 = arith.addf %add3A_1265, %add3A_1278 : vector<16xf32>
        %swap3A_1280 = arith.index_cast %scan3A_1164 : i32 to index
        %swap3A_1281 = arith.constant 48 : index
        %swap3A_1282 = tpu.vector_load %arg11[%swap3A_1280, %swap3A_1281] {strides = array<i32>} : memref<512x64xf32, #tpu.memory_space<vmem>>, vector<1x16xf32>,
        %swap3A_1283 = vector.shape_cast %swap3A_1282 : vector<1x16xf32> to vector<16xf32>
        %swap3A_1284 = vector.shape_cast %add3A_1279 : vector<16xf32> to vector<1x16xf32>
        tpu.vector_store %arg11[%swap3A_1280, %swap3A_1281], %swap3A_1284 {strides = array<i32>} : memref<512x64xf32, #tpu.memory_space<vmem>>, vector<1x16xf32>,
      }
      %scan3A_955 = arith.constant 128 : i32
      %dma_start3A_956 = arith.constant 0 : i32
      %dma_start3A_957 = arith.constant 0 : i32
      %dma_start3A_958 = tpu.memref_slice %arg11[%dma_start3A_956, %dma_start3A_957] : memref<512x64xf32, #tpu.memory_space<vmem>> -> memref<128x64xf32, #tpu.memory_space<vmem>>
      %dma_start3A_959 = arith.constant 0 : i32
      %dma_start3A_960 = tpu.memref_slice %arg7[%add3A_15, %dma_start3A_959] : memref<204800x64xf32, #tpu.memory_space<hbm>> -> memref<128x64xf32, #tpu.memory_space<hbm>>
      %dma_start3A_961 = arith.constant 0 : i32
      %dma_start3A_962 = tpu.memref_slice %arg7[%add3A_15, %dma_start3A_961] : memref<204800x64xf32, #tpu.memory_space<hbm>> -> memref<128x64xf32, #tpu.memory_space<hbm>>
      %dma_start3A_963 = arith.constant 0 : i32
      %dma_start3A_964 = arith.constant 0 : i32
      %dma_start3A_965 = tpu.memref_slice %arg11[%dma_start3A_963, %dma_start3A_964] : memref<512x64xf32, #tpu.memory_space<vmem>> -> memref<128x64xf32, #tpu.memory_space<vmem>>
      tpu.enqueue_dma source(%dma_start3A_965 : memref<128x64xf32, #tpu.memory_space<vmem>>) target(%dma_start3A_962 : memref<128x64xf32, #tpu.memory_space<hbm>>) target_semaphore(%arg17 : memref<!tpu.dma_semaphore, #tpu.memory_space<semaphore_mem>>)
      %dma_wait3A_966 = arith.constant 0 : i32
      %dma_wait3A_967 = arith.constant 0 : i32
      %dma_wait3A_968 = arith.constant 0 : i32
      %dma_wait3A_969 = tpu.memref_slice %arg12[%dma_wait3A_967, %dma_wait3A_968] : memref<512x64xf32, #tpu.memory_space<vmem>> -> memref<128x64xf32, #tpu.memory_space<vmem>>
      %dma_wait3A_970 = arith.constant 0 : i32
      %dma_wait3A_971 = tpu.memref_slice %arg10[%dma_wait3A_966, %dma_wait3A_970] : memref<4x128xi32, #tpu.memory_space<vmem>> -> memref<1x128xi32, #tpu.memory_space<vmem>>
      %dma_wait3A_972 = tpu.memref_squeeze %dma_wait3A_971 : memref<1x128xi32, #tpu.memory_space<vmem>> -> memref<128xi32, #tpu.memory_space<vmem>>
      %dma_wait3A_973 = arith.constant 0 : i32
      %dma_wait3A_974 = arith.constant 0 : i32
      %dma_wait3A_975 = tpu.memref_slice %arg8[%dma_wait3A_973, %dma_wait3A_974] : memref<4096x64xf32, #tpu.memory_space<vmem_shared>> -> memref<4096x64xf32, #tpu.memory_space<vmem_shared>>
      tpu.wait_indirect_dma semaphore(%arg16 : memref<!tpu.dma_semaphore, #tpu.memory_space<semaphore_mem>>) src(%dma_wait3A_975 : memref<4096x64xf32, #tpu.memory_space<vmem_shared>>) dst(%dma_wait3A_969 : memref<128x64xf32, #tpu.memory_space<vmem>>)
      %dma_wait3A_976 = arith.constant 1 : i32
      %dma_wait3A_977 = arith.constant 128 : i32
      %dma_wait3A_978 = arith.constant 0 : i32
      %dma_wait3A_979 = tpu.memref_slice %arg12[%dma_wait3A_977, %dma_wait3A_978] : memref<512x64xf32, #tpu.memory_space<vmem>> -> memref<128x64xf32, #tpu.memory_space<vmem>>
      %dma_wait3A_980 = arith.constant 0 : i32
      %dma_wait3A_981 = tpu.memref_slice %arg10[%dma_wait3A_976, %dma_wait3A_980] : memref<4x128xi32, #tpu.memory_space<vmem>> -> memref<1x128xi32, #tpu.memory_space<vmem>>
      %dma_wait3A_982 = tpu.memref_squeeze %dma_wait3A_981 : memref<1x128xi32, #tpu.memory_space<vmem>> -> memref<128xi32, #tpu.memory_space<vmem>>
      %dma_wait3A_983 = arith.constant 0 : i32
      %dma_wait3A_984 = arith.constant 0 : i32
      %dma_wait3A_985 = tpu.memref_slice %arg8[%dma_wait3A_983, %dma_wait3A_984] : memref<4096x64xf32, #tpu.memory_space<vmem_shared>> -> memref<4096x64xf32, #tpu.memory_space<vmem_shared>>
      tpu.wait_indirect_dma semaphore(%arg16 : memref<!tpu.dma_semaphore, #tpu.memory_space<semaphore_mem>>) src(%dma_wait3A_985 : memref<4096x64xf32, #tpu.memory_space<vmem_shared>>) dst(%dma_wait3A_979 : memref<128x64xf32, #tpu.memory_space<vmem>>)
      %dma_wait3A_986 = arith.constant 2 : i32
      %dma_wait3A_987 = arith.constant 256 : i32
      %dma_wait3A_988 = arith.constant 0 : i32
      %dma_wait3A_989 = tpu.memref_slice %arg12[%dma_wait3A_987, %dma_wait3A_988] : memref<512x64xf32, #tpu.memory_space<vmem>> -> memref<128x64xf32, #tpu.memory_space<vmem>>
      %dma_wait3A_990 = arith.constant 0 : i32
      %dma_wait3A_991 = tpu.memref_slice %arg10[%dma_wait3A_986, %dma_wait3A_990] : memref<4x128xi32, #tpu.memory_space<vmem>> -> memref<1x128xi32, #tpu.memory_space<vmem>>
      %dma_wait3A_992 = tpu.memref_squeeze %dma_wait3A_991 : memref<1x128xi32, #tpu.memory_space<vmem>> -> memref<128xi32, #tpu.memory_space<vmem>>
      %dma_wait3A_993 = arith.constant 0 : i32
      %dma_wait3A_994 = arith.constant 0 : i32
      %dma_wait3A_995 = tpu.memref_slice %arg8[%dma_wait3A_993, %dma_wait3A_994] : memref<4096x64xf32, #tpu.memory_space<vmem_shared>> -> memref<4096x64xf32, #tpu.memory_space<vmem_shared>>
      tpu.wait_indirect_dma semaphore(%arg16 : memref<!tpu.dma_semaphore, #tpu.memory_space<semaphore_mem>>) src(%dma_wait3A_995 : memref<4096x64xf32, #tpu.memory_space<vmem_shared>>) dst(%dma_wait3A_989 : memref<128x64xf32, #tpu.memory_space<vmem>>)
      %dma_wait3A_996 = arith.constant 3 : i32
      %dma_wait3A_997 = arith.constant 384 : i32
      %dma_wait3A_998 = arith.constant 0 : i32
      %dma_wait3A_999 = tpu.memref_slice %arg12[%dma_wait3A_997, %dma_wait3A_998] : memref<512x64xf32, #tpu.memory_space<vmem>> -> memref<128x64xf32, #tpu.memory_space<vmem>>
      %dma_wait3A_1000 = arith.constant 0 : i32
      %dma_wait3A_1001 = tpu.memref_slice %arg10[%dma_wait3A_996, %dma_wait3A_1000] : memref<4x128xi32, #tpu.memory_space<vmem>> -> memref<1x128xi32, #tpu.memory_space<vmem>>
      %dma_wait3A_1002 = tpu.memref_squeeze %dma_wait3A_1001 : memref<1x128xi32, #tpu.memory_space<vmem>> -> memref<128xi32, #tpu.memory_space<vmem>>
      %dma_wait3A_1003 = arith.constant 0 : i32
      %dma_wait3A_1004 = arith.constant 0 : i32
      %dma_wait3A_1005 = tpu.memref_slice %arg8[%dma_wait3A_1003, %dma_wait3A_1004] : memref<4096x64xf32, #tpu.memory_space<vmem_shared>> -> memref<4096x64xf32, #tpu.memory_space<vmem_shared>>
      tpu.wait_indirect_dma semaphore(%arg16 : memref<!tpu.dma_semaphore, #tpu.memory_space<semaphore_mem>>) src(%dma_wait3A_1005 : memref<4096x64xf32, #tpu.memory_space<vmem_shared>>) dst(%dma_wait3A_999 : memref<128x64xf32, #tpu.memory_space<vmem>>)
      %scan3A_1006 = arith.constant 0 : i32
      %scan3A_1007 = arith.constant 0 : i32
      %scan3A_1008 = arith.constant 128 : i32
      %scan3A_1009 = arith.addi %scan3A_1007, %scan3A_1008 : i32
      %scan3A_1010 = arith.constant 2 : i32
      scf.for %scan3A_1042 = %scan3A_1007 to %scan3A_1009 step %scan3A_1010  : i32 {
        %get3A_1043 = arith.index_cast %scan3A_1042 : i32 to index
        %get3A_1044 = arith.constant 0 : index
        %get3A_1045 = tpu.vector_load %arg12[%get3A_1043, %get3A_1044] {strides = array<i32>} : memref<512x64xf32, #tpu.memory_space<vmem>>, vector<1x16xf32>,
        %get3A_1046 = vector.shape_cast %get3A_1045 : vector<1x16xf32> to vector<16xf32>
        %add3A_1047 = arith.constant 128 : i32
        %add3A_1048 = arith.addi %scan3A_1042, %add3A_1047 : i32
        %get3A_1049 = arith.index_cast %add3A_1048 : i32 to index
        %get3A_1050 = arith.constant 0 : index
        %get3A_1051 = tpu.vector_load %arg12[%get3A_1049, %get3A_1050] {strides = array<i32>} : memref<512x64xf32, #tpu.memory_space<vmem>>, vector<1x16xf32>,
        %get3A_1052 = vector.shape_cast %get3A_1051 : vector<1x16xf32> to vector<16xf32>
        %add3A_1053 = arith.addf %get3A_1046, %get3A_1052 : vector<16xf32>
        %add3A_1054 = arith.constant 256 : i32
        %add3A_1055 = arith.addi %scan3A_1042, %add3A_1054 : i32
        %get3A_1056 = arith.index_cast %add3A_1055 : i32 to index
        %get3A_1057 = arith.constant 0 : index
        %get3A_1058 = tpu.vector_load %arg12[%get3A_1056, %get3A_1057] {strides = array<i32>} : memref<512x64xf32, #tpu.memory_space<vmem>>, vector<1x16xf32>,
        %get3A_1059 = vector.shape_cast %get3A_1058 : vector<1x16xf32> to vector<16xf32>
        %add3A_1060 = arith.constant 384 : i32
        %add3A_1061 = arith.addi %scan3A_1042, %add3A_1060 : i32
        %get3A_1062 = arith.index_cast %add3A_1061 : i32 to index
        %get3A_1063 = arith.constant 0 : index
        %get3A_1064 = tpu.vector_load %arg12[%get3A_1062, %get3A_1063] {strides = array<i32>} : memref<512x64xf32, #tpu.memory_space<vmem>>, vector<1x16xf32>,
        %get3A_1065 = vector.shape_cast %get3A_1064 : vector<1x16xf32> to vector<16xf32>
        %add3A_1066 = arith.addf %get3A_1059, %get3A_1065 : vector<16xf32>
        %add3A_1067 = arith.addf %add3A_1053, %add3A_1066 : vector<16xf32>
        %swap3A_1068 = arith.index_cast %scan3A_1042 : i32 to index
        %swap3A_1069 = arith.constant 0 : index
        %swap3A_1070 = tpu.vector_load %arg12[%swap3A_1068, %swap3A_1069] {strides = array<i32>} : memref<512x64xf32, #tpu.memory_space<vmem>>, vector<1x16xf32>,
        %swap3A_1071 = vector.shape_cast %swap3A_1070 : vector<1x16xf32> to vector<16xf32>
        %swap3A_1072 = vector.shape_cast %add3A_1067 : vector<16xf32> to vector<1x16xf32>
        tpu.vector_store %arg12[%swap3A_1068, %swap3A_1069], %swap3A_1072 {strides = array<i32>} : memref<512x64xf32, #tpu.memory_space<vmem>>, vector<1x16xf32>,
        %get3A_1073 = arith.index_cast %scan3A_1042 : i32 to index
        %get3A_1074 = arith.constant 16 : index
        %get3A_1075 = tpu.vector_load %arg12[%get3A_1073, %get3A_1074] {strides = array<i32>} : memref<512x64xf32, #tpu.memory_space<vmem>>, vector<1x16xf32>,
        %get3A_1076 = vector.shape_cast %get3A_1075 : vector<1x16xf32> to vector<16xf32>
        %add3A_1077 = arith.constant 128 : i32
        %add3A_1078 = arith.addi %scan3A_1042, %add3A_1077 : i32
        %get3A_1079 = arith.index_cast %add3A_1078 : i32 to index
        %get3A_1080 = arith.constant 16 : index
        %get3A_1081 = tpu.vector_load %arg12[%get3A_1079, %get3A_1080] {strides = array<i32>} : memref<512x64xf32, #tpu.memory_space<vmem>>, vector<1x16xf32>,
        %get3A_1082 = vector.shape_cast %get3A_1081 : vector<1x16xf32> to vector<16xf32>
        %add3A_1083 = arith.addf %get3A_1076, %get3A_1082 : vector<16xf32>
        %add3A_1084 = arith.constant 256 : i32
        %add3A_1085 = arith.addi %scan3A_1042, %add3A_1084 : i32
        %get3A_1086 = arith.index_cast %add3A_1085 : i32 to index
        %get3A_1087 = arith.constant 16 : index
        %get3A_1088 = tpu.vector_load %arg12[%get3A_1086, %get3A_1087] {strides = array<i32>} : memref<512x64xf32, #tpu.memory_space<vmem>>, vector<1x16xf32>,
        %get3A_1089 = vector.shape_cast %get3A_1088 : vector<1x16xf32> to vector<16xf32>
        %add3A_1090 = arith.constant 384 : i32
        %add3A_1091 = arith.addi %scan3A_1042, %add3A_1090 : i32
        %get3A_1092 = arith.index_cast %add3A_1091 : i32 to index
        %get3A_1093 = arith.constant 16 : index
        %get3A_1094 = tpu.vector_load %arg12[%get3A_1092, %get3A_1093] {strides = array<i32>} : memref<512x64xf32, #tpu.memory_space<vmem>>, vector<1x16xf32>,
        %get3A_1095 = vector.shape_cast %get3A_1094 : vector<1x16xf32> to vector<16xf32>
        %add3A_1096 = arith.addf %get3A_1089, %get3A_1095 : vector<16xf32>
        %add3A_1097 = arith.addf %add3A_1083, %add3A_1096 : vector<16xf32>
        %swap3A_1098 = arith.index_cast %scan3A_1042 : i32 to index
        %swap3A_1099 = arith.constant 16 : index
        %swap3A_1100 = tpu.vector_load %arg12[%swap3A_1098, %swap3A_1099] {strides = array<i32>} : memref<512x64xf32, #tpu.memory_space<vmem>>, vector<1x16xf32>,
        %swap3A_1101 = vector.shape_cast %swap3A_1100 : vector<1x16xf32> to vector<16xf32>
        %swap3A_1102 = vector.shape_cast %add3A_1097 : vector<16xf32> to vector<1x16xf32>
        tpu.vector_store %arg12[%swap3A_1098, %swap3A_1099], %swap3A_1102 {strides = array<i32>} : memref<512x64xf32, #tpu.memory_space<vmem>>, vector<1x16xf32>,
        %get3A_1103 = arith.index_cast %scan3A_1042 : i32 to index
        %get3A_1104 = arith.constant 32 : index
        %get3A_1105 = tpu.vector_load %arg12[%get3A_1103, %get3A_1104] {strides = array<i32>} : memref<512x64xf32, #tpu.memory_space<vmem>>, vector<1x16xf32>,
        %get3A_1106 = vector.shape_cast %get3A_1105 : vector<1x16xf32> to vector<16xf32>
        %add3A_1107 = arith.constant 128 : i32
        %add3A_1108 = arith.addi %scan3A_1042, %add3A_1107 : i32
        %get3A_1109 = arith.index_cast %add3A_1108 : i32 to index
        %get3A_1110 = arith.constant 32 : index
        %get3A_1111 = tpu.vector_load %arg12[%get3A_1109, %get3A_1110] {strides = array<i32>} : memref<512x64xf32, #tpu.memory_space<vmem>>, vector<1x16xf32>,
        %get3A_1112 = vector.shape_cast %get3A_1111 : vector<1x16xf32> to vector<16xf32>
        %add3A_1113 = arith.addf %get3A_1106, %get3A_1112 : vector<16xf32>
        %add3A_1114 = arith.constant 256 : i32
        %add3A_1115 = arith.addi %scan3A_1042, %add3A_1114 : i32
        %get3A_1116 = arith.index_cast %add3A_1115 : i32 to index
        %get3A_1117 = arith.constant 32 : index
        %get3A_1118 = tpu.vector_load %arg12[%get3A_1116, %get3A_1117] {strides = array<i32>} : memref<512x64xf32, #tpu.memory_space<vmem>>, vector<1x16xf32>,
        %get3A_1119 = vector.shape_cast %get3A_1118 : vector<1x16xf32> to vector<16xf32>
        %add3A_1120 = arith.constant 384 : i32
        %add3A_1121 = arith.addi %scan3A_1042, %add3A_1120 : i32
        %get3A_1122 = arith.index_cast %add3A_1121 : i32 to index
        %get3A_1123 = arith.constant 32 : index
        %get3A_1124 = tpu.vector_load %arg12[%get3A_1122, %get3A_1123] {strides = array<i32>} : memref<512x64xf32, #tpu.memory_space<vmem>>, vector<1x16xf32>,
        %get3A_1125 = vector.shape_cast %get3A_1124 : vector<1x16xf32> to vector<16xf32>
        %add3A_1126 = arith.addf %get3A_1119, %get3A_1125 : vector<16xf32>
        %add3A_1127 = arith.addf %add3A_1113, %add3A_1126 : vector<16xf32>
        %swap3A_1128 = arith.index_cast %scan3A_1042 : i32 to index
        %swap3A_1129 = arith.constant 32 : index
        %swap3A_1130 = tpu.vector_load %arg12[%swap3A_1128, %swap3A_1129] {strides = array<i32>} : memref<512x64xf32, #tpu.memory_space<vmem>>, vector<1x16xf32>,
        %swap3A_1131 = vector.shape_cast %swap3A_1130 : vector<1x16xf32> to vector<16xf32>
        %swap3A_1132 = vector.shape_cast %add3A_1127 : vector<16xf32> to vector<1x16xf32>
        tpu.vector_store %arg12[%swap3A_1128, %swap3A_1129], %swap3A_1132 {strides = array<i32>} : memref<512x64xf32, #tpu.memory_space<vmem>>, vector<1x16xf32>,
        %get3A_1133 = arith.index_cast %scan3A_1042 : i32 to index
        %get3A_1134 = arith.constant 48 : index
        %get3A_1135 = tpu.vector_load %arg12[%get3A_1133, %get3A_1134] {strides = array<i32>} : memref<512x64xf32, #tpu.memory_space<vmem>>, vector<1x16xf32>,
        %get3A_1136 = vector.shape_cast %get3A_1135 : vector<1x16xf32> to vector<16xf32>
        %add3A_1137 = arith.constant 128 : i32
        %add3A_1138 = arith.addi %scan3A_1042, %add3A_1137 : i32
        %get3A_1139 = arith.index_cast %add3A_1138 : i32 to index
        %get3A_1140 = arith.constant 48 : index
        %get3A_1141 = tpu.vector_load %arg12[%get3A_1139, %get3A_1140] {strides = array<i32>} : memref<512x64xf32, #tpu.memory_space<vmem>>, vector<1x16xf32>,
        %get3A_1142 = vector.shape_cast %get3A_1141 : vector<1x16xf32> to vector<16xf32>
        %add3A_1143 = arith.addf %get3A_1136, %get3A_1142 : vector<16xf32>
        %add3A_1144 = arith.constant 256 : i32
        %add3A_1145 = arith.addi %scan3A_1042, %add3A_1144 : i32
        %get3A_1146 = arith.index_cast %add3A_1145 : i32 to index
        %get3A_1147 = arith.constant 48 : index
        %get3A_1148 = tpu.vector_load %arg12[%get3A_1146, %get3A_1147] {strides = array<i32>} : memref<512x64xf32, #tpu.memory_space<vmem>>, vector<1x16xf32>,
        %get3A_1149 = vector.shape_cast %get3A_1148 : vector<1x16xf32> to vector<16xf32>
        %add3A_1150 = arith.constant 384 : i32
        %add3A_1151 = arith.addi %scan3A_1042, %add3A_1150 : i32
        %get3A_1152 = arith.index_cast %add3A_1151 : i32 to index
        %get3A_1153 = arith.constant 48 : index
        %get3A_1154 = tpu.vector_load %arg12[%get3A_1152, %get3A_1153] {strides = array<i32>} : memref<512x64xf32, #tpu.memory_space<vmem>>, vector<1x16xf32>,
        %get3A_1155 = vector.shape_cast %get3A_1154 : vector<1x16xf32> to vector<16xf32>
        %add3A_1156 = arith.addf %get3A_1149, %get3A_1155 : vector<16xf32>
        %add3A_1157 = arith.addf %add3A_1143, %add3A_1156 : vector<16xf32>
        %swap3A_1158 = arith.index_cast %scan3A_1042 : i32 to index
        %swap3A_1159 = arith.constant 48 : index
        %swap3A_1160 = tpu.vector_load %arg12[%swap3A_1158, %swap3A_1159] {strides = array<i32>} : memref<512x64xf32, #tpu.memory_space<vmem>>, vector<1x16xf32>,
        %swap3A_1161 = vector.shape_cast %swap3A_1160 : vector<1x16xf32> to vector<16xf32>
        %swap3A_1162 = vector.shape_cast %add3A_1157 : vector<16xf32> to vector<1x16xf32>
        tpu.vector_store %arg12[%swap3A_1158, %swap3A_1159], %swap3A_1162 {strides = array<i32>} : memref<512x64xf32, #tpu.memory_space<vmem>>, vector<1x16xf32>,
        %scan3A_1163 = arith.constant 1 : i32
        %scan3A_1164 = arith.addi %scan3A_1042, %scan3A_1163 : i32
        %get3A_1165 = arith.index_cast %scan3A_1164 : i32 to index
        %get3A_1166 = arith.constant 0 : index
        %get3A_1167 = tpu.vector_load %arg12[%get3A_1165, %get3A_1166] {strides = array<i32>} : memref<512x64xf32, #tpu.memory_space<vmem>>, vector<1x16xf32>,
        %get3A_1168 = vector.shape_cast %get3A_1167 : vector<1x16xf32> to vector<16xf32>
        %add3A_1169 = arith.constant 128 : i32
        %add3A_1170 = arith.addi %scan3A_1164, %add3A_1169 : i32
        %get3A_1171 = arith.index_cast %add3A_1170 : i32 to index
        %get3A_1172 = arith.constant 0 : index
        %get3A_1173 = tpu.vector_load %arg12[%get3A_1171, %get3A_1172] {strides = array<i32>} : memref<512x64xf32, #tpu.memory_space<vmem>>, vector<1x16xf32>,
        %get3A_1174 = vector.shape_cast %get3A_1173 : vector<1x16xf32> to vector<16xf32>
        %add3A_1175 = arith.addf %get3A_1168, %get3A_1174 : vector<16xf32>
        %add3A_1176 = arith.constant 256 : i32
        %add3A_1177 = arith.addi %scan3A_1164, %add3A_1176 : i32
        %get3A_1178 = arith.index_cast %add3A_1177 : i32 to index
        %get3A_1179 = arith.constant 0 : index
        %get3A_1180 = tpu.vector_load %arg12[%get3A_1178, %get3A_1179] {strides = array<i32>} : memref<512x64xf32, #tpu.memory_space<vmem>>, vector<1x16xf32>,
        %get3A_1181 = vector.shape_cast %get3A_1180 : vector<1x16xf32> to vector<16xf32>
        %add3A_1182 = arith.constant 384 : i32
        %add3A_1183 = arith.addi %scan3A_1164, %add3A_1182 : i32
        %get3A_1184 = arith.index_cast %add3A_1183 : i32 to index
        %get3A_1185 = arith.constant 0 : index
        %get3A_1186 = tpu.vector_load %arg12[%get3A_1184, %get3A_1185] {strides = array<i32>} : memref<512x64xf32, #tpu.memory_space<vmem>>, vector<1x16xf32>,
        %get3A_1187 = vector.shape_cast %get3A_1186 : vector<1x16xf32> to vector<16xf32>
        %add3A_1188 = arith.addf %get3A_1181, %get3A_1187 : vector<16xf32>
        %add3A_1189 = arith.addf %add3A_1175, %add3A_1188 : vector<16xf32>
        %swap3A_1190 = arith.index_cast %scan3A_1164 : i32 to index
        %swap3A_1191 = arith.constant 0 : index
        %swap3A_1192 = tpu.vector_load %arg12[%swap3A_1190, %swap3A_1191] {strides = array<i32>} : memref<512x64xf32, #tpu.memory_space<vmem>>, vector<1x16xf32>,
        %swap3A_1193 = vector.shape_cast %swap3A_1192 : vector<1x16xf32> to vector<16xf32>
        %swap3A_1194 = vector.shape_cast %add3A_1189 : vector<16xf32> to vector<1x16xf32>
        tpu.vector_store %arg12[%swap3A_1190, %swap3A_1191], %swap3A_1194 {strides = array<i32>} : memref<512x64xf32, #tpu.memory_space<vmem>>, vector<1x16xf32>,
        %get3A_1195 = arith.index_cast %scan3A_1164 : i32 to index
        %get3A_1196 = arith.constant 16 : index
        %get3A_1197 = tpu.vector_load %arg12[%get3A_1195, %get3A_1196] {strides = array<i32>} : memref<512x64xf32, #tpu.memory_space<vmem>>, vector<1x16xf32>,
        %get3A_1198 = vector.shape_cast %get3A_1197 : vector<1x16xf32> to vector<16xf32>
        %add3A_1199 = arith.constant 128 : i32
        %add3A_1200 = arith.addi %scan3A_1164, %add3A_1199 : i32
        %get3A_1201 = arith.index_cast %add3A_1200 : i32 to index
        %get3A_1202 = arith.constant 16 : index
        %get3A_1203 = tpu.vector_load %arg12[%get3A_1201, %get3A_1202] {strides = array<i32>} : memref<512x64xf32, #tpu.memory_space<vmem>>, vector<1x16xf32>,
        %get3A_1204 = vector.shape_cast %get3A_1203 : vector<1x16xf32> to vector<16xf32>
        %add3A_1205 = arith.addf %get3A_1198, %get3A_1204 : vector<16xf32>
        %add3A_1206 = arith.constant 256 : i32
        %add3A_1207 = arith.addi %scan3A_1164, %add3A_1206 : i32
        %get3A_1208 = arith.index_cast %add3A_1207 : i32 to index
        %get3A_1209 = arith.constant 16 : index
        %get3A_1210 = tpu.vector_load %arg12[%get3A_1208, %get3A_1209] {strides = array<i32>} : memref<512x64xf32, #tpu.memory_space<vmem>>, vector<1x16xf32>,
        %get3A_1211 = vector.shape_cast %get3A_1210 : vector<1x16xf32> to vector<16xf32>
        %add3A_1212 = arith.constant 384 : i32
        %add3A_1213 = arith.addi %scan3A_1164, %add3A_1212 : i32
        %get3A_1214 = arith.index_cast %add3A_1213 : i32 to index
        %get3A_1215 = arith.constant 16 : index
        %get3A_1216 = tpu.vector_load %arg12[%get3A_1214, %get3A_1215] {strides = array<i32>} : memref<512x64xf32, #tpu.memory_space<vmem>>, vector<1x16xf32>,
        %get3A_1217 = vector.shape_cast %get3A_1216 : vector<1x16xf32> to vector<16xf32>
        %add3A_1218 = arith.addf %get3A_1211, %get3A_1217 : vector<16xf32>
        %add3A_1219 = arith.addf %add3A_1205, %add3A_1218 : vector<16xf32>
        %swap3A_1220 = arith.index_cast %scan3A_1164 : i32 to index
        %swap3A_1221 = arith.constant 16 : index
        %swap3A_1222 = tpu.vector_load %arg12[%swap3A_1220, %swap3A_1221] {strides = array<i32>} : memref<512x64xf32, #tpu.memory_space<vmem>>, vector<1x16xf32>,
        %swap3A_1223 = vector.shape_cast %swap3A_1222 : vector<1x16xf32> to vector<16xf32>
        %swap3A_1224 = vector.shape_cast %add3A_1219 : vector<16xf32> to vector<1x16xf32>
        tpu.vector_store %arg12[%swap3A_1220, %swap3A_1221], %swap3A_1224 {strides = array<i32>} : memref<512x64xf32, #tpu.memory_space<vmem>>, vector<1x16xf32>,
        %get3A_1225 = arith.index_cast %scan3A_1164 : i32 to index
        %get3A_1226 = arith.constant 32 : index
        %get3A_1227 = tpu.vector_load %arg12[%get3A_1225, %get3A_1226] {strides = array<i32>} : memref<512x64xf32, #tpu.memory_space<vmem>>, vector<1x16xf32>,
        %get3A_1228 = vector.shape_cast %get3A_1227 : vector<1x16xf32> to vector<16xf32>
        %add3A_1229 = arith.constant 128 : i32
        %add3A_1230 = arith.addi %scan3A_1164, %add3A_1229 : i32
        %get3A_1231 = arith.index_cast %add3A_1230 : i32 to index
        %get3A_1232 = arith.constant 32 : index
        %get3A_1233 = tpu.vector_load %arg12[%get3A_1231, %get3A_1232] {strides = array<i32>} : memref<512x64xf32, #tpu.memory_space<vmem>>, vector<1x16xf32>,
        %get3A_1234 = vector.shape_cast %get3A_1233 : vector<1x16xf32> to vector<16xf32>
        %add3A_1235 = arith.addf %get3A_1228, %get3A_1234 : vector<16xf32>
        %add3A_1236 = arith.constant 256 : i32
        %add3A_1237 = arith.addi %scan3A_1164, %add3A_1236 : i32
        %get3A_1238 = arith.index_cast %add3A_1237 : i32 to index
        %get3A_1239 = arith.constant 32 : index
        %get3A_1240 = tpu.vector_load %arg12[%get3A_1238, %get3A_1239] {strides = array<i32>} : memref<512x64xf32, #tpu.memory_space<vmem>>, vector<1x16xf32>,
        %get3A_1241 = vector.shape_cast %get3A_1240 : vector<1x16xf32> to vector<16xf32>
        %add3A_1242 = arith.constant 384 : i32
        %add3A_1243 = arith.addi %scan3A_1164, %add3A_1242 : i32
        %get3A_1244 = arith.index_cast %add3A_1243 : i32 to index
        %get3A_1245 = arith.constant 32 : index
        %get3A_1246 = tpu.vector_load %arg12[%get3A_1244, %get3A_1245] {strides = array<i32>} : memref<512x64xf32, #tpu.memory_space<vmem>>, vector<1x16xf32>,
        %get3A_1247 = vector.shape_cast %get3A_1246 : vector<1x16xf32> to vector<16xf32>
        %add3A_1248 = arith.addf %get3A_1241, %get3A_1247 : vector<16xf32>
        %add3A_1249 = arith.addf %add3A_1235, %add3A_1248 : vector<16xf32>
        %swap3A_1250 = arith.index_cast %scan3A_1164 : i32 to index
        %swap3A_1251 = arith.constant 32 : index
        %swap3A_1252 = tpu.vector_load %arg12[%swap3A_1250, %swap3A_1251] {strides = array<i32>} : memref<512x64xf32, #tpu.memory_space<vmem>>, vector<1x16xf32>,
        %swap3A_1253 = vector.shape_cast %swap3A_1252 : vector<1x16xf32> to vector<16xf32>
        %swap3A_1254 = vector.shape_cast %add3A_1249 : vector<16xf32> to vector<1x16xf32>
        tpu.vector_store %arg12[%swap3A_1250, %swap3A_1251], %swap3A_1254 {strides = array<i32>} : memref<512x64xf32, #tpu.memory_space<vmem>>, vector<1x16xf32>,
        %get3A_1255 = arith.index_cast %scan3A_1164 : i32 to index
        %get3A_1256 = arith.constant 48 : index
        %get3A_1257 = tpu.vector_load %arg12[%get3A_1255, %get3A_1256] {strides = array<i32>} : memref<512x64xf32, #tpu.memory_space<vmem>>, vector<1x16xf32>,
        %get3A_1258 = vector.shape_cast %get3A_1257 : vector<1x16xf32> to vector<16xf32>
        %add3A_1259 = arith.constant 128 : i32
        %add3A_1260 = arith.addi %scan3A_1164, %add3A_1259 : i32
        %get3A_1261 = arith.index_cast %add3A_1260 : i32 to index
        %get3A_1262 = arith.constant 48 : index
        %get3A_1263 = tpu.vector_load %arg12[%get3A_1261, %get3A_1262] {strides = array<i32>} : memref<512x64xf32, #tpu.memory_space<vmem>>, vector<1x16xf32>,
        %get3A_1264 = vector.shape_cast %get3A_1263 : vector<1x16xf32> to vector<16xf32>
        %add3A_1265 = arith.addf %get3A_1258, %get3A_1264 : vector<16xf32>
        %add3A_1266 = arith.constant 256 : i32
        %add3A_1267 = arith.addi %scan3A_1164, %add3A_1266 : i32
        %get3A_1268 = arith.index_cast %add3A_1267 : i32 to index
        %get3A_1269 = arith.constant 48 : index
        %get3A_1270 = tpu.vector_load %arg12[%get3A_1268, %get3A_1269] {strides = array<i32>} : memref<512x64xf32, #tpu.memory_space<vmem>>, vector<1x16xf32>,
        %get3A_1271 = vector.shape_cast %get3A_1270 : vector<1x16xf32> to vector<16xf32>
        %add3A_1272 = arith.constant 384 : i32
        %add3A_1273 = arith.addi %scan3A_1164, %add3A_1272 : i32
        %get3A_1274 = arith.index_cast %add3A_1273 : i32 to index
        %get3A_1275 = arith.constant 48 : index
        %get3A_1276 = tpu.vector_load %arg12[%get3A_1274, %get3A_1275] {strides = array<i32>} : memref<512x64xf32, #tpu.memory_space<vmem>>, vector<1x16xf32>,
        %get3A_1277 = vector.shape_cast %get3A_1276 : vector<1x16xf32> to vector<16xf32>
        %add3A_1278 = arith.addf %get3A_1271, %get3A_1277 : vector<16xf32>
        %add3A_1279 = arith.addf %add3A_1265, %add3A_1278 : vector<16xf32>
        %swap3A_1280 = arith.index_cast %scan3A_1164 : i32 to index
        %swap3A_1281 = arith.constant 48 : index
        %swap3A_1282 = tpu.vector_load %arg12[%swap3A_1280, %swap3A_1281] {strides = array<i32>} : memref<512x64xf32, #tpu.memory_space<vmem>>, vector<1x16xf32>,
        %swap3A_1283 = vector.shape_cast %swap3A_1282 : vector<1x16xf32> to vector<16xf32>
        %swap3A_1284 = vector.shape_cast %add3A_1279 : vector<16xf32> to vector<1x16xf32>
        tpu.vector_store %arg12[%swap3A_1280, %swap3A_1281], %swap3A_1284 {strides = array<i32>} : memref<512x64xf32, #tpu.memory_space<vmem>>, vector<1x16xf32>,
      }
      %scan3A_1011 = arith.constant 128 : i32
      %dma_start3A_1012 = arith.constant 0 : i32
      %dma_start3A_1013 = arith.constant 0 : i32
      %dma_start3A_1014 = tpu.memref_slice %arg12[%dma_start3A_1012, %dma_start3A_1013] : memref<512x64xf32, #tpu.memory_space<vmem>> -> memref<128x64xf32, #tpu.memory_space<vmem>>
      %dma_start3A_1015 = arith.constant 0 : i32
      %dma_start3A_1016 = tpu.memref_slice %arg7[%add3A_17, %dma_start3A_1015] : memref<204800x64xf32, #tpu.memory_space<hbm>> -> memref<128x64xf32, #tpu.memory_space<hbm>>
      %dma_start3A_1017 = arith.constant 0 : i32
      %dma_start3A_1018 = tpu.memref_slice %arg7[%add3A_17, %dma_start3A_1017] : memref<204800x64xf32, #tpu.memory_space<hbm>> -> memref<128x64xf32, #tpu.memory_space<hbm>>
      %dma_start3A_1019 = arith.constant 0 : i32
      %dma_start3A_1020 = arith.constant 0 : i32
      %dma_start3A_1021 = tpu.memref_slice %arg12[%dma_start3A_1019, %dma_start3A_1020] : memref<512x64xf32, #tpu.memory_space<vmem>> -> memref<128x64xf32, #tpu.memory_space<vmem>>
      tpu.enqueue_dma source(%dma_start3A_1021 : memref<128x64xf32, #tpu.memory_space<vmem>>) target(%dma_start3A_1018 : memref<128x64xf32, #tpu.memory_space<hbm>>) target_semaphore(%arg18 : memref<!tpu.dma_semaphore, #tpu.memory_space<semaphore_mem>>)
      %dma_wait3A_1022 = arith.constant 0 : i32
      %dma_wait3A_1023 = arith.constant 0 : i32
      %dma_wait3A_1024 = tpu.memref_slice %arg11[%dma_wait3A_1022, %dma_wait3A_1023] : memref<512x64xf32, #tpu.memory_space<vmem>> -> memref<128x64xf32, #tpu.memory_space<vmem>>
      %dma_wait3A_1025 = arith.constant 0 : i32
      %dma_wait3A_1026 = tpu.memref_slice %arg7[%add3A_15, %dma_wait3A_1025] : memref<204800x64xf32, #tpu.memory_space<hbm>> -> memref<128x64xf32, #tpu.memory_space<hbm>>
      %dma_wait3A_1027 = arith.constant 0 : i32
      %dma_wait3A_1028 = tpu.memref_slice %arg7[%add3A_15, %dma_wait3A_1027] : memref<204800x64xf32, #tpu.memory_space<hbm>> -> memref<128x64xf32, #tpu.memory_space<hbm>>
      %dma_wait3A_1029 = arith.constant 0 : i32
      %dma_wait3A_1030 = arith.constant 0 : i32
      %dma_wait3A_1031 = tpu.memref_slice %arg11[%dma_wait3A_1029, %dma_wait3A_1030] : memref<512x64xf32, #tpu.memory_space<vmem>> -> memref<128x64xf32, #tpu.memory_space<vmem>>
      tpu.wait_dma2 semaphore(%arg17 : memref<!tpu.dma_semaphore, #tpu.memory_space<semaphore_mem>>) src(%dma_wait3A_1031 : memref<128x64xf32, #tpu.memory_space<vmem>>) dst(%dma_wait3A_1028 : memref<128x64xf32, #tpu.memory_space<hbm>>)
      %dma_wait3A_1032 = arith.constant 0 : i32
      %dma_wait3A_1033 = arith.constant 0 : i32
      %dma_wait3A_1034 = tpu.memref_slice %arg12[%dma_wait3A_1032, %dma_wait3A_1033] : memref<512x64xf32, #tpu.memory_space<vmem>> -> memref<128x64xf32, #tpu.memory_space<vmem>>
      %dma_wait3A_1035 = arith.constant 0 : i32
      %dma_wait3A_1036 = tpu.memref_slice %arg7[%add3A_17, %dma_wait3A_1035] : memref<204800x64xf32, #tpu.memory_space<hbm>> -> memref<128x64xf32, #tpu.memory_space<hbm>>
      %dma_wait3A_1037 = arith.constant 0 : i32
      %dma_wait3A_1038 = tpu.memref_slice %arg7[%add3A_17, %dma_wait3A_1037] : memref<204800x64xf32, #tpu.memory_space<hbm>> -> memref<128x64xf32, #tpu.memory_space<hbm>>
      %dma_wait3A_1039 = arith.constant 0 : i32
      %dma_wait3A_1040 = arith.constant 0 : i32
      %dma_wait3A_1041 = tpu.memref_slice %arg12[%dma_wait3A_1039, %dma_wait3A_1040] : memref<512x64xf32, #tpu.memory_space<vmem>> -> memref<128x64xf32, #tpu.memory_space<vmem>>
      tpu.wait_dma2 semaphore(%arg18 : memref<!tpu.dma_semaphore, #tpu.memory_space<semaphore_mem>>) src(%dma_wait3A_1041 : memref<128x64xf32, #tpu.memory_space<vmem>>) dst(%dma_wait3A_1038 : memref<128x64xf32, #tpu.memory_space<hbm>>)
    }
    %scan3A_7 = arith.constant 25 : i32
    return
  }
}

module attributes {stable_mosaic.version = 14 : i64} {
  func.func @_table_norm_body(%arg0: i32, %arg1: memref<1x1024x64xf32, #tpu.memory_space<vmem>>, %arg2: memref<1x1x64xf32, #tpu.memory_space<vmem>>, %arg3: memref<1x1x64xf32, #tpu.memory_space<vmem>>, %arg4: memref<1x1024x64xf32, #tpu.memory_space<vmem>>) attributes {dimension_semantics = [#tpu.dimension_semantics<arbitrary>], iteration_bounds = array<i64: 4>, scalar_prefetch = 0 : i64, scratch_operands = 0 : i64, tpu.core_type = #tpu.core_type<tc>, window_params = [{transform_indices = @transform_0, window_bounds = array<i64: 1, 1024, 64>}, {transform_indices = @transform_1, window_bounds = array<i64: 1, 1, 64>}, {transform_indices = @transform_2, window_bounds = array<i64: 1, 1, 64>}, {transform_indices = @transform_3, window_bounds = array<i64: 1, 1024, 64>}]} {
    %get3A = arith.constant 0 : index
    %get3A_0 = arith.constant 0 : index
    %get3A_1 = arith.constant 0 : index
    %get3A_2 = vector.load %arg1[%get3A, %get3A_0, %get3A_1] : memref<1x1024x64xf32, #tpu.memory_space<vmem>>, vector<1x1024x64xf32>
    %get3A_3 = vector.shape_cast %get3A_2 : vector<1x1024x64xf32> to vector<1024x64xf32>
    %get3A_4 = arith.constant 0 : index
    %get3A_5 = arith.constant 0 : index
    %get3A_6 = arith.constant 0 : index
    %get3A_7 = vector.load %arg2[%get3A_4, %get3A_5, %get3A_6] : memref<1x1x64xf32, #tpu.memory_space<vmem>>, vector<1x1x64xf32>
    %get3A_8 = vector.shape_cast %get3A_7 : vector<1x1x64xf32> to vector<1x64xf32>
    %get3A_9 = arith.constant 0 : index
    %get3A_10 = arith.constant 0 : index
    %get3A_11 = arith.constant 0 : index
    %get3A_12 = vector.load %arg3[%get3A_9, %get3A_10, %get3A_11] : memref<1x1x64xf32, #tpu.memory_space<vmem>>, vector<1x1x64xf32>
    %get3A_13 = vector.shape_cast %get3A_12 : vector<1x1x64xf32> to vector<1x64xf32>
    %reduce_sum3A = arith.constant dense<0.000000e+00> : vector<1024xf32>
    %reduce_sum3A_14 = vector.multi_reduction <add>, %get3A_3, %reduce_sum3A [1] : vector<1024x64xf32> to vector<1024xf32>
    %broadcast_in_dim3A = vector.shape_cast %reduce_sum3A_14 : vector<1024xf32> to vector<1024x1xf32>
    %div3A = arith.constant 6.400000e+01 : f32
    %div3A_15 = vector.broadcast %div3A : f32 to vector<1024x1xf32>
    %div3A_16 = arith.divf %broadcast_in_dim3A, %div3A_15 : vector<1024x1xf32>
    %sub3A = vector.broadcast %div3A_16 : vector<1024x1xf32> to vector<1024x64xf32>
    %sub3A_17 = arith.subf %get3A_3, %sub3A : vector<1024x64xf32>
    %integer_pow3A = arith.mulf %sub3A_17, %sub3A_17 : vector<1024x64xf32>
    %reduce_sum3A_18 = arith.constant dense<0.000000e+00> : vector<1024xf32>
    %reduce_sum3A_19 = vector.multi_reduction <add>, %integer_pow3A, %reduce_sum3A_18 [1] : vector<1024x64xf32> to vector<1024xf32>
    %broadcast_in_dim3A_20 = vector.shape_cast %reduce_sum3A_19 : vector<1024xf32> to vector<1024x1xf32>
    %div3A_21 = arith.constant 6.400000e+01 : f32
    %div3A_22 = vector.broadcast %div3A_21 : f32 to vector<1024x1xf32>
    %div3A_23 = arith.divf %broadcast_in_dim3A_20, %div3A_22 : vector<1024x1xf32>
    %sub3A_24 = vector.broadcast %div3A_16 : vector<1024x1xf32> to vector<1024x64xf32>
    %sub3A_25 = arith.subf %get3A_3, %sub3A_24 : vector<1024x64xf32>
    %add3A = arith.constant 9.99999974E-6 : f32
    %add3A_26 = vector.broadcast %add3A : f32 to vector<1024x1xf32>
    %add3A_27 = arith.addf %div3A_23, %add3A_26 : vector<1024x1xf32>
    %sqrt3A = math.sqrt %add3A_27 : vector<1024x1xf32>
    %div3A_28 = vector.broadcast %sqrt3A : vector<1024x1xf32> to vector<1024x64xf32>
    %div3A_29 = arith.divf %sub3A_25, %div3A_28 : vector<1024x64xf32>
    %mul3A = vector.broadcast %get3A_8 : vector<1x64xf32> to vector<1024x64xf32>
    %mul3A_30 = arith.mulf %div3A_29, %mul3A : vector<1024x64xf32>
    %add3A_31 = vector.broadcast %get3A_13 : vector<1x64xf32> to vector<1024x64xf32>
    %add3A_32 = arith.addf %mul3A_30, %add3A_31 : vector<1024x64xf32>
    %eq3A = arith.constant 3 : i32
    %eq3A_33 = arith.cmpi eq, %arg0, %eq3A : i32
    %convert_element_type3A = arith.extui %eq3A_33 : i1 to i32
    %convert_element_type3A_34 = arith.sitofp %convert_element_type3A : i32 to f32
    %mul3A_35 = vector.broadcast %convert_element_type3A_34 : f32 to vector<1024x64xf32>
    %mul3A_36 = arith.mulf %get3A_3, %mul3A_35 : vector<1024x64xf32>
    %sub3A_37 = arith.constant 1.000000e+00 : f32
    %sub3A_38 = arith.subf %sub3A_37, %convert_element_type3A_34 : f32
    %mul3A_39 = vector.broadcast %sub3A_38 : f32 to vector<1024x64xf32>
    %mul3A_40 = arith.mulf %add3A_32, %mul3A_39 : vector<1024x64xf32>
    %add3A_41 = arith.addf %mul3A_36, %mul3A_40 : vector<1024x64xf32>
    %swap3A = arith.constant 0 : index
    %swap3A_42 = arith.constant 0 : index
    %swap3A_43 = arith.constant 0 : index
    %swap3A_44 = vector.load %arg4[%swap3A, %swap3A_42, %swap3A_43] : memref<1x1024x64xf32, #tpu.memory_space<vmem>>, vector<1x1024x64xf32>
    %swap3A_45 = vector.shape_cast %swap3A_44 : vector<1x1024x64xf32> to vector<1024x64xf32>
    %swap3A_46 = vector.shape_cast %add3A_41 : vector<1024x64xf32> to vector<1x1024x64xf32>
    tpu.vector_store %arg4[%swap3A, %swap3A_42, %swap3A_43], %swap3A_46 {strides = array<i32>} : memref<1x1024x64xf32, #tpu.memory_space<vmem>>, vector<1x1024x64xf32>,
    return
  }
  func.func @transform_0(%arg0: i32) -> (i32, i32, i32) {
    %c0_i32 = arith.constant 0 : i32
    %c0_i32_0 = arith.constant 0 : i32
    %c0_i32_1 = arith.constant 0 : i32
    return %arg0, %c0_i32, %c0_i32_0 : i32, i32, i32
  }
  func.func @transform_1(%arg0: i32) -> (i32, i32, i32) {
    %c0_i32 = arith.constant 0 : i32
    %c0_i32_0 = arith.constant 0 : i32
    %c0_i32_1 = arith.constant 0 : i32
    return %arg0, %c0_i32, %c0_i32_0 : i32, i32, i32
  }
  func.func @transform_2(%arg0: i32) -> (i32, i32, i32) {
    %c0_i32 = arith.constant 0 : i32
    %c0_i32_0 = arith.constant 0 : i32
    %c0_i32_1 = arith.constant 0 : i32
    return %arg0, %c0_i32, %c0_i32_0 : i32, i32, i32
  }
  func.func @transform_3(%arg0: i32) -> (i32, i32, i32) {
    %c0_i32 = arith.constant 0 : i32
    %c0_i32_0 = arith.constant 0 : i32
    %c0_i32_1 = arith.constant 0 : i32
    return %arg0, %c0_i32, %c0_i32_0 : i32, i32, i32
  }
}

module attributes {stable_mosaic.version = 14 : i64} {
  func.func @_combine_body(%arg0: i32, %arg1: memref<512x64xf32, #tpu.memory_space<vmem>>, %arg2: memref<512x16xf32, #tpu.memory_space<vmem>>, %arg3: memref<16x64xf32, #tpu.memory_space<vmem>>, %arg4: memref<1x64xf32, #tpu.memory_space<vmem>>, %arg5: memref<1x64xf32, #tpu.memory_space<vmem>>, %arg6: memref<1x64xf32, #tpu.memory_space<vmem>>, %arg7: memref<1x64xf32, #tpu.memory_space<vmem>>, %arg8: memref<1x64xf32, #tpu.memory_space<vmem>>, %arg9: memref<1x64xf32, #tpu.memory_space<vmem>>, %arg10: memref<1x64xf32, #tpu.memory_space<vmem>>, %arg11: memref<512x64xf32, #tpu.memory_space<vmem>>) attributes {dimension_semantics = [#tpu.dimension_semantics<arbitrary>], iteration_bounds = array<i64: 400>, scalar_prefetch = 0 : i64, scratch_operands = 0 : i64, tpu.core_type = #tpu.core_type<tc>, window_params = [{transform_indices = @transform_0, window_bounds = array<i64: 512, 64>}, {transform_indices = @transform_1, window_bounds = array<i64: 512, 16>}, {pipeline_mode = #tpu.pipeline_mode<synchronous>, transform_indices = @transform_2, window_bounds = array<i64: 16, 64>}, {pipeline_mode = #tpu.pipeline_mode<synchronous>, transform_indices = @transform_3, window_bounds = array<i64: 1, 64>}, {pipeline_mode = #tpu.pipeline_mode<synchronous>, transform_indices = @transform_4, window_bounds = array<i64: 1, 64>}, {pipeline_mode = #tpu.pipeline_mode<synchronous>, transform_indices = @transform_5, window_bounds = array<i64: 1, 64>}, {pipeline_mode = #tpu.pipeline_mode<synchronous>, transform_indices = @transform_6, window_bounds = array<i64: 1, 64>}, {pipeline_mode = #tpu.pipeline_mode<synchronous>, transform_indices = @transform_7, window_bounds = array<i64: 1, 64>}, {pipeline_mode = #tpu.pipeline_mode<synchronous>, transform_indices = @transform_8, window_bounds = array<i64: 1, 64>}, {pipeline_mode = #tpu.pipeline_mode<synchronous>, transform_indices = @transform_9, window_bounds = array<i64: 1, 64>}, {transform_indices = @transform_10, window_bounds = array<i64: 512, 64>}]} {
    %get3A = arith.constant 0 : index
    %get3A_0 = arith.constant 0 : index
    %get3A_1 = vector.load %arg2[%get3A, %get3A_0] : memref<512x16xf32, #tpu.memory_space<vmem>>, vector<512x16xf32>
    %get3A_2 = arith.constant 0 : index
    %get3A_3 = arith.constant 0 : index
    %get3A_4 = vector.load %arg3[%get3A_2, %get3A_3] : memref<16x64xf32, #tpu.memory_space<vmem>>, vector<16x64xf32>
    %dot_general3A = arith.constant dense<0.000000e+00> : vector<512x64xf32>
    %dot_general3A_5 = tpu.matmul %get3A_1, %get3A_4, %dot_general3A {dimension_numbers = #tpu.dot_dimension_numbers<[1], [0], [0], [1], [0, 0, 1, 1], [], []>, transpose_lhs_hint = false} : vector<512x16xf32>, vector<16x64xf32>, vector<512x64xf32> -> vector<512x64xf32>
    %get3A_6 = arith.constant 0 : index
    %get3A_7 = arith.constant 0 : index
    %get3A_8 = vector.load %arg4[%get3A_6, %get3A_7] : memref<1x64xf32, #tpu.memory_space<vmem>>, vector<1x64xf32>
    %get3A_9 = vector.shape_cast %get3A_8 : vector<1x64xf32> to vector<64xf32>
    %broadcast_in_dim3A = vector.shape_cast %get3A_9 : vector<64xf32> to vector<1x64xf32>
    %add3A = vector.broadcast %broadcast_in_dim3A : vector<1x64xf32> to vector<512x64xf32>
    %add3A_10 = arith.addf %dot_general3A_5, %add3A : vector<512x64xf32>
    %get3A_11 = arith.constant 0 : index
    %get3A_12 = arith.constant 0 : index
    %get3A_13 = vector.load %arg5[%get3A_11, %get3A_12] : memref<1x64xf32, #tpu.memory_space<vmem>>, vector<1x64xf32>
    %get3A_14 = vector.shape_cast %get3A_13 : vector<1x64xf32> to vector<64xf32>
    %get3A_15 = arith.constant 0 : index
    %get3A_16 = arith.constant 0 : index
    %get3A_17 = vector.load %arg6[%get3A_15, %get3A_16] : memref<1x64xf32, #tpu.memory_space<vmem>>, vector<1x64xf32>
    %get3A_18 = vector.shape_cast %get3A_17 : vector<1x64xf32> to vector<64xf32>
    %reduce_sum3A = arith.constant dense<0.000000e+00> : vector<512xf32>
    %reduce_sum3A_19 = vector.multi_reduction <add>, %add3A_10, %reduce_sum3A [1] : vector<512x64xf32> to vector<512xf32>
    %broadcast_in_dim3A_20 = vector.shape_cast %reduce_sum3A_19 : vector<512xf32> to vector<512x1xf32>
    %div3A = arith.constant 6.400000e+01 : f32
    %div3A_21 = vector.broadcast %div3A : f32 to vector<512x1xf32>
    %div3A_22 = arith.divf %broadcast_in_dim3A_20, %div3A_21 : vector<512x1xf32>
    %sub3A = vector.broadcast %div3A_22 : vector<512x1xf32> to vector<512x64xf32>
    %sub3A_23 = arith.subf %add3A_10, %sub3A : vector<512x64xf32>
    %integer_pow3A = arith.mulf %sub3A_23, %sub3A_23 : vector<512x64xf32>
    %reduce_sum3A_24 = arith.constant dense<0.000000e+00> : vector<512xf32>
    %reduce_sum3A_25 = vector.multi_reduction <add>, %integer_pow3A, %reduce_sum3A_24 [1] : vector<512x64xf32> to vector<512xf32>
    %broadcast_in_dim3A_26 = vector.shape_cast %reduce_sum3A_25 : vector<512xf32> to vector<512x1xf32>
    %div3A_27 = arith.constant 6.400000e+01 : f32
    %div3A_28 = vector.broadcast %div3A_27 : f32 to vector<512x1xf32>
    %div3A_29 = arith.divf %broadcast_in_dim3A_26, %div3A_28 : vector<512x1xf32>
    %sub3A_30 = vector.broadcast %div3A_22 : vector<512x1xf32> to vector<512x64xf32>
    %sub3A_31 = arith.subf %add3A_10, %sub3A_30 : vector<512x64xf32>
    %add3A_32 = arith.constant 9.99999974E-6 : f32
    %add3A_33 = vector.broadcast %add3A_32 : f32 to vector<512x1xf32>
    %add3A_34 = arith.addf %div3A_29, %add3A_33 : vector<512x1xf32>
    %sqrt3A = math.sqrt %add3A_34 : vector<512x1xf32>
    %div3A_35 = vector.broadcast %sqrt3A : vector<512x1xf32> to vector<512x64xf32>
    %div3A_36 = arith.divf %sub3A_31, %div3A_35 : vector<512x64xf32>
    %broadcast_in_dim3A_37 = vector.shape_cast %get3A_14 : vector<64xf32> to vector<1x64xf32>
    %mul3A = vector.broadcast %broadcast_in_dim3A_37 : vector<1x64xf32> to vector<512x64xf32>
    %mul3A_38 = arith.mulf %div3A_36, %mul3A : vector<512x64xf32>
    %broadcast_in_dim3A_39 = vector.shape_cast %get3A_18 : vector<64xf32> to vector<1x64xf32>
    %add3A_40 = vector.broadcast %broadcast_in_dim3A_39 : vector<1x64xf32> to vector<512x64xf32>
    %add3A_41 = arith.addf %mul3A_38, %add3A_40 : vector<512x64xf32>
    %get3A_42 = arith.constant 0 : index
    %get3A_43 = arith.constant 0 : index
    %get3A_44 = vector.load %arg7[%get3A_42, %get3A_43] : memref<1x64xf32, #tpu.memory_space<vmem>>, vector<1x64xf32>
    %get3A_45 = vector.shape_cast %get3A_44 : vector<1x64xf32> to vector<64xf32>
    %get3A_46 = arith.constant 0 : index
    %get3A_47 = arith.constant 0 : index
    %get3A_48 = vector.load %arg8[%get3A_46, %get3A_47] : memref<1x64xf32, #tpu.memory_space<vmem>>, vector<1x64xf32>
    %get3A_49 = vector.shape_cast %get3A_48 : vector<1x64xf32> to vector<64xf32>
    %reduce_sum3A_50 = arith.constant dense<0.000000e+00> : vector<512xf32>
    %reduce_sum3A_51 = vector.multi_reduction <add>, %add3A_41, %reduce_sum3A_50 [1] : vector<512x64xf32> to vector<512xf32>
    %broadcast_in_dim3A_52 = vector.shape_cast %reduce_sum3A_51 : vector<512xf32> to vector<512x1xf32>
    %div3A_53 = arith.constant 6.400000e+01 : f32
    %div3A_54 = vector.broadcast %div3A_53 : f32 to vector<512x1xf32>
    %div3A_55 = arith.divf %broadcast_in_dim3A_52, %div3A_54 : vector<512x1xf32>
    %sub3A_56 = vector.broadcast %div3A_55 : vector<512x1xf32> to vector<512x64xf32>
    %sub3A_57 = arith.subf %add3A_41, %sub3A_56 : vector<512x64xf32>
    %integer_pow3A_58 = arith.mulf %sub3A_57, %sub3A_57 : vector<512x64xf32>
    %reduce_sum3A_59 = arith.constant dense<0.000000e+00> : vector<512xf32>
    %reduce_sum3A_60 = vector.multi_reduction <add>, %integer_pow3A_58, %reduce_sum3A_59 [1] : vector<512x64xf32> to vector<512xf32>
    %broadcast_in_dim3A_61 = vector.shape_cast %reduce_sum3A_60 : vector<512xf32> to vector<512x1xf32>
    %div3A_62 = arith.constant 6.400000e+01 : f32
    %div3A_63 = vector.broadcast %div3A_62 : f32 to vector<512x1xf32>
    %div3A_64 = arith.divf %broadcast_in_dim3A_61, %div3A_63 : vector<512x1xf32>
    %sub3A_65 = vector.broadcast %div3A_55 : vector<512x1xf32> to vector<512x64xf32>
    %sub3A_66 = arith.subf %add3A_41, %sub3A_65 : vector<512x64xf32>
    %add3A_67 = arith.constant 9.99999974E-6 : f32
    %add3A_68 = vector.broadcast %add3A_67 : f32 to vector<512x1xf32>
    %add3A_69 = arith.addf %div3A_64, %add3A_68 : vector<512x1xf32>
    %sqrt3A_70 = math.sqrt %add3A_69 : vector<512x1xf32>
    %div3A_71 = vector.broadcast %sqrt3A_70 : vector<512x1xf32> to vector<512x64xf32>
    %div3A_72 = arith.divf %sub3A_66, %div3A_71 : vector<512x64xf32>
    %broadcast_in_dim3A_73 = vector.shape_cast %get3A_45 : vector<64xf32> to vector<1x64xf32>
    %mul3A_74 = vector.broadcast %broadcast_in_dim3A_73 : vector<1x64xf32> to vector<512x64xf32>
    %mul3A_75 = arith.mulf %div3A_72, %mul3A_74 : vector<512x64xf32>
    %broadcast_in_dim3A_76 = vector.shape_cast %get3A_49 : vector<64xf32> to vector<1x64xf32>
    %add3A_77 = vector.broadcast %broadcast_in_dim3A_76 : vector<1x64xf32> to vector<512x64xf32>
    %add3A_78 = arith.addf %mul3A_75, %add3A_77 : vector<512x64xf32>
    %get3A_79 = arith.constant 0 : index
    %get3A_80 = arith.constant 0 : index
    %get3A_81 = vector.load %arg1[%get3A_79, %get3A_80] : memref<512x64xf32, #tpu.memory_space<vmem>>, vector<512x64xf32>
    %add3A_82 = arith.addf %get3A_81, %add3A_78 : vector<512x64xf32>
    %get3A_83 = arith.constant 0 : index
    %get3A_84 = arith.constant 0 : index
    %get3A_85 = vector.load %arg9[%get3A_83, %get3A_84] : memref<1x64xf32, #tpu.memory_space<vmem>>, vector<1x64xf32>
    %get3A_86 = vector.shape_cast %get3A_85 : vector<1x64xf32> to vector<64xf32>
    %get3A_87 = arith.constant 0 : index
    %get3A_88 = arith.constant 0 : index
    %get3A_89 = vector.load %arg10[%get3A_87, %get3A_88] : memref<1x64xf32, #tpu.memory_space<vmem>>, vector<1x64xf32>
    %get3A_90 = vector.shape_cast %get3A_89 : vector<1x64xf32> to vector<64xf32>
    %reduce_sum3A_91 = arith.constant dense<0.000000e+00> : vector<512xf32>
    %reduce_sum3A_92 = vector.multi_reduction <add>, %add3A_82, %reduce_sum3A_91 [1] : vector<512x64xf32> to vector<512xf32>
    %broadcast_in_dim3A_93 = vector.shape_cast %reduce_sum3A_92 : vector<512xf32> to vector<512x1xf32>
    %div3A_94 = arith.constant 6.400000e+01 : f32
    %div3A_95 = vector.broadcast %div3A_94 : f32 to vector<512x1xf32>
    %div3A_96 = arith.divf %broadcast_in_dim3A_93, %div3A_95 : vector<512x1xf32>
    %sub3A_97 = vector.broadcast %div3A_96 : vector<512x1xf32> to vector<512x64xf32>
    %sub3A_98 = arith.subf %add3A_82, %sub3A_97 : vector<512x64xf32>
    %integer_pow3A_99 = arith.mulf %sub3A_98, %sub3A_98 : vector<512x64xf32>
    %reduce_sum3A_100 = arith.constant dense<0.000000e+00> : vector<512xf32>
    %reduce_sum3A_101 = vector.multi_reduction <add>, %integer_pow3A_99, %reduce_sum3A_100 [1] : vector<512x64xf32> to vector<512xf32>
    %broadcast_in_dim3A_102 = vector.shape_cast %reduce_sum3A_101 : vector<512xf32> to vector<512x1xf32>
    %div3A_103 = arith.constant 6.400000e+01 : f32
    %div3A_104 = vector.broadcast %div3A_103 : f32 to vector<512x1xf32>
    %div3A_105 = arith.divf %broadcast_in_dim3A_102, %div3A_104 : vector<512x1xf32>
    %sub3A_106 = vector.broadcast %div3A_96 : vector<512x1xf32> to vector<512x64xf32>
    %sub3A_107 = arith.subf %add3A_82, %sub3A_106 : vector<512x64xf32>
    %add3A_108 = arith.constant 9.99999974E-6 : f32
    %add3A_109 = vector.broadcast %add3A_108 : f32 to vector<512x1xf32>
    %add3A_110 = arith.addf %div3A_105, %add3A_109 : vector<512x1xf32>
    %sqrt3A_111 = math.sqrt %add3A_110 : vector<512x1xf32>
    %div3A_112 = vector.broadcast %sqrt3A_111 : vector<512x1xf32> to vector<512x64xf32>
    %div3A_113 = arith.divf %sub3A_107, %div3A_112 : vector<512x64xf32>
    %broadcast_in_dim3A_114 = vector.shape_cast %get3A_86 : vector<64xf32> to vector<1x64xf32>
    %mul3A_115 = vector.broadcast %broadcast_in_dim3A_114 : vector<1x64xf32> to vector<512x64xf32>
    %mul3A_116 = arith.mulf %div3A_113, %mul3A_115 : vector<512x64xf32>
    %broadcast_in_dim3A_117 = vector.shape_cast %get3A_90 : vector<64xf32> to vector<1x64xf32>
    %add3A_118 = vector.broadcast %broadcast_in_dim3A_117 : vector<1x64xf32> to vector<512x64xf32>
    %add3A_119 = arith.addf %mul3A_116, %add3A_118 : vector<512x64xf32>
    %swap3A = arith.constant 0 : index
    %swap3A_120 = arith.constant 0 : index
    %swap3A_121 = vector.load %arg11[%swap3A, %swap3A_120] : memref<512x64xf32, #tpu.memory_space<vmem>>, vector<512x64xf32>
    tpu.vector_store %arg11[%swap3A, %swap3A_120], %add3A_119 {strides = array<i32>} : memref<512x64xf32, #tpu.memory_space<vmem>>, vector<512x64xf32>,
    return
  }
  func.func @transform_0(%arg0: i32) -> (i32, i32) {
    %c0_i32 = arith.constant 0 : i32
    %c0_i32_0 = arith.constant 0 : i32
    return %arg0, %c0_i32 : i32, i32
  }
  func.func @transform_1(%arg0: i32) -> (i32, i32) {
    %c0_i32 = arith.constant 0 : i32
    %c0_i32_0 = arith.constant 0 : i32
    return %arg0, %c0_i32 : i32, i32
  }
  func.func @transform_2(%arg0: i32) -> (i32, i32) {
    %c0_i32 = arith.constant 0 : i32
    %c0_i32_0 = arith.constant 0 : i32
    %c0_i32_1 = arith.constant 0 : i32
    return %c0_i32, %c0_i32_0 : i32, i32
  }
  func.func @transform_3(%arg0: i32) -> (i32, i32) {
    %c0_i32 = arith.constant 0 : i32
    %c0_i32_0 = arith.constant 0 : i32
    %c0_i32_1 = arith.constant 0 : i32
    return %c0_i32, %c0_i32_0 : i32, i32
  }
  func.func @transform_4(%arg0: i32) -> (i32, i32) {
    %c0_i32 = arith.constant 0 : i32
    %c0_i32_0 = arith.constant 0 : i32
    %c0_i32_1 = arith.constant 0 : i32
    return %c0_i32, %c0_i32_0 : i32, i32
  }
  func.func @transform_5(%arg0: i32) -> (i32, i32) {
    %c0_i32 = arith.constant 0 : i32
    %c0_i32_0 = arith.constant 0 : i32
    %c0_i32_1 = arith.constant 0 : i32
    return %c0_i32, %c0_i32_0 : i32, i32
  }
  func.func @transform_6(%arg0: i32) -> (i32, i32) {
    %c0_i32 = arith.constant 0 : i32
    %c0_i32_0 = arith.constant 0 : i32
    %c0_i32_1 = arith.constant 0 : i32
    return %c0_i32, %c0_i32_0 : i32, i32
  }
  func.func @transform_7(%arg0: i32) -> (i32, i32) {
    %c0_i32 = arith.constant 0 : i32
    %c0_i32_0 = arith.constant 0 : i32
    %c0_i32_1 = arith.constant 0 : i32
    return %c0_i32, %c0_i32_0 : i32, i32
  }
  func.func @transform_8(%arg0: i32) -> (i32, i32) {
    %c0_i32 = arith.constant 0 : i32
    %c0_i32_0 = arith.constant 0 : i32
    %c0_i32_1 = arith.constant 0 : i32
    return %c0_i32, %c0_i32_0 : i32, i32
  }
  func.func @transform_9(%arg0: i32) -> (i32, i32) {
    %c0_i32 = arith.constant 0 : i32
    %c0_i32_0 = arith.constant 0 : i32
    %c0_i32_1 = arith.constant 0 : i32
    return %c0_i32, %c0_i32_0 : i32, i32
  }
  func.func @transform_10(%arg0: i32) -> (i32, i32) {
    %c0_i32 = arith.constant 0 : i32
    %c0_i32_0 = arith.constant 0 : i32
    return %arg0, %c0_i32 : i32, i32
  }
}

</mosaic_0001>

<sc_bundles>
// kernel: kernel.5.cloned.1.call-start
scs
__scs_entry_jumppad:
0x0: {  	(pc) =	sbr.rel $0x88, $3  }
0x1: {  	(tag) =	ssettag $0x0;
	lr =	simm.s32 $0x1  }
0x2: {  	[smem:$0x3F89] =	sst lr;
	_ =	strace $0xD0000000  }
0x3: {  	_ = 	snop  }
0x4: {  	_ = 	snop  }
0x5: {  	_ = 	snop  }
0x6: {  	_ = 	snop  }
0x7: {  	_ = 	snop  }
__scs_overlays_trampoline_lowered:
0x8: {  	[smem:$0x3F98] =	sst s0  }
0x9: {  	[smem:$0x3F99] =	sst s1  }
0xa: {  	[smem:$0x3F9A] =	sst s2  }
0xb: {  	[smem:$0x3F9B] =	sst s3  }
0xc: {  	[smem:$0x3F9C] =	sst s4  }
0xd: {  	[smem:$0x3F9D] =	sst s5  }
0xe: {  	[smem:$0x3F9E] =	sst s6  }
0xf: {  	[smem:$0x3F9F] =	sst s7  }
0x10: {  	[smem:$0x3FA0] =	sst s8  }
0x11: {  	[smem:$0x3FA1] =	sst s9;
	s0 =	simm.s32 @!p0 $0x0  }
0x12: {  	s1 =	sld [smem:$0x3F87];
	s0 =	simm.s32 @p0 $0x1  }
0x13: {  	[smem:$0x3FA2] =	sst s0;
	s0 =	simm.s32 @!p1 $0x0  }
0x14: {  	s2 =	sld [smem:$0x3F86];
	s0 =	simm.s32 @p1 $0x1  }
0x15: {  	[smem:$0x3FA3] =	sst s0;
	s0 =	simm.s32 @!p2 $0x0  }
0x16: {  	s3 =	sld [smem:$0x3FDB];
	s0 =	simm.s32 @p2 $0x1  }
0x17: {  	s4 =	simm.s32 $0x1BF5;
	[smem:$0x3FA5] =	sst s0  }
0x18: {  	s0 =	sld [smem:$0x3F88];
	_ =	swait.ge [sflag:s4], $0x0  }
0x19: {  	s7 =	sld [smem:$0x3F89]  }
0x1a: {  	s8 =	sadd.s32 $0xFFFFE003, lr  }
0x1b: {  	s9 =	sadd.s32 $0xFFFFFEF7, lr;
	s5 =	simm.s32 $0xFFFFFFFF;
	p2 =	slt.u32 s8, $0xFFFFF086  }
0x1c: {  	p1 =	slt.u32 s9, $0xF7A;
	s5 =	simm.s32 @!p2 $0x0  }
0x1d: {  	s5 =	simm.s32 @p1 $0x1;
	p0 =	seq.s32 s7, s2  }
0x1e: {  	s7 =	smul.u32 @!p0 $0xF7A, s2;
	p2 =	seq.s32 @!p0 s5, $0x0  }
0x1f: {  	s9 =	smul.u32 $0xF7A, s1;
	s8 =	simm.s32 @!p0 $0x1BF5;
	p2 =	por !p2, p0  }
0x20: {  	[sflag:s8] =	ssyncset.s32 @!p0 $0xFFFFF086;
	s6 =	sadd.s32 @!p0 s3, s7;
	s7 =	simm.s32 @!p0 $0x108  }
0x21: {  	s3 =	sadd.s32 s3, s9;
	s6 =	sadd.s32 @!p0 $0x88, s6;
	s7 =	simm.s32 @p2 $0x1082  }
0x22: {  	[simem:s7], [sflag:s8] =	dma.local @!p0 [hbm:s6], $0xF7A  }
0x23: {  	s9 =	sor.u32 $0xD0000000, s2;
	s6 =	simm.s32 $0x108;
	_ =	swait.ge @!p0 [sflag:s8], $0x0  }
0x24: {  	s3 =	sadd.s32 $0x88, s3;
	s6 =	simm.s32 @!p1 $0x1082;
	[sflag:s4] =	ssyncset.s32 $0xFFFFF086  }
0x25: {  	[simem:s6], [sflag:s4] =	dma.local [hbm:s3], $0xF7A  }
0x26: {  	[smem:$0x3F89] =	sst s1;
	(tag) =	ssettag s2;
	_ =	strace s9  }
0x27: {  	s1 =	sld [smem:$0x3F99]  }
0x28: {  	s2 =	sld [smem:$0x3F9A]  }
0x29: {  	s4 =	sld [smem:$0x3F9C]  }
0x2a: {  	p0 =	seq.s32 s5, $0x0;
	s5 =	sld [smem:$0x3F9D]  }
0x2b: {  	s6 =	sld [smem:$0x3F9E]  }
0x2c: {  	s7 =	sld [smem:$0x3F9F]  }
0x2d: {  	s3 =	simm.s32 $0x108;
	s8 =	sld [smem:$0x3FA0]  }
0x2e: {  	s3 =	simm.s32 @!p0 $0x1082;
	s9 =	sld [smem:$0x3FA1]  }
0x2f: {  	lr =	sadd.s32 s0, s3;
	s0 =	sld [smem:$0x3F98]  }
0x30: {  	s3 =	sld [smem:$0x3F9B]  }
0x31: {  	[smem:$0x3FA4] =	sst s10  }
0x32: {  	s10 =	sld [smem:$0x3FA2];
	_ =	sdelay $0x3  }
0x33: {  	p0 =	seq.s32 s10, $0x1;
	s10 =	sld [smem:$0x3FA4];
	_ =	sdelay $0x3  }
0x34: {  	[smem:$0x3FA4] =	sst s10  }
0x35: {  	s10 =	sld [smem:$0x3FA3];
	_ =	sdelay $0x3  }
0x36: {  	p1 =	seq.s32 s10, $0x1;
	s10 =	sld [smem:$0x3FA4];
	_ =	sdelay $0x3  }
0x37: {  	[smem:$0x3FA4] =	sst s10  }
0x38: {  	s10 =	sld [smem:$0x3FA5]  }
0x39: {  	_ = 	snop;
	(pc) =	sbr.ind lr, $3  }
0x3a: {  	_ = 	snop  }
0x3b: {  	_ = 	snop  }
0x3c: {  	p2 =	seq.s32 s10, $0x1;
	s10 =	sld [smem:$0x3FA4]  }
0x3d: {  	_ =	shalt  }
0x3e: {  	_ =	shalt  }
0x3f: {  	_ =	shalt  }
0x40: {  	_ =	shalt  }
0x41: {  	_ =	shalt  }
0x42: {  	_ =	shalt  }
0x43: {  	_ =	shalt  }
0x44: {  	_ =	shalt  }
0x45: {  	_ =	shalt  }
0x46: {  	_ =	shalt  }
0x47: {  	_ =	shalt  }
0x48: {  	_ =	shalt  }
0x49: {  	_ =	shalt  }
0x4a: {  	_ =	shalt  }
0x4b: {  	_ =	shalt  }
0x4c: {  	_ =	shalt  }
0x4d: {  	_ =	shalt  }
0x4e: {  	_ =	shalt  }
0x4f: {  	_ =	shalt  }
0x50: {  	_ =	shalt  }
0x51: {  	_ =	shalt  }
0x52: {  	_ =	shalt  }
0x53: {  	_ =	shalt  }
0x54: {  	_ =	shalt  }
0x55: {  	_ =	shalt  }
0x56: {  	_ =	shalt  }
0x57: {  	_ =	shalt  }
0x58: {  	_ =	shalt  }
0x59: {  	_ =	shalt  }
0x5a: {  	_ =	shalt  }
0x5b: {  	_ =	shalt  }
0x5c: {  	_ =	shalt  }
0x5d: {  	_ =	shalt  }
0x5e: {  	_ =	shalt  }
0x5f: {  	_ =	shalt  }
0x60: {  	_ =	shalt  }
0x61: {  	_ =	shalt  }
0x62: {  	_ =	shalt  }
0x63: {  	_ =	shalt  }
0x64: {  	_ =	shalt  }
0x65: {  	_ =	shalt  }
0x66: {  	_ =	shalt  }
0x67: {  	_ =	shalt  }
0x68: {  	_ =	shalt  }
0x69: {  	_ =	shalt  }
0x6a: {  	_ =	shalt  }
0x6b: {  	_ =	shalt  }
0x6c: {  	_ =	shalt  }
0x6d: {  	_ =	shalt  }
0x6e: {  	_ =	shalt  }
0x6f: {  	_ =	shalt  }
0x70: {  	_ =	shalt  }
0x71: {  	_ =	shalt  }
0x72: {  	_ =	shalt  }
0x73: {  	_ =	shalt  }
0x74: {  	_ =	shalt  }
0x75: {  	_ =	shalt  }
0x76: {  	_ =	shalt  }
0x77: {  	_ =	shalt  }
0x78: {  	_ =	shalt  }
0x79: {  	_ =	shalt  }
0x7a: {  	_ =	shalt  }
0x7b: {  	_ =	shalt  }
0x7c: {  	_ =	shalt  }
0x7d: {  	_ =	shalt  }
0x7e: {  	_ =	shalt  }
0x7f: {  	_ =	shalt  }
0x80: {  	_ =	shalt  }
0x81: {  	_ =	shalt  }
0x82: {  	_ =	shalt  }
0x83: {  	_ =	shalt  }
0x84: {  	_ =	shalt  }
0x85: {  	_ =	shalt  }
0x86: {  	_ =	shalt  }
0x87: {  	_ =	shalt  }
.Lfunc_end0:
.L_simem_size_0:
called_computation.1_lowered:
.L_overlay_start_0:
0x88: {  	s2 =	sld [smem:$0x3FD9]  }
0x89: {  	s3 =	sld [smem:$0x3FFE];
	_ =	sdelay $0x1  }
0x8a: {  	s1 =	srdreg.scid  }
0x8b: {  	s0 =	sand.u32 $0x1, s1  }
0x8c: {  	s14 =	sshll.u32 s0, $0xA;
	s2 =	sadd.s32 s3, s2  }
0x8d: {  	s2 =	sadd.s32 s2, s14  }
0x8e: {  	[smem:$0x3FB0] =	sst s2  }
0x8f: {  	_ = 	snop  }
0x90: {  	s2 =	sld [smem:$0x3FD0];
	_ =	sdelay $0x2  }
0x91: {  	s15 =	simm.s32 $0xA;
	s4 =	simm.s32 $0x10  }
0x92: {  	[smem:s4], [sflag:s15] =	dma.local [hbm:s2], $0x1  }
0x93: {  	_ =	swait.eq [sflag:s15], $0x1  }
0x94: {  	[sflag:s15] =	ssyncset.done $0x0  }
0x95: {  	s16 =	sld [smem:$0x10];
	[sflag:s15] =	ssyncadd.s32 $0xFFFFFFFF  }
0x96: {  	s17 =	sld [smem:$0x11];
	(tm) =	ssettm $0x1  }
0x97: {  	s18 =	sld [smem:$0x3FFB];
	_ =	sdelay $0x3  }
0x98: {  	_ =	strace s18  }
0x99: {  	s4 =	sld [smem:$0x3FFC];
	_ =	sdelay $0x3  }
0x9a: {  	_ =	strace s4  }
0x9b: {  	s4 =	sld [smem:$0x3FFD];
	_ =	sdelay $0x3  }
0x9c: {  	_ =	strace s4  }
0x9d: {  	_ =	strace $0x8FFFFFFF  }
0x9e: {  	s19 =	sld [smem:$0x3FDB];
	_ =	sdelay $0x1  }
0x9f: {  	s5 =	simm.s32 $_scs_section_size  }
0xa0: {  	s6 =	simm.s32 $_size__tile_overlayer_lowered;
	s7 =	simm.s32 $_tile_overlayer_lowered  }
0xa1: {  	s22 =	simm.s32 $0x1BFF;
	s21 =	sshll.u32 s7, $0x1;
	s4 =	sadd.s32 s5, s19  }
0xa2: {  	s8 =	simm.s32 $0x0;
	s20 =	sshll.u32 s6, $0x1;
	s6 =	sadd.s32 s21, s4  }
0xa3: {  	[timem:s8], [sflag:s22] =	dma.local [hbm:s6], s20  }
0xa4: {  	_ =	swait.ge [sflag:s22], s20  }
0xa5: {  	s5 =	ssub.s32 $0x0, s20;
	[sflag:s22] =	ssyncset.done $0x0  }
0xa6: {  	[sflag:s22] =	ssyncadd.s32 s5;
	_ =	sdelay $0x1  }
0xa7: {  	s23 =	simm.s32 $0x1B8B  }
0xa8: {  	_ =	swait.ge [sflag:s23], $0x1  }
0xa9: {  	[sflag:s23] =	ssyncset.done $0x0  }
0xaa: {  	s25 =	simm.s32 $0x1B8E;
	s24 =	sld [smem:$0x3FFE];
	[sflag:s23] =	ssyncadd.s32 $0xFFFFFFFF  }
0xab: {  	s26 =	simm.s32 $execute0_lowered;
	[smem:$0x3FD2] =	sst s25  }
0xac: {  	s6 =	sshll.u32 s26, $0x1;
	_ =	strace $0x80000046;
	[dreg:$0x1] =	wrdreg $0xFFFFFFFF  }
0xad: {  	s28 =	simm.s32 $_size_execute0_lowered;
	s4 =	sadd.s32 s4, s6;
	[dreg:$0x0] =	wrdreg $0x0  }
0xae: {  	s6 =	sshll.u32 s28, $0x1;
	[dreg:$0x2] =	wrdreg s4  }
0xaf: {  	[dreg:$0x3] =	wrdreg s6  }
0xb0: {  	[dreg:$0x4] =	wrdreg $0xC0  }
0xb1: {  	_ =	task [dreg:s8], $0x5FFFF  }
0xb2: {  	[dreg:$0x1] =	wrdreg $0xFFFFFFFF  }
0xb3: {  	[dreg:$0x0] =	wrdreg $0x60  }
0xb4: {  	[dreg:$0x2] =	wrdreg s24  }
0xb5: {  	[dreg:$0x3] =	wrdreg s17  }
0xb6: {  	[dreg:$0x4] =	wrdreg s16  }
0xb7: {  	[dreg:$0x5] =	wrdreg $0x0  }
0xb8: {  	[dreg:$0x6] =	wrdreg $0x9  }
0xb9: {  	_ =	task.clear_ibuf [dreg:s8], $0x7FFFF;
	_ =	strace $0x90000046  }
0xba: {  	s29 =	simm.s32 $0x9;
	_ =	strace $0x80000048  }
0xbb: {  	_ =	swait.ge [sflag:s29], $0x1  }
0xbc: {  	[sflag:s29] =	ssyncadd.s32 $0xFFFFFFFF  }
0xbd: {  	_ =	strace $0x90000048  }
0xbe: {  	_ =	sfence  }
0xbf: {  	s30 =	sld [smem:$0x0];
	_ =	sdelay $0x2  }
0xc0: {  	s31 =	sshll.u32 s1, $0xD;
	s1 =	sshrl.u32 s1, $0x2  }
0xc1: {  	s3 =	sand.u32 $0x4000, s31;
	s1 =	sadd.s32 s1, s30  }
0xc2: {  	s0 =	sor.u32 s3, s0;
	s1 =	sshll.u32 s1, $0x11  }
0xc3: {  	s0 =	sor.u32 s1, s0  }
0xc4: {  	s0 =	sadd.s32 $0x8F2B, s0  }
0xc5: {  	[sflag:s0] =	ssyncadd.remote.s32 $0x1  }
0xc6: {  	_ =	sfence.sel $0xFFFF  }
0xc7: {  	[dreg:$0x0] =	wrdreg $0xFFFFFFFF;
	(pc) =	sbr.abs _section_cstart, $3  }
0xc8: {  	[dreg:$0x1] =	wrdreg $0xFFFFFFFF  }
0xc9: {  	_ =	task.clear_ibuf [dreg:s8], $0x2FFFF;
	_ =	strace $0x9FFFFFFF  }
0xca: {  	(tm) =	ssettm $0x7FFFFFFF  }
0xcb: {  	_ =	shalt  }
tec
execute0_lowered:
.L_overlay_start_1:
0x0: {  	(tag) =	ssettag $0x1  }
0x1: {  	s0 =	rddreg [dreg:$0x0]  }
0x2: {  	s1 =	rddreg [dreg:$0x1]  }
0x3: {  	s2 =	rddreg [dreg:$0x2]  }
0x4: {  	s3 =	rddreg [dreg:$0x3];
	s4 =	simm.s32 $0x0  }
0x5: {  	s5 =	srdreg.scid;
	s9 =	stileid.u32;
	s12 =	simm.s32 $0x4000  }
0x6: {  	s13 =	simm.s32 $0x4080;
	s14 =	simm.s32 $0x4100;
	s15 =	simm.s32 $0x4180  }
0x7: {  	s16 =	simm.s32 $0x4200;
	s17 =	simm.s32 $0x4280;
	s18 =	simm.s32 $0x4300  }
0x8: {  	s19 =	simm.s32 $0x4380;
	s20 =	simm.s32 $0x1;
	s21 =	simm.s32 $0x80  }
0x9: {  	s25 =	simm.s32 $0x2;
	s26 =	simm.s32 $0xC400;
	s31 =	simm.s32 $0x3  }
0xa: {  	s23 =	simm.s32 $0x0;
	[smem:$0x7FF] =	sst s4;
	s6 =	sadd.s32 $0x4600, s0  }
0xb: {  	s5 =	sand.u32 $0x1, s5;
	s7 =	sadd.s32 $0x12A00, s0;
	s8 =	sadd.s32 $0xC600, s0  }
0xc: {  	s11 =	sshll.u32 s9, $0x1;
	p0 =	sne.s32 s9, $0x0;
	s10 =	ssub.s32 $0x2, s5  }
0xd: {  	_ =	strace $0x80000047;
	[dreg:$0x5] =	wrdreg s6;
	s30 =	sshrl.u32 s10, $0x1  }
0xe: {  	s6 =	sadd.s32 $0x18E00, s0;
	s5 =	sor.u32 s5, s11;
	s0 =	ssub.s32 s10, s30  }
0xf: {  	s11 =	simm.s32 $0x6;
	s9 =	smul.u32 $0x1900, s5;
	s0 =	smax.u32 s0, $0x1  }
0x10: {  	s5 =	simm.s32 $0x4;
	[dreg:$0x6] =	wrdreg s0;
	s0 =	sshrl.u32 @!p0 s3, $0x3  }
0x11: {  	s10 =	simm.s32 $0x5;
	[dreg:$0x7] =	wrdreg s0;
	s0 =	simm.s32 $0x4400  }
.LBB2_1:
0x12: {  	[dreg:$0x8] =	wrdreg s23  }
0x13: {  	s23 =	rddreg [dreg:$0x5]  }
0x14: {  	s22 =	simm.s32 @!p0 $0x1C07;
	s24 =	rddreg [dreg:$0x7]  }
0x15: {  	[spmem:s24], [sflag:s22] =	dma.local @!p0 [hbm:s23], $0x8000  }
0x16: {  	s22 =	simm.s32 @!p0 $0x7  }
0x17: {  	_ =	swait.ge @!p0 [sflag:s22], $0x8000  }
0x18: {  	[sflag:s22] =	ssyncset.done @!p0 $0x0  }
0x19: {  	[sflag:s22] =	ssyncadd.s32 @!p0 $0xFFFF8000  }
0x1a: {  	s22 =	simm.s32 $0x0;
	[bflag:$0x0] =	sbarrier.arrive $0xFFFF  }
.LBB2_2:
0x1b: {  	s23 =	sshll.u32 s22, $0x8  }
0x1c: {  	s24 =	sadd.s32 s9, s23  }
0x1d: {  	s28 =	sshrl.u32 s24, $0x3  }
0x1e: {  	s23 =	sadd.s32 s1, s28  }
0x1f: {  	[tilespmem:s12], [sflag:$0x1] =	stream.linear.gather [hbm4b:s23+s4], $0x80, $0x38;
	[tilespmem:$0x14400] =	vst v63  }
0x20: {  	s23 =	sadd.s32 s6, s28  }
0x21: {  	[tilespmem:s13], [sflag:$0x1] =	stream.linear.gather [hbm4b:s23+s4], $0x80, $0x38;
	[tilespmem:$0x14400] =	vst v63  }
0x22: {  	s23 =	sadd.s32 s7, s28  }
0x23: {  	[tilespmem:s14], [sflag:$0x1] =	stream.linear.gather [hbm4b:s23+s4], $0x80, $0x38;
	[tilespmem:$0x14400] =	vst v63  }
0x24: {  	s28 =	sadd.s32 s8, s28;
	s23 =	sor.u32 $0x80, s24  }
0x25: {  	[tilespmem:s15], [sflag:$0x1] =	stream.linear.gather [hbm4b:s28+s4], $0x80, $0x38;
	[tilespmem:$0x14400] =	vst v63  }
0x26: {  	s28 =	sshrl.u32 s23, $0x3  }
0x27: {  	s29 =	sadd.s32 s1, s28  }
0x28: {  	[tilespmem:s16], [sflag:$0x2] =	stream.linear.gather [hbm4b:s29+s4], $0x80, $0x38;
	[tilespmem:$0x14400] =	vst v63  }
0x29: {  	s29 =	sadd.s32 s6, s28  }
0x2a: {  	[tilespmem:s17], [sflag:$0x2] =	stream.linear.gather [hbm4b:s29+s4], $0x80, $0x38;
	[tilespmem:$0x14400] =	vst v63  }
0x2b: {  	s29 =	sadd.s32 s7, s28  }
0x2c: {  	[tilespmem:s18], [sflag:$0x2] =	stream.linear.gather [hbm4b:s29+s4], $0x80, $0x38;
	[tilespmem:$0x14400] =	vst v63  }
0x2d: {  	s28 =	sadd.s32 s8, s28  }
0x2e: {  	[tilespmem:s19], [sflag:$0x2] =	stream.linear.gather [hbm4b:s28+s4], $0x80, $0x38;
	[tilespmem:$0x14400] =	vst v63  }
0x2f: {  	_ =	swait.ge [sflag:s20], $0x80  }
0x30: {  	[sflag:s20] =	ssyncset.done $0x0  }
0x31: {  	[sflag:s20] =	ssyncadd.s32 $0xFFFFFF80  }
0x32: {  	_ =	swait.ge [sflag:s20], $0x80  }
0x33: {  	[sflag:s20] =	ssyncset.done $0x0  }
0x34: {  	[sflag:s20] =	ssyncadd.s32 $0xFFFFFF80  }
0x35: {  	_ =	swait.ge [sflag:s20], $0x80  }
0x36: {  	[sflag:s20] =	ssyncset.done $0x0  }
0x37: {  	[sflag:s20] =	ssyncadd.s32 $0xFFFFFF80  }
0x38: {  	_ =	swait.ge [sflag:s20], $0x80  }
0x39: {  	[sflag:s20] =	ssyncset.done $0x0  }
0x3a: {  	[sflag:s20] =	ssyncadd.s32 $0xFFFFFF80  }
0x3b: {  	v0 =	vld [tilespmem:$0x4080]  }
0x3c: {  	v1 =	vld [tilespmem:$0x4090]  }
0x3d: {  	v2 =	vld [tilespmem:$0x40A0]  }
0x3e: {  	v3 =	vld [tilespmem:$0x40B0]  }
0x3f: {  	v4 =	vld [tilespmem:$0x40C0]  }
0x40: {  	v5 =	vld [tilespmem:$0x40D0];
	v0 =	vadd.s32 $0x400, v0  }
0x41: {  	[tilespmem:$0x4080] =	vst v0;
	v0 =	vadd.s32 $0x400, v1;
	v1 =	vld [tilespmem:$0x40E0]  }
0x42: {  	[tilespmem:$0x4090] =	vst v0;
	v0 =	vadd.s32 $0x400, v2;
	v2 =	vld [tilespmem:$0x40F0]  }
0x43: {  	[tilespmem:$0x40A0] =	vst v0;
	v0 =	vadd.s32 $0x400, v3;
	v3 =	vld [tilespmem:$0x4100]  }
0x44: {  	[tilespmem:$0x40B0] =	vst v0;
	v0 =	vadd.s32 $0x400, v4;
	v4 =	vld [tilespmem:$0x4110]  }
0x45: {  	[tilespmem:$0x40C0] =	vst v0;
	v0 =	vadd.s32 $0x400, v5;
	v5 =	vld [tilespmem:$0x4120]  }
0x46: {  	[tilespmem:$0x40D0] =	vst v0;
	v0 =	vadd.s32 $0x400, v1;
	v1 =	vld [tilespmem:$0x4130]  }
0x47: {  	[tilespmem:$0x40E0] =	vst v0;
	v0 =	vadd.s32 $0x400, v2;
	v2 =	vld [tilespmem:$0x4140]  }
0x48: {  	[tilespmem:$0x40F0] =	vst v0;
	v0 =	vadd.s32 $0x800, v3;
	v3 =	vld [tilespmem:$0x4150]  }
0x49: {  	[tilespmem:$0x4100] =	vst v0;
	v0 =	vadd.s32 $0x800, v4;
	v4 =	vld [tilespmem:$0x4160]  }
0x4a: {  	[tilespmem:$0x4110] =	vst v0;
	v0 =	vadd.s32 $0x800, v5;
	v5 =	vld [tilespmem:$0x4170]  }
0x4b: {  	[tilespmem:$0x4120] =	vst v0;
	v0 =	vadd.s32 $0x800, v1;
	v1 =	vld [tilespmem:$0x4180]  }
0x4c: {  	[tilespmem:$0x4130] =	vst v0;
	v0 =	vadd.s32 $0x800, v2;
	v2 =	vld [tilespmem:$0x4190]  }
0x4d: {  	[tilespmem:$0x4140] =	vst v0;
	v0 =	vadd.s32 $0x800, v3;
	v3 =	vld [tilespmem:$0x41A0]  }
0x4e: {  	[tilespmem:$0x4150] =	vst v0;
	v0 =	vadd.s32 $0x800, v4;
	v4 =	vld [tilespmem:$0x41B0]  }
0x4f: {  	[tilespmem:$0x4160] =	vst v0;
	v0 =	vadd.s32 $0x800, v5;
	v5 =	vld [tilespmem:$0x41C0]  }
0x50: {  	[tilespmem:$0x4170] =	vst v0;
	v0 =	vadd.s32 $0xC00, v1;
	v1 =	vld [tilespmem:$0x41D0]  }
0x51: {  	[tilespmem:$0x4180] =	vst v0;
	v0 =	vadd.s32 $0xC00, v2;
	v2 =	vld [tilespmem:$0x41E0]  }
0x52: {  	[tilespmem:$0x4190] =	vst v0;
	v0 =	vadd.s32 $0xC00, v3;
	v3 =	vld [tilespmem:$0x41F0]  }
0x53: {  	[tilespmem:$0x41A0] =	vst v0;
	v0 =	vadd.s32 $0xC00, v4  }
0x54: {  	[tilespmem:$0x41B0] =	vst v0;
	v0 =	vadd.s32 $0xC00, v5  }
0x55: {  	[tilespmem:$0x41C0] =	vst v0;
	v0 =	vadd.s32 $0xC00, v1  }
0x56: {  	[tilespmem:$0x41D0] =	vst v0;
	v0 =	vadd.s32 $0xC00, v2  }
0x57: {  	[tilespmem:$0x41E0] =	vst v0;
	v0 =	vadd.s32 $0xC00, v3  }
0x58: {  	s28 =	simm.s32 $0x4400;
	[tilespmem:$0x41F0] =	vst v0  }
0x59: {  	[tilespmem:s28], [sflag:$0x3] =	stream.indirect.gather [spmem:s3], $0x40, s12, s21, $0xb8;
	[tilespmem:$0x14400] =	vst v63  }
0x5a: {  	s29 =	simm.s32 $0x6400  }
0x5b: {  	[tilespmem:s29], [sflag:$0x3] =	stream.indirect.gather [spmem:s3], $0x40, s13, s21, $0xb8;
	[tilespmem:$0x14400] =	vst v63  }
0x5c: {  	s29 =	simm.s32 $0x8400  }
0x5d: {  	[tilespmem:s29], [sflag:$0x3] =	stream.indirect.gather [spmem:s3], $0x40, s14, s21, $0xb8;
	[tilespmem:$0x14400] =	vst v63  }
0x5e: {  	s29 =	simm.s32 $0xA400  }
0x5f: {  	[tilespmem:s29], [sflag:$0x3] =	stream.indirect.gather [spmem:s3], $0x40, s15, s21, $0xb8;
	[tilespmem:$0x14400] =	vst v63  }
0x60: {  	_ =	swait.ge [sflag:s25], $0x80  }
0x61: {  	[sflag:s25] =	ssyncset.done $0x0  }
0x62: {  	[sflag:s25] =	ssyncadd.s32 $0xFFFFFF80  }
0x63: {  	_ =	swait.ge [sflag:s25], $0x80  }
0x64: {  	[sflag:s25] =	ssyncset.done $0x0  }
0x65: {  	[sflag:s25] =	ssyncadd.s32 $0xFFFFFF80  }
0x66: {  	_ =	swait.ge [sflag:s25], $0x80  }
0x67: {  	[sflag:s25] =	ssyncset.done $0x0  }
0x68: {  	[sflag:s25] =	ssyncadd.s32 $0xFFFFFF80  }
0x69: {  	_ =	swait.ge [sflag:s25], $0x80  }
0x6a: {  	[sflag:s25] =	ssyncset.done $0x0  }
0x6b: {  	[sflag:s25] =	ssyncadd.s32 $0xFFFFFF80  }
0x6c: {  	v0 =	vld [tilespmem:$0x4280]  }
0x6d: {  	v1 =	vld [tilespmem:$0x4290]  }
0x6e: {  	v2 =	vld [tilespmem:$0x42A0]  }
0x6f: {  	v3 =	vld [tilespmem:$0x42B0]  }
0x70: {  	v4 =	vld [tilespmem:$0x42C0]  }
0x71: {  	v5 =	vld [tilespmem:$0x42D0];
	v0 =	vadd.s32 $0x400, v0  }
0x72: {  	[tilespmem:$0x4280] =	vst v0;
	v0 =	vadd.s32 $0x400, v1;
	v1 =	vld [tilespmem:$0x42E0]  }
0x73: {  	[tilespmem:$0x4290] =	vst v0;
	v0 =	vadd.s32 $0x400, v2;
	v2 =	vld [tilespmem:$0x42F0]  }
0x74: {  	[tilespmem:$0x42A0] =	vst v0;
	v0 =	vadd.s32 $0x400, v3;
	v3 =	vld [tilespmem:$0x4300]  }
0x75: {  	[tilespmem:$0x42B0] =	vst v0;
	v0 =	vadd.s32 $0x400, v4;
	v4 =	vld [tilespmem:$0x4310]  }
0x76: {  	[tilespmem:$0x42C0] =	vst v0;
	v0 =	vadd.s32 $0x400, v5;
	v5 =	vld [tilespmem:$0x4320]  }
0x77: {  	[tilespmem:$0x42D0] =	vst v0;
	v0 =	vadd.s32 $0x400, v1;
	v1 =	vld [tilespmem:$0x4330]  }
0x78: {  	[tilespmem:$0x42E0] =	vst v0;
	v0 =	vadd.s32 $0x400, v2;
	v2 =	vld [tilespmem:$0x4340]  }
0x79: {  	[tilespmem:$0x42F0] =	vst v0;
	v0 =	vadd.s32 $0x800, v3;
	v3 =	vld [tilespmem:$0x4350]  }
0x7a: {  	[tilespmem:$0x4300] =	vst v0;
	v0 =	vadd.s32 $0x800, v4;
	v4 =	vld [tilespmem:$0x4360]  }
0x7b: {  	[tilespmem:$0x4310] =	vst v0;
	v0 =	vadd.s32 $0x800, v5;
	v5 =	vld [tilespmem:$0x4370]  }
0x7c: {  	[tilespmem:$0x4320] =	vst v0;
	v0 =	vadd.s32 $0x800, v1;
	v1 =	vld [tilespmem:$0x4380]  }
0x7d: {  	[tilespmem:$0x4330] =	vst v0;
	v0 =	vadd.s32 $0x800, v2;
	v2 =	vld [tilespmem:$0x4390]  }
0x7e: {  	[tilespmem:$0x4340] =	vst v0;
	v0 =	vadd.s32 $0x800, v3;
	v3 =	vld [tilespmem:$0x43A0]  }
0x7f: {  	[tilespmem:$0x4350] =	vst v0;
	v0 =	vadd.s32 $0x800, v4;
	v4 =	vld [tilespmem:$0x43B0]  }
0x80: {  	[tilespmem:$0x4360] =	vst v0;
	v0 =	vadd.s32 $0x800, v5;
	v5 =	vld [tilespmem:$0x43C0]  }
0x81: {  	[tilespmem:$0x4370] =	vst v0;
	v0 =	vadd.s32 $0xC00, v1;
	v1 =	vld [tilespmem:$0x43D0]  }
0x82: {  	[tilespmem:$0x4380] =	vst v0;
	v0 =	vadd.s32 $0xC00, v2;
	v2 =	vld [tilespmem:$0x43E0]  }
0x83: {  	[tilespmem:$0x4390] =	vst v0;
	v0 =	vadd.s32 $0xC00, v3;
	v3 =	vld [tilespmem:$0x43F0]  }
0x84: {  	[tilespmem:$0x43A0] =	vst v0;
	v0 =	vadd.s32 $0xC00, v4  }
0x85: {  	[tilespmem:$0x43B0] =	vst v0;
	v0 =	vadd.s32 $0xC00, v5  }
0x86: {  	[tilespmem:$0x43C0] =	vst v0;
	v0 =	vadd.s32 $0xC00, v1  }
0x87: {  	[tilespmem:$0x43D0] =	vst v0;
	v0 =	vadd.s32 $0xC00, v2  }
0x88: {  	[tilespmem:$0x43E0] =	vst v0;
	v0 =	vadd.s32 $0xC00, v3  }
0x89: {  	[tilespmem:$0x43F0] =	vst v0  }
0x8a: {  	[tilespmem:s26], [sflag:$0x4] =	stream.indirect.gather [spmem:s3], $0x40, s16, s21, $0xb8;
	[tilespmem:$0x14400] =	vst v63  }
0x8b: {  	s29 =	simm.s32 $0xE400  }
0x8c: {  	[tilespmem:s29], [sflag:$0x4] =	stream.indirect.gather [spmem:s3], $0x40, s17, s21, $0xb8;
	[tilespmem:$0x14400] =	vst v63  }
0x8d: {  	s29 =	simm.s32 $0x10400  }
0x8e: {  	[tilespmem:s29], [sflag:$0x4] =	stream.indirect.gather [spmem:s3], $0x40, s18, s21, $0xb8;
	[tilespmem:$0x14400] =	vst v63  }
0x8f: {  	s29 =	simm.s32 $0x12400  }
0x90: {  	[tilespmem:s29], [sflag:$0x4] =	stream.indirect.gather [spmem:s3], $0x40, s19, s21, $0xb8;
	[tilespmem:$0x14400] =	vst v63  }
0x91: {  	_ =	swait.ge [sflag:s31], $0x2000  }
0x92: {  	[sflag:s31] =	ssyncset.done $0x0  }
0x93: {  	[sflag:s31] =	ssyncadd.s32 $0xFFFFE000  }
0x94: {  	_ =	swait.ge [sflag:s31], $0x2000  }
0x95: {  	[sflag:s31] =	ssyncset.done $0x0  }
0x96: {  	[sflag:s31] =	ssyncadd.s32 $0xFFFFE000  }
0x97: {  	_ =	swait.ge [sflag:s31], $0x2000  }
0x98: {  	[sflag:s31] =	ssyncset.done $0x0  }
0x99: {  	[sflag:s31] =	ssyncadd.s32 $0xFFFFE000  }
0x9a: {  	_ =	swait.ge [sflag:s31], $0x2000  }
0x9b: {  	[sflag:s31] =	ssyncset.done $0x0  }
0x9c: {  	[sflag:s31] =	ssyncadd.s32 $0xFFFFE000  }
0x9d: {  	v0 =	vld [tilespmem:s28+$0x2060]  }
0x9e: {  	v1 =	vld [tilespmem:s28+$0x6070]  }
0x9f: {  	v2 =	vld [tilespmem:s28+$0x4070]  }
0xa0: {  	v3 =	vld [tilespmem:s28+$0x2070]  }
0xa1: {  	v4 =	vld [tilespmem:s28+$0x70]  }
0xa2: {  	v5 =	vld [tilespmem:s28+$0x2000]  }
0xa3: {  	v6 =	vld [tilespmem:s28+$0x4000]  }
0xa4: {  	v7 =	vld [tilespmem:s28+$0x0]  }
0xa5: {  	v8 =	vld [tilespmem:s28+$0x6000]  }
0xa6: {  	v9 =	vld [tilespmem:s28+$0x60]  }
0xa7: {  	v10 =	vld [tilespmem:s28+$0x10]  }
0xa8: {  	v11 =	vld [tilespmem:s28+$0x2010]  }
0xa9: {  	v12 =	vld [tilespmem:s28+$0x4010]  }
0xaa: {  	v13 =	vld [tilespmem:s28+$0x6010]  }
0xab: {  	v14 =	vld [tilespmem:s28+$0x30]  }
0xac: {  	v15 =	vld [tilespmem:s28+$0x4030]  }
0xad: {  	v16 =	vld [tilespmem:s28+$0x6030]  }
0xae: {  	v17 =	vld [tilespmem:s28+$0x6050]  }
0xaf: {  	v18 =	vld [tilespmem:s28+$0x2030]  }
0xb0: {  	v19 =	vld [tilespmem:s28+$0x2020]  }
0xb1: {  	v20 =	vld [tilespmem:s28+$0x4050]  }
0xb2: {  	v21 =	vld [tilespmem:s28+$0x4040]  }
0xb3: {  	v22 =	vld [tilespmem:s28+$0x6040]  }
0xb4: {  	v23 =	vld [tilespmem:s28+$0x40];
	v1 =	vadd.f32 v1, v2  }
0xb5: {  	v2 =	vadd.f32 v3, v4;
	v4 =	vld [tilespmem:s28+$0x20];
	v6 =	vadd.f32 v8, v6  }
0xb6: {  	v8 =	vadd.f32 v13, v12;
	v12 =	vld [tilespmem:s28+$0x2040];
	v13 =	vadd.f32 v18, v14  }
0xb7: {  	v10 =	vadd.f32 v11, v10;
	v3 =	vld [tilespmem:s28+$0x4020];
	v5 =	vadd.f32 v5, v7  }
0xb8: {  	v7 =	vld [tilespmem:s28+$0x6020];
	v0 =	vadd.f32 v0, v9;
	v9 =	vadd.f32 v16, v15  }
0xb9: {  	v1 =	vadd.f32 v1, v2;
	v14 =	vadd.f32 v8, v10;
	v8 =	vld [tilespmem:s28+$0x50]  }
0xba: {  	v10 =	vadd.f32 v22, v21;
	v2 =	vadd.f32 v19, v4;
	v4 =	vld [tilespmem:s28+$0x2050]  }
0xbb: {  	v11 =	vadd.f32 v6, v5;
	v5 =	vld [tilespmem:s28+$0x6060];
	v6 =	vadd.f32 v9, v13;
	[tilespmem:s28+$0x70] =	vst v1  }
0xbc: {  	s30 =	simm.s32 $0x4480;
	s29 =	simm.s32 $0x0;
	v9 =	vld [tilespmem:s28+$0x4060];
	v1 =	vadd.f32 v17, v20;
	[tilespmem:s28+$0x10] =	vst v14;
	v12 =	vadd.f32 v12, v23  }
.LBB2_3:
0xbd: {  	v13 =	vld [tilespmem:s30+$0x2060];
	s29 =	sadd.s32 $0x2, s29;
	[tilespmem:s28+$0x0] =	vst v11  }
0xbe: {  	v11 =	vld [tilespmem:s30+$0x6070];
	p1 =	slt.u32 s29, $0x7E;
	v3 =	vadd.f32 v7, v3;
	v7 =	vadd.f32 v10, v12  }
0xbf: {  	v10 =	vld [tilespmem:s30+$0x4070];
	v4 =	vadd.f32 v4, v8  }
0xc0: {  	v8 =	vld [tilespmem:s30+$0x2070];
	v2 =	vadd.f32 v3, v2;
	[tilespmem:s28+$0x40] =	vst v7  }
0xc1: {  	v3 =	vld [tilespmem:s30+$0x70];
	[tilespmem:s28+$0x30] =	vst v6;
	v1 =	vadd.f32 v1, v4;
	v4 =	vadd.f32 v5, v9  }
0xc2: {  	v5 =	vld [tilespmem:s30+$0x2000];
	[tilespmem:s28+$0x20] =	vst v2  }
0xc3: {  	v2 =	vld [tilespmem:s30+$0x4000];
	[tilespmem:s28+$0x50] =	vst v1;
	v0 =	vadd.f32 v4, v0  }
0xc4: {  	v6 =	vld [tilespmem:s30+$0x0];
	v1 =	vadd.f32 v11, v10  }
0xc5: {  	v4 =	vld [tilespmem:s30+$0x6000];
	[tilespmem:s28+$0x60] =	vst v0;
	s28 =	smov.u32 s30  }
0xc6: {  	v0 =	vld [tilespmem:s30+$0x60];
	v3 =	vadd.f32 v8, v3  }
0xc7: {  	v7 =	vld [tilespmem:s30+$0x10]  }
0xc8: {  	v8 =	vld [tilespmem:s30+$0x2010];
	v1 =	vadd.f32 v1, v3  }
0xc9: {  	v3 =	vld [tilespmem:s30+$0x4010]  }
0xca: {  	v9 =	vadd.f32 v4, v2;
	v2 =	vld [tilespmem:s30+$0x6010];
	[tilespmem:s30+$0x70] =	vst v1  }
0xcb: {  	v1 =	vld [tilespmem:s30+$0x30]  }
0xcc: {  	v10 =	vld [tilespmem:s30+$0x4030]  }
0xcd: {  	v11 =	vld [tilespmem:s30+$0x6030]  }
0xce: {  	v4 =	vld [tilespmem:s30+$0x6050]  }
0xcf: {  	v12 =	vld [tilespmem:s30+$0x2030]  }
0xd0: {  	v14 =	vld [tilespmem:s30+$0x20]  }
0xd1: {  	v15 =	vld [tilespmem:s30+$0x2020]  }
0xd2: {  	v16 =	vld [tilespmem:s30+$0x4050]  }
0xd3: {  	v17 =	vld [tilespmem:s30+$0x4040]  }
0xd4: {  	v18 =	vadd.f32 v2, v3;
	v12 =	vadd.f32 v12, v1;
	v19 =	vld [tilespmem:s30+$0x6040]  }
0xd5: {  	v20 =	vld [tilespmem:s30+$0x40]  }
0xd6: {  	v7 =	vadd.f32 v8, v7;
	v21 =	vld [tilespmem:s30+$0x2040]  }
0xd7: {  	v2 =	vadd.f32 v15, v14;
	v3 =	vld [tilespmem:s30+$0x4020];
	v1 =	vadd.f32 v4, v16  }
.Ltmp0:
0xd8: {  	v0 =	vadd.f32 v13, v0;
	v8 =	vadd.f32 v18, v7;
	v4 =	vld [tilespmem:s30+$0x2050];
	(pc) =	sbr.rel @p1 .LBB2_3-.Ltmp0, $4  }
0xd9: {  	v5 =	vadd.f32 v5, v6;
	v6 =	vadd.f32 v11, v10;
	v7 =	vld [tilespmem:s30+$0x6020]  }
0xda: {  	v10 =	vadd.f32 v19, v17;
	[tilespmem:s30+$0x10] =	vst v8;
	v8 =	vld [tilespmem:s30+$0x50]  }
0xdb: {  	v11 =	vadd.f32 v9, v5;
	v6 =	vadd.f32 v6, v12;
	v5 =	vld [tilespmem:s30+$0x6060]  }
0xdc: {  	v12 =	vadd.f32 v21, v20;
	s30 =	sadd.s32 $0x80, s30;
	v9 =	vld [tilespmem:s28+$0x4060]  }
0xdd: {  	_ =	sdelay $0x1  }
0xde: {  	v3 =	vadd.f32 v7, v3  }
0xdf: {  	[tilespmem:s28+$0x0] =	vst v11;
	v7 =	vadd.f32 v10, v12;
	v4 =	vadd.f32 v4, v8  }
0xe0: {  	[tilespmem:s28+$0x30] =	vst v6;
	v2 =	vadd.f32 v3, v2;
	v3 =	vadd.f32 v5, v9  }
0xe1: {  	[tilespmem:s28+$0x40] =	vst v7;
	v1 =	vadd.f32 v1, v4  }
0xe2: {  	[tilespmem:s28+$0x20] =	vst v2;
	v0 =	vadd.f32 v3, v0  }
0xe3: {  	s24 =	sshll.u32 s24, $0x3;
	[tilespmem:s28+$0x50] =	vst v1  }
0xe4: {  	s24 =	sadd.s32 s2, s24;
	[tilespmem:s28+$0x60] =	vst v0  }
0xe5: {  	[hbm4b:s24+s4] =	stream.linear.scatter [tilespmem:s0], [sflag:$0x5], $0x2000, $0x38;
	[tilespmem:$0x14400] =	vst v63  }
0xe6: {  	_ =	swait.ge [sflag:s5], $0x2000  }
0xe7: {  	[sflag:s5] =	ssyncset.done $0x0  }
0xe8: {  	[sflag:s5] =	ssyncadd.s32 $0xFFFFE000  }
0xe9: {  	_ =	swait.ge [sflag:s5], $0x2000  }
0xea: {  	[sflag:s5] =	ssyncset.done $0x0  }
0xeb: {  	[sflag:s5] =	ssyncadd.s32 $0xFFFFE000  }
0xec: {  	_ =	swait.ge [sflag:s5], $0x2000  }
0xed: {  	[sflag:s5] =	ssyncset.done $0x0  }
0xee: {  	[sflag:s5] =	ssyncadd.s32 $0xFFFFE000  }
0xef: {  	_ =	swait.ge [sflag:s5], $0x2000  }
0xf0: {  	[sflag:s5] =	ssyncset.done $0x0  }
0xf1: {  	s24 =	simm.s32 $0xC400;
	[sflag:s5] =	ssyncadd.s32 $0xFFFFE000  }
0xf2: {  	v0 =	vld [tilespmem:s24+$0x2060]  }
0xf3: {  	v1 =	vld [tilespmem:s24+$0x6070]  }
0xf4: {  	v2 =	vld [tilespmem:s24+$0x4070]  }
0xf5: {  	v3 =	vld [tilespmem:s24+$0x2070]  }
0xf6: {  	v4 =	vld [tilespmem:s24+$0x70]  }
0xf7: {  	v5 =	vld [tilespmem:s24+$0x2000]  }
0xf8: {  	v6 =	vld [tilespmem:s24+$0x4000]  }
0xf9: {  	v7 =	vld [tilespmem:s24+$0x0]  }
0xfa: {  	v8 =	vld [tilespmem:s24+$0x6000]  }
0xfb: {  	v9 =	vld [tilespmem:s24+$0x60]  }
0xfc: {  	v10 =	vld [tilespmem:s24+$0x10]  }
0xfd: {  	v11 =	vld [tilespmem:s24+$0x2010]  }
0xfe: {  	v12 =	vld [tilespmem:s24+$0x4010]  }
0xff: {  	v13 =	vld [tilespmem:s24+$0x6010]  }
0x100: {  	v14 =	vld [tilespmem:s24+$0x30]  }
0x101: {  	v15 =	vld [tilespmem:s24+$0x4030]  }
0x102: {  	v16 =	vld [tilespmem:s24+$0x6030]  }
0x103: {  	v17 =	vld [tilespmem:s24+$0x6050]  }
0x104: {  	v18 =	vld [tilespmem:s24+$0x2030]  }
0x105: {  	v19 =	vld [tilespmem:s24+$0x2020]  }
0x106: {  	v20 =	vld [tilespmem:s24+$0x4050]  }
0x107: {  	v21 =	vld [tilespmem:s24+$0x4040]  }
0x108: {  	v22 =	vld [tilespmem:s24+$0x6040]  }
0x109: {  	v23 =	vld [tilespmem:s24+$0x40];
	v1 =	vadd.f32 v1, v2  }
0x10a: {  	v2 =	vadd.f32 v3, v4;
	v4 =	vld [tilespmem:s24+$0x20];
	v6 =	vadd.f32 v8, v6  }
0x10b: {  	v8 =	vadd.f32 v13, v12;
	v12 =	vld [tilespmem:s24+$0x2040];
	v13 =	vadd.f32 v18, v14  }
0x10c: {  	v10 =	vadd.f32 v11, v10;
	v3 =	vld [tilespmem:s24+$0x4020];
	v5 =	vadd.f32 v5, v7  }
0x10d: {  	v7 =	vld [tilespmem:s24+$0x6020];
	v0 =	vadd.f32 v0, v9;
	v9 =	vadd.f32 v16, v15  }
0x10e: {  	v1 =	vadd.f32 v1, v2;
	v14 =	vadd.f32 v8, v10;
	v8 =	vld [tilespmem:s24+$0x50]  }
0x10f: {  	v10 =	vadd.f32 v22, v21;
	v2 =	vadd.f32 v19, v4;
	v4 =	vld [tilespmem:s24+$0x2050]  }
0x110: {  	v11 =	vadd.f32 v6, v5;
	v5 =	vld [tilespmem:s24+$0x6060];
	v6 =	vadd.f32 v9, v13;
	[tilespmem:s24+$0x70] =	vst v1  }
0x111: {  	s29 =	simm.s32 $0xC480;
	s28 =	simm.s32 $0x0;
	v9 =	vld [tilespmem:s24+$0x4060];
	v1 =	vadd.f32 v17, v20;
	[tilespmem:s24+$0x10] =	vst v14;
	v12 =	vadd.f32 v12, v23  }
.LBB2_5:
0x112: {  	v13 =	vld [tilespmem:s29+$0x2060];
	s28 =	sadd.s32 $0x2, s28;
	[tilespmem:s24+$0x0] =	vst v11  }
0x113: {  	v11 =	vld [tilespmem:s29+$0x6070];
	p1 =	slt.u32 s28, $0x7E;
	v3 =	vadd.f32 v7, v3;
	v7 =	vadd.f32 v10, v12  }
0x114: {  	v10 =	vld [tilespmem:s29+$0x4070];
	v4 =	vadd.f32 v4, v8  }
0x115: {  	v8 =	vld [tilespmem:s29+$0x2070];
	v2 =	vadd.f32 v3, v2;
	[tilespmem:s24+$0x40] =	vst v7  }
0x116: {  	v3 =	vld [tilespmem:s29+$0x70];
	[tilespmem:s24+$0x30] =	vst v6;
	v1 =	vadd.f32 v1, v4;
	v4 =	vadd.f32 v5, v9  }
0x117: {  	v5 =	vld [tilespmem:s29+$0x2000];
	[tilespmem:s24+$0x20] =	vst v2  }
0x118: {  	v2 =	vld [tilespmem:s29+$0x4000];
	[tilespmem:s24+$0x50] =	vst v1;
	v0 =	vadd.f32 v4, v0  }
0x119: {  	v6 =	vld [tilespmem:s29+$0x0];
	v1 =	vadd.f32 v11, v10  }
0x11a: {  	v4 =	vld [tilespmem:s29+$0x6000];
	[tilespmem:s24+$0x60] =	vst v0;
	s24 =	smov.u32 s29  }
0x11b: {  	v0 =	vld [tilespmem:s29+$0x60];
	v3 =	vadd.f32 v8, v3  }
0x11c: {  	v7 =	vld [tilespmem:s29+$0x10]  }
0x11d: {  	v8 =	vld [tilespmem:s29+$0x2010];
	v1 =	vadd.f32 v1, v3  }
0x11e: {  	v3 =	vld [tilespmem:s29+$0x4010]  }
0x11f: {  	v9 =	vadd.f32 v4, v2;
	v2 =	vld [tilespmem:s29+$0x6010];
	[tilespmem:s29+$0x70] =	vst v1  }
0x120: {  	v1 =	vld [tilespmem:s29+$0x30]  }
0x121: {  	v10 =	vld [tilespmem:s29+$0x4030]  }
0x122: {  	v11 =	vld [tilespmem:s29+$0x6030]  }
0x123: {  	v4 =	vld [tilespmem:s29+$0x6050]  }
0x124: {  	v12 =	vld [tilespmem:s29+$0x2030]  }
0x125: {  	v14 =	vld [tilespmem:s29+$0x20]  }
0x126: {  	v15 =	vld [tilespmem:s29+$0x2020]  }
0x127: {  	v16 =	vld [tilespmem:s29+$0x4050]  }
0x128: {  	v17 =	vld [tilespmem:s29+$0x4040]  }
0x129: {  	v18 =	vadd.f32 v2, v3;
	v12 =	vadd.f32 v12, v1;
	v19 =	vld [tilespmem:s29+$0x6040]  }
0x12a: {  	v20 =	vld [tilespmem:s29+$0x40]  }
0x12b: {  	v7 =	vadd.f32 v8, v7;
	v21 =	vld [tilespmem:s29+$0x2040]  }
0x12c: {  	v2 =	vadd.f32 v15, v14;
	v3 =	vld [tilespmem:s29+$0x4020];
	v1 =	vadd.f32 v4, v16  }
.Ltmp1:
0x12d: {  	v0 =	vadd.f32 v13, v0;
	v8 =	vadd.f32 v18, v7;
	v4 =	vld [tilespmem:s29+$0x2050];
	(pc) =	sbr.rel @p1 .LBB2_5-.Ltmp1, $4  }
0x12e: {  	v5 =	vadd.f32 v5, v6;
	v6 =	vadd.f32 v11, v10;
	v7 =	vld [tilespmem:s29+$0x6020]  }
0x12f: {  	v10 =	vadd.f32 v19, v17;
	[tilespmem:s29+$0x10] =	vst v8;
	v8 =	vld [tilespmem:s29+$0x50]  }
0x130: {  	v11 =	vadd.f32 v9, v5;
	v6 =	vadd.f32 v6, v12;
	v5 =	vld [tilespmem:s29+$0x6060]  }
0x131: {  	v12 =	vadd.f32 v21, v20;
	s29 =	sadd.s32 $0x80, s29;
	v9 =	vld [tilespmem:s24+$0x4060]  }
0x132: {  	_ =	sdelay $0x1  }
0x133: {  	v3 =	vadd.f32 v7, v3  }
0x134: {  	[tilespmem:s24+$0x0] =	vst v11;
	v62 =	vadd.f32 v10, v12;
	v4 =	vadd.f32 v4, v8  }
0x135: {  	[tilespmem:s24+$0x30] =	vst v6;
	v2 =	vadd.f32 v3, v2;
	v63 =	vadd.f32 v5, v9  }
0x136: {  	[tilespmem:s24+$0x40] =	vst v62;
	v1 =	vadd.f32 v1, v4  }
0x137: {  	s23 =	sshll.u32 s23, $0x3;
	[tilespmem:s24+$0x20] =	vst v2;
	v0 =	vadd.f32 v63, v0  }
0x138: {  	s23 =	sand.u32 $0x1FFFFC00, s23;
	[tilespmem:s24+$0x50] =	vst v1  }
0x139: {  	s22 =	sadd.s32 $0x1, s22;
	s23 =	sadd.s32 s2, s23;
	[tilespmem:s24+$0x60] =	vst v0  }
0x13a: {  	[hbm4b:s23+s4] =	stream.linear.scatter [tilespmem:s26], [sflag:$0x6], $0x2000, $0x38;
	[tilespmem:$0x14400] =	vst v63  }
0x13b: {  	p1 =	sne.s32 s22, $0x19;
	_ =	swait.ge [sflag:s10], $0x2000  }
.Ltmp2:
0x13c: {  	[sflag:s10] =	ssyncset.done $0x0;
	(pc) =	sbr.rel @p1 .LBB2_2-.Ltmp2, $4  }
0x13d: {  	[sflag:s10] =	ssyncadd.s32 $0xFFFFE000  }
0x13e: {  	_ =	swait.ge [sflag:s11], $0x2000  }
0x13f: {  	[sflag:s11] =	ssyncset.done $0x0  }
0x140: {  	[sflag:s11] =	ssyncadd.s32 $0xFFFFE000  }
0x141: {  	s23 =	rddreg [dreg:$0x8]  }
0x142: {  	s22 =	rddreg [dreg:$0x6];
	s23 =	sadd.s32 $0x1, s23  }
0x143: {  	p1 =	sne.s32 s23, s22  }
.Ltmp3:
0x144: {  	_ = 	snop;
	(pc) =	sbr.rel @p1 .LBB2_1-.Ltmp3, $1  }
0x145: {  	_ =	sdelay $0x3  }
0x146: {  	_ =	sfence.sel $0x180000  }
0x147: {  	[bflag:$0x0] =	sbarrier.arrive $0xFFFF  }
0x148: {  	_ =	strace $0x90000047  }
0x149: {  	[bflag:$0x2] =	sbarrier.arrive $0xFFFF  }
0x14a: {  	s0 =	rddreg [dreg:$0x4]  }
0x14b: {  	s0 =	sadd.s32 @!p0 $0x100000, s0  }
0x14c: {  	[sflag:s0] =	ssyncadd.tile.s32 @!p0 $0x1;
	_ =	shalt  }
.Lfunc_end2:
_tile_overlayer_lowered:
.L_overlay_start_2:
0x14d: {  	(tag) =	ssettag $0x2  }
0x14e: {  	s0 =	rddreg [dreg:$0x0];
	s2 =	stileid.u32  }
0x14f: {  	s1 =	rddreg [dreg:$0x1];
	p0 =	sne.s32 s2, $0x0  }
0x150: {  	s3 =	rddreg [dreg:$0x2];
	[bflag:$0x3] =	sbarrier.arrive $0xFFFF;
	s2 =	simm.s32 @!p0 $0x1C07  }
0x151: {  	[timem:s3], [sflag:s2] =	dma.local @!p0 [hbm:s0], s1  }
0x152: {  	s0 =	simm.s32 @!p0 $0x7  }
0x153: {  	_ =	swait.ge @!p0 [sflag:s0], s1  }
0x154: {  	s1 =	ssub.s32 @!p0 $0x0, s1;
	[sflag:s0] =	ssyncset.done @!p0 $0x0  }
0x155: {  	[sflag:s0] =	ssyncadd.s32 @!p0 s1  }
0x156: {  	[bflag:$0x3] =	sbarrier.arrive $0xFFFF  }
0x157: {  	_ =	shalt  }

// kernel: sparse-core-data-format-call.cloned.1.call-start
scs
called_computation_lowered:
.L_overlay_start_0:
0x0: {  	s2 =	sld [smem:$0x3FD9]  }
0x1: {  	s3 =	sld [smem:$0x3FFE];
	_ =	sdelay $0x1  }
0x2: {  	s1 =	srdreg.scid  }
0x3: {  	s0 =	sand.u32 $0x1, s1  }
0x4: {  	s15 =	sshll.u32 s0, $0xA;
	s2 =	sadd.s32 s3, s2  }
0x5: {  	s2 =	sadd.s32 s2, s15  }
0x6: {  	[smem:$0x3FB0] =	sst s2  }
0x7: {  	_ = 	snop  }
0x8: {  	s2 =	sld [smem:$0x3FD0];
	_ =	sdelay $0x2  }
0x9: {  	s16 =	simm.s32 $0xA;
	s4 =	simm.s32 $0x10  }
0xa: {  	[smem:s4], [sflag:s16] =	dma.local [hbm:s2], $0x1  }
0xb: {  	_ =	swait.eq [sflag:s16], $0x1  }
0xc: {  	[sflag:s16] =	ssyncset.done $0x0  }
0xd: {  	[sflag:s16] =	ssyncadd.s32 $0xFFFFFFFF  }
0xe: {  	s17 =	sld [smem:$0x10];
	(tm) =	ssettm $0x1  }
0xf: {  	s18 =	sld [smem:$0x3FFB];
	_ =	sdelay $0x3  }
0x10: {  	_ =	strace s18  }
0x11: {  	s3 =	sld [smem:$0x3FFC];
	_ =	sdelay $0x3  }
0x12: {  	_ =	strace s3  }
0x13: {  	s3 =	sld [smem:$0x3FFD];
	_ =	sdelay $0x3  }
0x14: {  	_ =	strace s3  }
0x15: {  	_ =	strace $0x8FFFFFFF  }
0x16: {  	s19 =	sld [smem:$0x3FDB];
	_ =	sdelay $0x1  }
0x17: {  	s20 =	simm.s32 $_scs_section_size  }
0x18: {  	s5 =	simm.s32 $_size__tile_overlayer_lowered;
	s6 =	simm.s32 $_tile_overlayer_lowered  }
0x19: {  	s23 =	simm.s32 $0x1BFF;
	s22 =	sshll.u32 s6, $0x1;
	s3 =	sadd.s32 s20, s19  }
0x1a: {  	s7 =	simm.s32 $0x0;
	s21 =	sshll.u32 s5, $0x1;
	s5 =	sadd.s32 s22, s3  }
0x1b: {  	[timem:s7], [sflag:s23] =	dma.local [hbm:s5], s21  }
0x1c: {  	_ =	swait.ge [sflag:s23], s21  }
0x1d: {  	s4 =	ssub.s32 $0x0, s21;
	[sflag:s23] =	ssyncset.done $0x0  }
0x1e: {  	[sflag:s23] =	ssyncadd.s32 s4;
	_ =	sdelay $0x1  }
0x1f: {  	s24 =	simm.s32 $0x1B8B  }
0x20: {  	_ =	swait.ge [sflag:s24], $0x1  }
0x21: {  	[sflag:s24] =	ssyncset.done $0x0  }
0x22: {  	s26 =	simm.s32 $0x1B8E;
	s25 =	sld [smem:$0x3FFE];
	[sflag:s24] =	ssyncadd.s32 $0xFFFFFFFF  }
0x23: {  	s27 =	simm.s32 $execute0_lowered;
	[smem:$0x3FD2] =	sst s26  }
0x24: {  	s5 =	sshll.u32 s27, $0x1;
	_ =	strace $0x80000049;
	[dreg:$0x1] =	wrdreg $0xFFFFFFFF  }
0x25: {  	s28 =	simm.s32 $_size_execute0_lowered;
	s3 =	sadd.s32 s3, s5;
	[dreg:$0x0] =	wrdreg $0x0  }
0x26: {  	s5 =	sshll.u32 s28, $0x1;
	[dreg:$0x2] =	wrdreg s3  }
0x27: {  	[dreg:$0x3] =	wrdreg s5  }
0x28: {  	[dreg:$0x4] =	wrdreg $0xC0  }
0x29: {  	_ =	task [dreg:s7], $0x5FFFF  }
0x2a: {  	[dreg:$0x1] =	wrdreg $0xFFFFFFFF  }
0x2b: {  	[dreg:$0x0] =	wrdreg $0x60  }
0x2c: {  	[dreg:$0x2] =	wrdreg s25  }
0x2d: {  	[dreg:$0x3] =	wrdreg s17  }
0x2e: {  	[dreg:$0x4] =	wrdreg $0x9  }
0x2f: {  	_ =	task.clear_ibuf [dreg:s7], $0x5FFFF;
	_ =	strace $0x90000049  }
0x30: {  	s29 =	simm.s32 $0x9;
	_ =	strace $0x8000004B  }
0x31: {  	_ =	swait.ge [sflag:s29], $0x1  }
0x32: {  	[sflag:s29] =	ssyncadd.s32 $0xFFFFFFFF  }
0x33: {  	_ =	strace $0x9000004B  }
0x34: {  	_ =	sfence  }
0x35: {  	s30 =	sld [smem:$0x0];
	_ =	sdelay $0x2  }
0x36: {  	s31 =	sshll.u32 s1, $0xD;
	s1 =	sshrl.u32 s1, $0x2  }
0x37: {  	s3 =	sand.u32 $0x4000, s31;
	s1 =	sadd.s32 s1, s30  }
0x38: {  	s0 =	sor.u32 s3, s0;
	s1 =	sshll.u32 s1, $0x11  }
0x39: {  	s0 =	sor.u32 s1, s0  }
0x3a: {  	s0 =	sadd.s32 $0x8F2B, s0  }
0x3b: {  	[sflag:s0] =	ssyncadd.remote.s32 $0x1  }
0x3c: {  	_ =	sfence.sel $0xFFFF  }
0x3d: {  	[dreg:$0x0] =	wrdreg $0xFFFFFFFF;
	(pc) =	sbr.abs _section_cstart, $3  }
0x3e: {  	[dreg:$0x1] =	wrdreg $0xFFFFFFFF  }
0x3f: {  	_ =	task.clear_ibuf [dreg:s7], $0x2FFFF;
	_ =	strace $0x9FFFFFFF  }
0x40: {  	(tm) =	ssettm $0x7FFFFFFF  }
0x41: {  	_ =	shalt  }
tec
execute0_lowered:
.L_overlay_start_1:
0x0: {  	(tag) =	ssettag $0x1  }
0x1: {  	s0 =	stileid.u32;
	s6 =	rddreg [dreg:$0x0]  }
0x2: {  	s2 =	rddreg [dreg:$0x1];
	s5 =	srdreg.scid  }
0x3: {  	s31 =	simm.s32 $0x2;
	s13 =	simm.s32 $0x0;
	s1 =	sshll.u32 s0, $0x7  }
0x4: {  	s14 =	simm.s32 $0x0;
	s12 =	simm.s32 $0x0;
	s3 =	sand.u32 $0x380, s1  }
0x5: {  	s5 =	sshll.u32 s5, $0x4;
	s6 =	sadd.s32 $0x65F200, s6;
	s4 =	ssub.s32 $0x400, s3  }
0x6: {  	s1 =	rddreg [dreg:$0x2];
	_ =	strace $0x8000004A;
	s7 =	sand.u32 $0x380, s4  }
0x7: {  	s5 =	sand.u32 $0x10, s5;
	p0 =	sne.s32 s7, $0x0;
	s7 =	simm.s32 $0x1  }
.Ltmp0:
0x8: {  	s8 =	sshrl.u32 s4, $0xA;
	s7 =	simm.s32 @!p0 $0x0;
	(pc) =	sbr.rel .LBB1_1-.Ltmp0, $4  }
0x9: {  	s9 =	sor.u32 s0, s5;
	s4 =	simm.s32 $0x1;
	s30 =	sadd.s32 s7, s8  }
0xa: {  	s11 =	smov.u32 s3;
	[sflag:s4] =	ssyncpa.u1 $0x0;
	s5 =	smul.u32 $0x32, s30  }
0xb: {  	[sflag:s31] =	ssyncpa.u1 $0x0;
	p0 =	por $0x0, $0x0;
	s7 =	sshrl.u32 s9, $0x3  }
0xc: {  	s9 =	simm.s32 $0x2000;
	s10 =	smov.u32 s7;
	s8 =	sor.u32 $0x1, s5  }
.LBB1_4:
0xd: {  	s17 =	sand.u32 $0x1F80, s14;
	s13 =	sshll.u32 s13, $0xD  }
0xe: {  	[tilespmem:s16+$0x810 ss:$0x81] =	vst.msk $0xffff, v2;
	s18 =	sshrl.u32 s14, $0x3;
	s31 =	sand.u32 $0x7, s14;
	s17 =	sadd.s32 s2, s17  }
0xf: {  	[tilespmem:s16+$0x1020 ss:$0x81] =	vst.msk $0xffff, v0;
	s18 =	sand.u32 $0xF, s18;
	s14 =	sshll.u32 s31, $0x12;
	s13 =	sadd.s32 s13, s17  }
0x10: {  	[tilespmem:s16+$0x0 ss:$0x81] =	vst.msk $0xffff, v1;
	s14 =	sor.u32 $0x400, s14;
	s13 =	sadd.s32 s18, s13  }
0x11: {  	[hbm4b:s13+s14] =	stream.strided.scatter [tilespmem:s15], [sflag:$0x2], $0x2000, s9, s14, $0x20;
	[tilespmem:$0x8080] =	vst v63  }
.LBB1_5:
0x12: {  	s15 =	sadd.s32 $0x4, s10  }
0x13: {  	s13 =	sadd.s32 $0x400, s11;
	s17 =	smov.u32 s11;
	p2 =	sgt.s32 s15, $0xC7  }
0x14: {  	s17 =	smov.u32 @p2 s13  }
0x15: {  	s15 =	smov.u32 @p2 s7;
	p2 =	sgt.s32 s17, $0x3FF  }
0x16: {  	s17 =	smov.u32 @p2 s3;
	p2 =	sne.s32 s12, s8  }
.Ltmp1:
0x17: {  	p1 =	slt.u32 s12, $0x2;
	(pc) =	sbr.rel @!p2 .LBB1_6-.Ltmp1, $4  }
0x18: {  	s16 =	simm.s32 @!p1 $0x2  }
0x19: {  	s14 =	smov.u32 s11;
	p0 =	por !p0, !p0;
	_ =	swait.ge @!p1 [sflag:s16], $0x2000  }
0x1a: {  	s13 =	smov.u32 s10;
	[sflag:s16] =	ssyncset.done @!p1 $0x0;
	s10 =	smov.u32 s15  }
0x1b: {  	s12 =	sadd.s32 $0x1, s12;
	[sflag:s16] =	ssyncadd.s32 @!p1 $0xFFFFE000;
	s11 =	smov.u32 s17  }
.LBB1_1:
0x1c: {  	p1 =	sge.u32 s12, s5  }
0x1d: {  	s15 =	sand.u32 @!p1 $0x1FFFFFF, s10  }
0x1e: {  	s16 =	smulhi.u32 @!p1 $0x147AE15, s15;
	_ =	sdelay $0x1  }
0x1f: {  	s16 =	smul.u32 @!p1 $0xC8, s16  }
0x20: {  	s17 =	sxor.u32 @!p1 $0xFFFFFFFF, s12;
	s18 =	smul.u32 @!p1 $0xC80, s11  }
0x21: {  	s31 =	sadd.s32 $0xFFFFFFFF, s12;
	s17 =	sshll.u32 @!p1 s17, $0xD;
	s15 =	ssub.s32 @!p1 s15, s16  }
0x22: {  	s16 =	sand.u32 @!p1 $0x2000, s17;
	s17 =	sadd.s32 @!p1 s6, s18;
	s15 =	sshll.u32 @!p1 s15, $0x4  }
0x23: {  	s18 =	simm.s32 @!p1 $0x6400;
	s15 =	sadd.s32 @!p1 s15, s17;
	s17 =	simm.s32 @!p1 $0x40  }
0x24: {  	[tilespmem:s16], [sflag:$0x1] =	stream.strided.gather @!p1 [hbm4b:s15+s17], $0x2000, s18, s17, $0x38;
	[tilespmem:$0x8080] =	vst v63  }
0x25: {  	p1 =	sge.u32 s31, s5  }
.Ltmp2:
0x26: {  	_ = 	snop;
	(pc) =	sbr.rel @p1 .LBB1_5-.Ltmp2, $1  }
0x27: {  	_ =	sdelay $0x3  }
0x28: {  	s15 =	simm.s32 $0x1  }
0x29: {  	_ =	swait.ge [sflag:s4], $0x2000;
	s15 =	simm.s32 @!p0 $0x0  }
0x2a: {  	[sflag:s4] =	ssyncset.done $0x0;
	s16 =	sshll.u32 s15, $0xD  }
0x2b: {  	[sflag:s4] =	ssyncadd.s32 $0xFFFFE000;
	s19 =	sor.u32 $0x20, s16  }
0x2c: {  	s15 =	smul.u32 $0x8100, s15;
	v3 =	vld [tilespmem:s19+$0x10]  }
0x2d: {  	s30 =	sand.u32 $0x1, s12;
	v2 =	vld [tilespmem:s19+$0xFFFFFFF0]  }
0x2e: {  	s16 =	smul.u32 $0x8100, s30;
	s15 =	sshrl.u32 s15, $0x2;
	v0 =	vld [tilespmem:s19+$0x0]  }
0x2f: {  	v1 =	vld [tilespmem:s19+$0xFFFFFFE0];
	s17 =	sor.u32 $0x4000, s15  }
0x30: {  	s31 =	sshrl.u32 s16, $0x2;
	s16 =	sadd.s32 $0x0, s17  }
0x31: {  	s18 =	simm.s32 $0x4;
	s19 =	sadd.s32 $0x40, s19;
	s15 =	sor.u32 $0x4000, s31;
	[tilespmem:s16+$0x1830 ss:$0x81] =	vst.msk $0xffff, v3  }
.LBB1_3:
0x32: {  	v3 =	vld [tilespmem:s19+$0x10];
	p1 =	sne.s32 s18, $0x1FC;
	[tilespmem:s16+$0x810 ss:$0x81] =	vst.msk $0xffff, v2;
	s20 =	smov.u32 s18;
	s18 =	sadd.s32 $0x4, s18  }
.Ltmp3:
0x33: {  	v2 =	vld [tilespmem:s19+$0xFFFFFFF0];
	[tilespmem:s16+$0x1020 ss:$0x81] =	vst.msk $0xffff, v0;
	(pc) =	sbr.rel @p1 .LBB1_3-.Ltmp3, $4  }
0x34: {  	v0 =	vld [tilespmem:s19+$0x0];
	[tilespmem:s16+$0x0 ss:$0x81] =	vst.msk $0xffff, v1  }
0x35: {  	s16 =	sshra.s32 s20, $0x2;
	v1 =	vld [tilespmem:s19+$0xFFFFFFE0]  }
0x36: {  	s16 =	sadd.s32 s16, s17  }
0x37: {  	s19 =	sadd.s32 $0x40, s19;
	[tilespmem:s16+$0x1830 ss:$0x81] =	vst.msk $0xffff, v3  }
.Ltmp4:
0x38: {  	_ = 	snop;
	(pc) =	sbr.rel .LBB1_4-.Ltmp4, $1  }
0x39: {  	_ =	sdelay $0x3  }
.LBB1_6:
0x3a: {  	_ =	sfence.sel $0x180000  }
0x3b: {  	s2 =	simm.s32 $0x1;
	[bflag:$0x0] =	sbarrier.arrive $0xFFFF  }
0x3c: {  	s31 =	simm.s32 $0x2;
	[sflag:s2] =	ssyncpa.u1 $0x1  }
0x3d: {  	[sflag:s31] =	ssyncpa.u1 $0x1  }
0x3e: {  	p0 =	sne.s32 s0, $0x0;
	_ =	strace $0x9000004A  }
0x3f: {  	s0 =	sadd.s32 @!p0 $0x100000, s1;
	[bflag:$0x2] =	sbarrier.arrive $0xFFFF  }
0x40: {  	[sflag:s0] =	ssyncadd.tile.s32 @!p0 $0x1;
	_ =	shalt  }
.Lfunc_end1:
_tile_overlayer_lowered:
.L_overlay_start_2:
0x41: {  	(tag) =	ssettag $0x2  }
0x42: {  	s0 =	rddreg [dreg:$0x0];
	s2 =	stileid.u32  }
0x43: {  	s1 =	rddreg [dreg:$0x1];
	p0 =	sne.s32 s2, $0x0  }
0x44: {  	s3 =	rddreg [dreg:$0x2];
	[bflag:$0x3] =	sbarrier.arrive $0xFFFF;
	s2 =	simm.s32 @!p0 $0x1C01  }
0x45: {  	[timem:s3], [sflag:s2] =	dma.local @!p0 [hbm:s0], s1  }
0x46: {  	s0 =	simm.s32 @!p0 $0x1  }
0x47: {  	_ =	swait.ge @!p0 [sflag:s0], s1  }
0x48: {  	s1 =	ssub.s32 @!p0 $0x0, s1;
	[sflag:s0] =	ssyncset.done @!p0 $0x0  }
0x49: {  	[sflag:s0] =	ssyncadd.s32 @!p0 s1  }
0x4a: {  	[bflag:$0x3] =	sbarrier.arrive $0xFFFF  }
0x4b: {  	_ =	shalt  }

</sc_bundles>
